<compile_context>
chip_gen: v7x
topology: tpu7x:2x2x1
jax: 0.10.2.dev20260603
libtpu: 0.0.44.dev20260713+nightly
codegen_flags: <defaults>
</compile_context>

<pallas_src>
import functools

import jax
import jax.numpy as jnp
from jax import lax
from jax.experimental import pallas as pl
from jax.experimental.pallas import tpu as pltpu
from jax.experimental.pallas import tpu_sc as plsc

N = 10000
IN_CH = 256
OUT_CH = 256
H = 4
E = 160000

BLK = 400
GRID = N // BLK

NPASS = 9
NA = 10240
SA = NA // 16

K = 112
ET = 10080
EP = 16 * ET
CHF = ET // K
ETG = 5152
EG = 32 * ETG
CHG = ETG // K


def _tc1_body(x_ref, wv_ref, wa_ref, p_ref):
    xb = x_ref[...]
    a = jnp.dot(xb, wa_ref[...], preferred_element_type=jnp.float32)
    g = jnp.exp(a)
    vals = jnp.dot(xb, wv_ref[...], preferred_element_type=jnp.float32)
    for p in range(8):
        for h in range(H):
            c0 = h * OUT_CH + p * 32
            p_ref[p, :, h * 32:(h + 1) * 32] = vals[:, c0:c0 + 32] * g[:, h:h + 1]
    p_ref[8, :, 0:H] = g
    p_ref[8, :, H:128] = jnp.zeros((BLK, 128 - H), jnp.float32)


def _tc1(x, wv, wa):
    return pl.pallas_call(
        _tc1_body,
        grid=(GRID,),
        in_specs=[
            pl.BlockSpec((BLK, IN_CH), lambda i: (i, 0)),
            pl.BlockSpec((IN_CH, H * OUT_CH), lambda i: (0, 0)),
            pl.BlockSpec((IN_CH, H), lambda i: (0, 0)),
        ],
        out_specs=pl.BlockSpec((NPASS, BLK, 128), lambda i: (0, i, 0)),
        out_shape=jax.ShapeDtypeStruct((NPASS, N, 128), jnp.float32),
    )(x, wv, wa)


def _tc2_body(acc_ref, x_ref, wr_ref, br_ref, out_ref):
    s = acc_ref[8, :, 0:H] + acc_ref[9, :, 0:H]
    sinv = jnp.where(s > 0.0, 0.25 / s, 0.0)
    xb = x_ref[...]
    root = jnp.dot(xb, wr_ref[...], preferred_element_type=jnp.float32) + br_ref[...]
    cols = []
    for p in range(8):
        accp = acc_ref[p]
        seg = accp[:, 0:32] * sinv[:, 0:1]
        for h in range(1, H):
            seg = seg + accp[:, h * 32:(h + 1) * 32] * sinv[:, h:h + 1]
        cols.append(seg)
    out_ref[...] = jnp.concatenate(cols, axis=1) + root


def _tc2(acc, x, wr, br):
    return pl.pallas_call(
        _tc2_body,
        grid=(GRID,),
        in_specs=[
            pl.BlockSpec((NPASS + 1, BLK, 128), lambda i: (0, i, 0)),
            pl.BlockSpec((BLK, IN_CH), lambda i: (i, 0)),
            pl.BlockSpec((IN_CH, OUT_CH), lambda i: (0, 0)),
            pl.BlockSpec((1, OUT_CH), lambda i: (0, 0)),
        ],
        out_specs=pl.BlockSpec((BLK, OUT_CH), lambda i: (i, 0)),
        out_shape=jax.ShapeDtypeStruct((N, OUT_CH), jnp.float32),
    )(acc, x, wr, br)


_MESH = plsc.VectorSubcoreMesh(core_axis_name="c", subcore_axis_name="s")


@functools.partial(
    pl.kernel,
    mesh=_MESH,
    out_type=jax.ShapeDtypeStruct(((NPASS + 1) * NA, 128), jnp.float32),
    scratch_types=[
        pltpu.VMEM((ET,), jnp.int32),
        pltpu.VMEM((ET,), jnp.int32),
        pltpu.VMEM((K, 128), jnp.float32),
        pltpu.VMEM((K, 128), jnp.float32),
        pltpu.SemaphoreType.DMA,
        pltpu.SemaphoreType.DMA,
        pltpu.SemaphoreType.DMA,
        pltpu.SemaphoreType.DMA,
        pltpu.VMEM_SHARED((NA, 128), jnp.float32),
    ],
)
def _sc2(p_hbm, rowsf_hbm, col_hbm, rowsg_hbm, colg_hbm, z128_hbm,
         acc_hbm, row_v, col_v, b0, b1, g0, g1, s0, s1, acc):
    cid = lax.axis_index("c")
    sid = lax.axis_index("s")
    bufs = [b0, b1]
    gsems = [g0, g1]
    ssems = [s0, s1]

    def gissue(c, k):
        pltpu.async_copy(p_hbm.at[row_v.at[pl.ds(c * K, K)]], bufs[k], gsems[k])

    def gwait(k):
        pltpu.make_async_copy(
            p_hbm.at[row_v.at[pl.ds(0, K)]], bufs[k], gsems[k]
        ).wait()

    def scatter(c, k):
        for i in range(K // 16):
            cvec = col_v[pl.ds(c * K + i * 16, 16)]
            pltpu.async_copy(
                bufs[k].at[pl.ds(i * 16, 16)], acc.at[cvec], ssems[k], add=True
            )
        pltpu.make_async_copy(
            p_hbm.at[row_v.at[pl.ds(0, K)]], bufs[k], ssems[k]
        ).wait()

    def run_pass(nchunk, obase):
        pltpu.sync_copy(z128_hbm, acc.at[pl.ds(sid * SA, SA)])
        plsc.subcore_barrier()
        gissue(0, 0)
        gissue(1, 1)

        def body(j, carry):
            c0 = 2 * j
            gwait(0)
            scatter(c0, 0)

            @pl.when(c0 + 2 <= nchunk - 1)
            def _():
                gissue(c0 + 2, 0)

            gwait(1)
            scatter(c0 + 1, 1)

            @pl.when(c0 + 3 <= nchunk - 1)
            def _():
                gissue(c0 + 3, 1)

            return carry

        lax.fori_loop(0, nchunk // 2, body, 0)
        plsc.subcore_barrier()
        pltpu.sync_copy(
            acc.at[pl.ds(sid * SA, SA)],
            acc_hbm.at[pl.ds(obase + sid * SA, SA)],
        )
        plsc.subcore_barrier()

    pltpu.sync_copy(col_hbm.at[pl.ds(sid * ET, ET)], col_v)
    for p in range(4):
        pass_id = cid * 4 + p
        pltpu.sync_copy(
            rowsf_hbm.at[pl.ds(pass_id * EP + sid * ET, ET)], row_v
        )
        run_pass(CHF, pass_id * NA)

    wbase = (cid * 16 + sid) * ETG
    pltpu.sync_copy(rowsg_hbm.at[pl.ds(wbase, ETG)], row_v.at[pl.ds(0, ETG)])
    pltpu.sync_copy(colg_hbm.at[pl.ds(wbase, ETG)], col_v.at[pl.ds(0, ETG)])
    run_pass(CHG, (8 + cid) * NA)


@jax.jit
def kernel(x, edge_index, W_value, W_assign, b_assign, W_root, b_root):
    del b_assign
    row = edge_index[0].astype(jnp.int32)
    col = edge_index[1].astype(jnp.int32)

    P = _tc1(x, W_value, W_assign)

    padr = jnp.arange(EP - E, dtype=jnp.int32) % N
    padc = N + jnp.arange(EP - E, dtype=jnp.int32) % (NA - N)
    rowp = jnp.concatenate([row, padr])
    colp = jnp.concatenate([col, padc])
    rowsf = (rowp[None, :] + (jnp.arange(8, dtype=jnp.int32) * N)[:, None]).reshape(-1)
    padrg = jnp.arange(EG - E, dtype=jnp.int32) % N
    padcg = N + jnp.arange(EG - E, dtype=jnp.int32) % (NA - N)
    rowsg = jnp.concatenate([row + 8 * N, padrg + 8 * N])
    colg = jnp.concatenate([col, padcg])

    accU = _sc2(
        P.reshape(NPASS * N, 128), rowsf, colp, rowsg, colg,
        jnp.zeros((SA, 128), jnp.float32),
    )

    return _tc2(
        accU.reshape(NPASS + 1, NA, 128), x, W_root, b_root.reshape(1, OUT_CH)
    )

# --- scband reference (transcript-rebuilt; emitter-appended) ---
"""Pipeline reference for scband-fea-st-conv-936302871053 (READ-ONLY COPY).

The authoritative reference and input builder live on the scoring server;
editing this copy changes nothing except your own understanding.
"""

import jax, jax.numpy as jnp
import numpy as np

N_NODES = 10000
IN_CH = 256
OUT_CH = 256
HEADS = 4
N_EDGES = 160000


def edge_softmax(logits, col, num_nodes):
    # logits: [E, H]; softmax over edges grouped by destination node (col)
    m = jax.ops.segment_max(logits, col, num_segments=num_nodes)  # [N, H]
    ex = jnp.exp(logits - m[col])
    s = jax.ops.segment_sum(ex, col, num_segments=num_nodes)  # [N, H]
    return ex / (s[col] + 1e-16)


def setup_inputs(seed: int = 0) -> dict:
    key = jax.random.key(seed)
    k1, k2, k3, k4, k5, k6, k7 = jax.random.split(key, 7)
    x = jax.random.normal(k1, (N_NODES, IN_CH), dtype=jnp.float32)
    edge_index = jax.random.randint(k2, (2, N_EDGES), 0, N_NODES, dtype=jnp.int64)
    scale_v = 1.0 / np.sqrt(IN_CH)
    W_value = jax.random.normal(k3, (IN_CH, OUT_CH * HEADS), dtype=jnp.float32) * scale_v
    W_assign = jax.random.normal(k4, (IN_CH, HEADS), dtype=jnp.float32) * scale_v
    b_assign = jax.random.normal(k5, (HEADS,), dtype=jnp.float32) * scale_v
    W_root = jax.random.normal(k6, (IN_CH, OUT_CH), dtype=jnp.float32) * scale_v
    b_root = jax.random.normal(k7, (OUT_CH,), dtype=jnp.float32) * scale_v
    return {"x": x, "edge_index": edge_index, "W_value": W_value,
            "W_assign": W_assign, "b_assign": b_assign,
            "W_root": W_root, "b_root": b_root}


def reference(x, edge_index, W_value, W_assign, b_assign, W_root, b_root):
    n = x.shape[0]
    row, col = edge_index[0], edge_index[1]
    # value_linear (no bias), viewed as [N, heads, out_channels]
    values = (x @ W_value).reshape(n, HEADS, OUT_CH)
    # assign_linear on edge feature differences
    logits = (x[row] - x[col]) @ W_assign + b_assign  # [E, H]
    # per-head edge softmax grouped by destination node (vectorized over heads)
    weights = edge_softmax(logits, col, n)  # [E, H]
    # gather source values per edge, weight, scatter-add to destination
    msg = values[row] * weights[:, :, None]  # [E, H, C]
    agg = jax.ops.segment_sum(msg, col, num_segments=n)  # [N, H, C]
    return agg.mean(axis=1) + (x @ W_root + b_root)

if __name__ == "__main__":
    import jax
    _d = setup_inputs()
    print(jax.jit(kernel)(*tuple(_d.values())))

</pallas_src>

<mosaic_0001>
#map = affine_map<(d0, d1) -> (0, 0)>
#map1 = affine_map<(d0, d1) -> (0)>
module attributes {stable_mosaic.version = 14 : i64} {
  func.func @_sc2(%arg0: i32, %arg1: i32, %arg2: memref<90000x128xf32, #tpu.memory_space<hbm>>, %arg3: memref<1290240xi32, #tpu.memory_space<hbm>>, %arg4: memref<161280xi32, #tpu.memory_space<hbm>>, %arg5: memref<164864xi32, #tpu.memory_space<hbm>>, %arg6: memref<164864xi32, #tpu.memory_space<hbm>>, %arg7: memref<640x128xf32, #tpu.memory_space<hbm>>, %arg8: memref<102400x128xf32, #tpu.memory_space<hbm>>, %arg9: memref<10080xi32, #tpu.memory_space<vmem>>, %arg10: memref<10080xi32, #tpu.memory_space<vmem>>, %arg11: memref<112x128xf32, #tpu.memory_space<vmem>>, %arg12: memref<112x128xf32, #tpu.memory_space<vmem>>, %arg13: memref<!tpu.dma_semaphore, #tpu.memory_space<semaphore_mem>>, %arg14: memref<!tpu.dma_semaphore, #tpu.memory_space<semaphore_mem>>, %arg15: memref<!tpu.dma_semaphore, #tpu.memory_space<semaphore_mem>>, %arg16: memref<!tpu.dma_semaphore, #tpu.memory_space<semaphore_mem>>, %arg17: memref<10240x128xf32, #tpu.memory_space<vmem_shared>>) attributes {dimension_semantics = [#tpu.dimension_semantics<core_parallel>, #tpu.dimension_semantics<subcore_parallel>], iteration_bounds = array<i64: 2, 16>, scalar_prefetch = 0 : i64, scratch_operands = 9 : i64, tpu.core_type = #tpu.core_type<sc_vector_subcore>, window_params = [{transform_indices = #map}, {transform_indices = #map1}, {transform_indices = #map1}, {transform_indices = #map1}, {transform_indices = #map1}, {transform_indices = #map}, {transform_indices = #map}]} {
    %mul3A = arith.constant 10080 : i32
    %mul3A_0 = arith.muli %arg1, %mul3A : i32
    "tpu.region"() ({
      %run_scoped3A = tpu.sem_alloc : memref<!tpu.dma_semaphore, #tpu.memory_space<semaphore_mem>>
      %dma_start3A_180 = tpu.memref_slice %arg4[%mul3A_0] : memref<161280xi32, #tpu.memory_space<hbm>> -> memref<10080xi32, #tpu.memory_space<hbm>>
      %dma_start3A_181 = tpu.memref_slice %arg4[%mul3A_0] : memref<161280xi32, #tpu.memory_space<hbm>> -> memref<10080xi32, #tpu.memory_space<hbm>>
      tpu.enqueue_dma source(%dma_start3A_181 : memref<10080xi32, #tpu.memory_space<hbm>>) target(%arg10 : memref<10080xi32, #tpu.memory_space<vmem>>) target_semaphore(%run_scoped3A : memref<!tpu.dma_semaphore, #tpu.memory_space<semaphore_mem>>)
      %dma_wait3A = tpu.memref_slice %arg4[%mul3A_0] : memref<161280xi32, #tpu.memory_space<hbm>> -> memref<10080xi32, #tpu.memory_space<hbm>>
      %dma_wait3A_182 = tpu.memref_slice %arg4[%mul3A_0] : memref<161280xi32, #tpu.memory_space<hbm>> -> memref<10080xi32, #tpu.memory_space<hbm>>
      tpu.wait_dma2 semaphore(%run_scoped3A : memref<!tpu.dma_semaphore, #tpu.memory_space<semaphore_mem>>) src(%dma_wait3A_182 : memref<10080xi32, #tpu.memory_space<hbm>>) dst(%arg10 : memref<10080xi32, #tpu.memory_space<vmem>>)
      tpu.yield
    }) : () -> ()
    %mul3A_1 = arith.constant 4 : i32
    %mul3A_2 = arith.muli %arg0, %mul3A_1 : i32
    %add3A = arith.constant 0 : i32
    %add3A_3 = arith.addi %mul3A_2, %add3A : i32
    %mul3A_4 = arith.constant 161280 : i32
    %mul3A_5 = arith.muli %add3A_3, %mul3A_4 : i32
    %mul3A_6 = arith.constant 10080 : i32
    %mul3A_7 = arith.muli %arg1, %mul3A_6 : i32
    %add3A_8 = arith.addi %mul3A_5, %mul3A_7 : i32
    "tpu.region"() ({
      %run_scoped3A = tpu.sem_alloc : memref<!tpu.dma_semaphore, #tpu.memory_space<semaphore_mem>>
      %dma_start3A_180 = tpu.memref_slice %arg3[%add3A_8] : memref<1290240xi32, #tpu.memory_space<hbm>> -> memref<10080xi32, #tpu.memory_space<hbm>>
      %dma_start3A_181 = tpu.memref_slice %arg3[%add3A_8] : memref<1290240xi32, #tpu.memory_space<hbm>> -> memref<10080xi32, #tpu.memory_space<hbm>>
      tpu.enqueue_dma source(%dma_start3A_181 : memref<10080xi32, #tpu.memory_space<hbm>>) target(%arg9 : memref<10080xi32, #tpu.memory_space<vmem>>) target_semaphore(%run_scoped3A : memref<!tpu.dma_semaphore, #tpu.memory_space<semaphore_mem>>)
      %dma_wait3A = tpu.memref_slice %arg3[%add3A_8] : memref<1290240xi32, #tpu.memory_space<hbm>> -> memref<10080xi32, #tpu.memory_space<hbm>>
      %dma_wait3A_182 = tpu.memref_slice %arg3[%add3A_8] : memref<1290240xi32, #tpu.memory_space<hbm>> -> memref<10080xi32, #tpu.memory_space<hbm>>
      tpu.wait_dma2 semaphore(%run_scoped3A : memref<!tpu.dma_semaphore, #tpu.memory_space<semaphore_mem>>) src(%dma_wait3A_182 : memref<10080xi32, #tpu.memory_space<hbm>>) dst(%arg9 : memref<10080xi32, #tpu.memory_space<vmem>>)
      tpu.yield
    }) : () -> ()
    %mul3A_9 = arith.constant 10240 : i32
    %mul3A_10 = arith.muli %add3A_3, %mul3A_9 : i32
    %mul3A_11 = arith.constant 640 : i32
    %mul3A_12 = arith.muli %arg1, %mul3A_11 : i32
    "tpu.region"() ({
      %run_scoped3A = tpu.sem_alloc : memref<!tpu.dma_semaphore, #tpu.memory_space<semaphore_mem>>
      %dma_start3A_180 = arith.constant 0 : i32
      %dma_start3A_181 = tpu.memref_slice %arg17[%mul3A_12, %dma_start3A_180] : memref<10240x128xf32, #tpu.memory_space<vmem_shared>> -> memref<640x128xf32, #tpu.memory_space<vmem_shared>>
      tpu.enqueue_dma source(%arg7 : memref<640x128xf32, #tpu.memory_space<hbm>>) target(%dma_start3A_181 : memref<640x128xf32, #tpu.memory_space<vmem_shared>>) target_semaphore(%run_scoped3A : memref<!tpu.dma_semaphore, #tpu.memory_space<semaphore_mem>>)
      %dma_wait3A = arith.constant 0 : i32
      %dma_wait3A_182 = tpu.memref_slice %arg17[%mul3A_12, %dma_wait3A] : memref<10240x128xf32, #tpu.memory_space<vmem_shared>> -> memref<640x128xf32, #tpu.memory_space<vmem_shared>>
      tpu.wait_dma2 semaphore(%run_scoped3A : memref<!tpu.dma_semaphore, #tpu.memory_space<semaphore_mem>>) src(%arg7 : memref<640x128xf32, #tpu.memory_space<hbm>>) dst(%dma_wait3A_182 : memref<640x128xf32, #tpu.memory_space<vmem_shared>>)
      tpu.yield
    }) : () -> ()
    %barrier3A = arith.constant 0 : index
    tpu.barrier barrier_id(%barrier3A)
    %dma_start3A = arith.constant 0 : i32
    %dma_start3A_13 = tpu.memref_slice %arg9[%dma_start3A] : memref<10080xi32, #tpu.memory_space<vmem>> -> memref<112xi32, #tpu.memory_space<vmem>>
    %dma_start3A_14 = arith.constant 0 : i32
    %dma_start3A_15 = arith.constant 0 : i32
    %dma_start3A_16 = tpu.memref_slice %arg2[%dma_start3A_14, %dma_start3A_15] : memref<90000x128xf32, #tpu.memory_space<hbm>> -> memref<90000x128xf32, #tpu.memory_space<hbm>>
    tpu.enqueue_indirect_dma source(%dma_start3A_16 : memref<90000x128xf32, #tpu.memory_space<hbm>>) target(%arg11 : memref<112x128xf32, #tpu.memory_space<vmem>>) offsets(%dma_start3A_13 : memref<112xi32, #tpu.memory_space<vmem>>) semaphore(%arg13 : memref<!tpu.dma_semaphore, #tpu.memory_space<semaphore_mem>>)
    %dma_start3A_17 = arith.constant 112 : i32
    %dma_start3A_18 = tpu.memref_slice %arg9[%dma_start3A_17] : memref<10080xi32, #tpu.memory_space<vmem>> -> memref<112xi32, #tpu.memory_space<vmem>>
    %dma_start3A_19 = arith.constant 0 : i32
    %dma_start3A_20 = arith.constant 0 : i32
    %dma_start3A_21 = tpu.memref_slice %arg2[%dma_start3A_19, %dma_start3A_20] : memref<90000x128xf32, #tpu.memory_space<hbm>> -> memref<90000x128xf32, #tpu.memory_space<hbm>>
    tpu.enqueue_indirect_dma source(%dma_start3A_21 : memref<90000x128xf32, #tpu.memory_space<hbm>>) target(%arg12 : memref<112x128xf32, #tpu.memory_space<vmem>>) offsets(%dma_start3A_18 : memref<112xi32, #tpu.memory_space<vmem>>) semaphore(%arg14 : memref<!tpu.dma_semaphore, #tpu.memory_space<semaphore_mem>>)
    %scan3A = arith.constant 0 : i32
    %scan3A_22 = arith.constant 0 : i32
    %scan3A_23 = arith.constant 45 : i32
    %scan3A_24 = arith.addi %scan3A_22, %scan3A_23 : i32
    %scan3A_25 = arith.constant 1 : i32
    scf.for %scan3A_180 = %scan3A_22 to %scan3A_24 step %scan3A_25  : i32 {
      %mul3A_181 = arith.constant 2 : i32
      %mul3A_182 = arith.muli %mul3A_181, %scan3A_180 : i32
      %dma_wait3A = arith.constant 0 : i32
      %dma_wait3A_183 = tpu.memref_slice %arg9[%dma_wait3A] : memref<10080xi32, #tpu.memory_space<vmem>> -> memref<112xi32, #tpu.memory_space<vmem>>
      %dma_wait3A_184 = arith.constant 0 : i32
      %dma_wait3A_185 = arith.constant 0 : i32
      %dma_wait3A_186 = tpu.memref_slice %arg2[%dma_wait3A_184, %dma_wait3A_185] : memref<90000x128xf32, #tpu.memory_space<hbm>> -> memref<90000x128xf32, #tpu.memory_space<hbm>>
      tpu.wait_indirect_dma semaphore(%arg13 : memref<!tpu.dma_semaphore, #tpu.memory_space<semaphore_mem>>) src(%dma_wait3A_186 : memref<90000x128xf32, #tpu.memory_space<hbm>>) dst(%arg11 : memref<112x128xf32, #tpu.memory_space<vmem>>)
      %mul3A_187 = arith.constant 112 : i32
      %mul3A_188 = arith.muli %mul3A_182, %mul3A_187 : i32
      %add3A_189 = arith.constant 0 : i32
      %add3A_190 = arith.addi %mul3A_188, %add3A_189 : i32
      %get3A = arith.index_cast %add3A_190 : i32 to index
      %get3A_191 = tpu.vector_load %arg10[%get3A] {strides = array<i32>} : memref<10080xi32, #tpu.memory_space<vmem>>, vector<16xi32>,
      %get3A_192 = vector.shape_cast %get3A_191 : vector<16xi32> to vector<16xi32>
      %dma_start3A_193 = arith.constant 0 : i32
      %dma_start3A_194 = arith.constant 0 : i32
      %dma_start3A_195 = tpu.memref_slice %arg11[%dma_start3A_193, %dma_start3A_194] : memref<112x128xf32, #tpu.memory_space<vmem>> -> memref<16x128xf32, #tpu.memory_space<vmem>>
      %dma_start3A_196 = arith.constant 0 : i32
      %dma_start3A_197 = arith.constant 0 : i32
      %dma_start3A_198 = tpu.memref_slice %arg17[%dma_start3A_196, %dma_start3A_197] : memref<10240x128xf32, #tpu.memory_space<vmem_shared>> -> memref<10240x128xf32, #tpu.memory_space<vmem_shared>>
      tpu.enqueue_indirect_dma source(%dma_start3A_195 : memref<16x128xf32, #tpu.memory_space<vmem>>) target(%dma_start3A_198 : memref<10240x128xf32, #tpu.memory_space<vmem_shared>>) offsets(%get3A_192 : vector<16xi32>) semaphore(%arg15 : memref<!tpu.dma_semaphore, #tpu.memory_space<semaphore_mem>>) {add = true}
      %mul3A_199 = arith.constant 112 : i32
      %mul3A_200 = arith.muli %mul3A_182, %mul3A_199 : i32
      %add3A_201 = arith.constant 16 : i32
      %add3A_202 = arith.addi %mul3A_200, %add3A_201 : i32
      %get3A_203 = arith.index_cast %add3A_202 : i32 to index
      %get3A_204 = tpu.vector_load %arg10[%get3A_203] {strides = array<i32>} : memref<10080xi32, #tpu.memory_space<vmem>>, vector<16xi32>,
      %get3A_205 = vector.shape_cast %get3A_204 : vector<16xi32> to vector<16xi32>
      %dma_start3A_206 = arith.constant 16 : i32
      %dma_start3A_207 = arith.constant 0 : i32
      %dma_start3A_208 = tpu.memref_slice %arg11[%dma_start3A_206, %dma_start3A_207] : memref<112x128xf32, #tpu.memory_space<vmem>> -> memref<16x128xf32, #tpu.memory_space<vmem>>
      %dma_start3A_209 = arith.constant 0 : i32
      %dma_start3A_210 = arith.constant 0 : i32
      %dma_start3A_211 = tpu.memref_slice %arg17[%dma_start3A_209, %dma_start3A_210] : memref<10240x128xf32, #tpu.memory_space<vmem_shared>> -> memref<10240x128xf32, #tpu.memory_space<vmem_shared>>
      tpu.enqueue_indirect_dma source(%dma_start3A_208 : memref<16x128xf32, #tpu.memory_space<vmem>>) target(%dma_start3A_211 : memref<10240x128xf32, #tpu.memory_space<vmem_shared>>) offsets(%get3A_205 : vector<16xi32>) semaphore(%arg15 : memref<!tpu.dma_semaphore, #tpu.memory_space<semaphore_mem>>) {add = true}
      %mul3A_212 = arith.constant 112 : i32
      %mul3A_213 = arith.muli %mul3A_182, %mul3A_212 : i32
      %add3A_214 = arith.constant 32 : i32
      %add3A_215 = arith.addi %mul3A_213, %add3A_214 : i32
      %get3A_216 = arith.index_cast %add3A_215 : i32 to index
      %get3A_217 = tpu.vector_load %arg10[%get3A_216] {strides = array<i32>} : memref<10080xi32, #tpu.memory_space<vmem>>, vector<16xi32>,
      %get3A_218 = vector.shape_cast %get3A_217 : vector<16xi32> to vector<16xi32>
      %dma_start3A_219 = arith.constant 32 : i32
      %dma_start3A_220 = arith.constant 0 : i32
      %dma_start3A_221 = tpu.memref_slice %arg11[%dma_start3A_219, %dma_start3A_220] : memref<112x128xf32, #tpu.memory_space<vmem>> -> memref<16x128xf32, #tpu.memory_space<vmem>>
      %dma_start3A_222 = arith.constant 0 : i32
      %dma_start3A_223 = arith.constant 0 : i32
      %dma_start3A_224 = tpu.memref_slice %arg17[%dma_start3A_222, %dma_start3A_223] : memref<10240x128xf32, #tpu.memory_space<vmem_shared>> -> memref<10240x128xf32, #tpu.memory_space<vmem_shared>>
      tpu.enqueue_indirect_dma source(%dma_start3A_221 : memref<16x128xf32, #tpu.memory_space<vmem>>) target(%dma_start3A_224 : memref<10240x128xf32, #tpu.memory_space<vmem_shared>>) offsets(%get3A_218 : vector<16xi32>) semaphore(%arg15 : memref<!tpu.dma_semaphore, #tpu.memory_space<semaphore_mem>>) {add = true}
      %mul3A_225 = arith.constant 112 : i32
      %mul3A_226 = arith.muli %mul3A_182, %mul3A_225 : i32
      %add3A_227 = arith.constant 48 : i32
      %add3A_228 = arith.addi %mul3A_226, %add3A_227 : i32
      %get3A_229 = arith.index_cast %add3A_228 : i32 to index
      %get3A_230 = tpu.vector_load %arg10[%get3A_229] {strides = array<i32>} : memref<10080xi32, #tpu.memory_space<vmem>>, vector<16xi32>,
      %get3A_231 = vector.shape_cast %get3A_230 : vector<16xi32> to vector<16xi32>
      %dma_start3A_232 = arith.constant 48 : i32
      %dma_start3A_233 = arith.constant 0 : i32
      %dma_start3A_234 = tpu.memref_slice %arg11[%dma_start3A_232, %dma_start3A_233] : memref<112x128xf32, #tpu.memory_space<vmem>> -> memref<16x128xf32, #tpu.memory_space<vmem>>
      %dma_start3A_235 = arith.constant 0 : i32
      %dma_start3A_236 = arith.constant 0 : i32
      %dma_start3A_237 = tpu.memref_slice %arg17[%dma_start3A_235, %dma_start3A_236] : memref<10240x128xf32, #tpu.memory_space<vmem_shared>> -> memref<10240x128xf32, #tpu.memory_space<vmem_shared>>
      tpu.enqueue_indirect_dma source(%dma_start3A_234 : memref<16x128xf32, #tpu.memory_space<vmem>>) target(%dma_start3A_237 : memref<10240x128xf32, #tpu.memory_space<vmem_shared>>) offsets(%get3A_231 : vector<16xi32>) semaphore(%arg15 : memref<!tpu.dma_semaphore, #tpu.memory_space<semaphore_mem>>) {add = true}
      %mul3A_238 = arith.constant 112 : i32
      %mul3A_239 = arith.muli %mul3A_182, %mul3A_238 : i32
      %add3A_240 = arith.constant 64 : i32
      %add3A_241 = arith.addi %mul3A_239, %add3A_240 : i32
      %get3A_242 = arith.index_cast %add3A_241 : i32 to index
      %get3A_243 = tpu.vector_load %arg10[%get3A_242] {strides = array<i32>} : memref<10080xi32, #tpu.memory_space<vmem>>, vector<16xi32>,
      %get3A_244 = vector.shape_cast %get3A_243 : vector<16xi32> to vector<16xi32>
      %dma_start3A_245 = arith.constant 64 : i32
      %dma_start3A_246 = arith.constant 0 : i32
      %dma_start3A_247 = tpu.memref_slice %arg11[%dma_start3A_245, %dma_start3A_246] : memref<112x128xf32, #tpu.memory_space<vmem>> -> memref<16x128xf32, #tpu.memory_space<vmem>>
      %dma_start3A_248 = arith.constant 0 : i32
      %dma_start3A_249 = arith.constant 0 : i32
      %dma_start3A_250 = tpu.memref_slice %arg17[%dma_start3A_248, %dma_start3A_249] : memref<10240x128xf32, #tpu.memory_space<vmem_shared>> -> memref<10240x128xf32, #tpu.memory_space<vmem_shared>>
      tpu.enqueue_indirect_dma source(%dma_start3A_247 : memref<16x128xf32, #tpu.memory_space<vmem>>) target(%dma_start3A_250 : memref<10240x128xf32, #tpu.memory_space<vmem_shared>>) offsets(%get3A_244 : vector<16xi32>) semaphore(%arg15 : memref<!tpu.dma_semaphore, #tpu.memory_space<semaphore_mem>>) {add = true}
      %mul3A_251 = arith.constant 112 : i32
      %mul3A_252 = arith.muli %mul3A_182, %mul3A_251 : i32
      %add3A_253 = arith.constant 80 : i32
      %add3A_254 = arith.addi %mul3A_252, %add3A_253 : i32
      %get3A_255 = arith.index_cast %add3A_254 : i32 to index
      %get3A_256 = tpu.vector_load %arg10[%get3A_255] {strides = array<i32>} : memref<10080xi32, #tpu.memory_space<vmem>>, vector<16xi32>,
      %get3A_257 = vector.shape_cast %get3A_256 : vector<16xi32> to vector<16xi32>
      %dma_start3A_258 = arith.constant 80 : i32
      %dma_start3A_259 = arith.constant 0 : i32
      %dma_start3A_260 = tpu.memref_slice %arg11[%dma_start3A_258, %dma_start3A_259] : memref<112x128xf32, #tpu.memory_space<vmem>> -> memref<16x128xf32, #tpu.memory_space<vmem>>
      %dma_start3A_261 = arith.constant 0 : i32
      %dma_start3A_262 = arith.constant 0 : i32
      %dma_start3A_263 = tpu.memref_slice %arg17[%dma_start3A_261, %dma_start3A_262] : memref<10240x128xf32, #tpu.memory_space<vmem_shared>> -> memref<10240x128xf32, #tpu.memory_space<vmem_shared>>
      tpu.enqueue_indirect_dma source(%dma_start3A_260 : memref<16x128xf32, #tpu.memory_space<vmem>>) target(%dma_start3A_263 : memref<10240x128xf32, #tpu.memory_space<vmem_shared>>) offsets(%get3A_257 : vector<16xi32>) semaphore(%arg15 : memref<!tpu.dma_semaphore, #tpu.memory_space<semaphore_mem>>) {add = true}
      %mul3A_264 = arith.constant 112 : i32
      %mul3A_265 = arith.muli %mul3A_182, %mul3A_264 : i32
      %add3A_266 = arith.constant 96 : i32
      %add3A_267 = arith.addi %mul3A_265, %add3A_266 : i32
      %get3A_268 = arith.index_cast %add3A_267 : i32 to index
      %get3A_269 = tpu.vector_load %arg10[%get3A_268] {strides = array<i32>} : memref<10080xi32, #tpu.memory_space<vmem>>, vector<16xi32>,
      %get3A_270 = vector.shape_cast %get3A_269 : vector<16xi32> to vector<16xi32>
      %dma_start3A_271 = arith.constant 96 : i32
      %dma_start3A_272 = arith.constant 0 : i32
      %dma_start3A_273 = tpu.memref_slice %arg11[%dma_start3A_271, %dma_start3A_272] : memref<112x128xf32, #tpu.memory_space<vmem>> -> memref<16x128xf32, #tpu.memory_space<vmem>>
      %dma_start3A_274 = arith.constant 0 : i32
      %dma_start3A_275 = arith.constant 0 : i32
      %dma_start3A_276 = tpu.memref_slice %arg17[%dma_start3A_274, %dma_start3A_275] : memref<10240x128xf32, #tpu.memory_space<vmem_shared>> -> memref<10240x128xf32, #tpu.memory_space<vmem_shared>>
      tpu.enqueue_indirect_dma source(%dma_start3A_273 : memref<16x128xf32, #tpu.memory_space<vmem>>) target(%dma_start3A_276 : memref<10240x128xf32, #tpu.memory_space<vmem_shared>>) offsets(%get3A_270 : vector<16xi32>) semaphore(%arg15 : memref<!tpu.dma_semaphore, #tpu.memory_space<semaphore_mem>>) {add = true}
      %dma_wait3A_277 = arith.constant 0 : i32
      %dma_wait3A_278 = tpu.memref_slice %arg9[%dma_wait3A_277] : memref<10080xi32, #tpu.memory_space<vmem>> -> memref<112xi32, #tpu.memory_space<vmem>>
      %dma_wait3A_279 = arith.constant 0 : i32
      %dma_wait3A_280 = arith.constant 0 : i32
      %dma_wait3A_281 = tpu.memref_slice %arg2[%dma_wait3A_279, %dma_wait3A_280] : memref<90000x128xf32, #tpu.memory_space<hbm>> -> memref<90000x128xf32, #tpu.memory_space<hbm>>
      tpu.wait_indirect_dma semaphore(%arg15 : memref<!tpu.dma_semaphore, #tpu.memory_space<semaphore_mem>>) src(%dma_wait3A_281 : memref<90000x128xf32, #tpu.memory_space<hbm>>) dst(%arg11 : memref<112x128xf32, #tpu.memory_space<vmem>>)
      %add3A_282 = arith.constant 2 : i32
      %add3A_283 = arith.addi %mul3A_182, %add3A_282 : i32
      %le3A = arith.constant 89 : i32
      %le3A_284 = arith.cmpi sle, %add3A_283, %le3A : i32
      %convert_element_type3A = arith.extui %le3A_284 : i1 to i32
      %cond3A = arith.constant 0 : i32
      %cond3A_285 = arith.cmpi ne, %convert_element_type3A, %cond3A : i32
      scf.if %cond3A_285 {
        %add3A_396 = arith.constant 2 : i32
        %add3A_397 = arith.addi %mul3A_182, %add3A_396 : i32
        %mul3A_398 = arith.constant 112 : i32
        %mul3A_399 = arith.muli %add3A_397, %mul3A_398 : i32
        %dma_start3A_400 = tpu.memref_slice %arg9[%mul3A_399] : memref<10080xi32, #tpu.memory_space<vmem>> -> memref<112xi32, #tpu.memory_space<vmem>>
        %dma_start3A_401 = arith.constant 0 : i32
        %dma_start3A_402 = arith.constant 0 : i32
        %dma_start3A_403 = tpu.memref_slice %arg2[%dma_start3A_401, %dma_start3A_402] : memref<90000x128xf32, #tpu.memory_space<hbm>> -> memref<90000x128xf32, #tpu.memory_space<hbm>>
        tpu.enqueue_indirect_dma source(%dma_start3A_403 : memref<90000x128xf32, #tpu.memory_space<hbm>>) target(%arg11 : memref<112x128xf32, #tpu.memory_space<vmem>>) offsets(%dma_start3A_400 : memref<112xi32, #tpu.memory_space<vmem>>) semaphore(%arg13 : memref<!tpu.dma_semaphore, #tpu.memory_space<semaphore_mem>>)
      } else {
      }
      %dma_wait3A_286 = arith.constant 0 : i32
      %dma_wait3A_287 = tpu.memref_slice %arg9[%dma_wait3A_286] : memref<10080xi32, #tpu.memory_space<vmem>> -> memref<112xi32, #tpu.memory_space<vmem>>
      %dma_wait3A_288 = arith.constant 0 : i32
      %dma_wait3A_289 = arith.constant 0 : i32
      %dma_wait3A_290 = tpu.memref_slice %arg2[%dma_wait3A_288, %dma_wait3A_289] : memref<90000x128xf32, #tpu.memory_space<hbm>> -> memref<90000x128xf32, #tpu.memory_space<hbm>>
      tpu.wait_indirect_dma semaphore(%arg14 : memref<!tpu.dma_semaphore, #tpu.memory_space<semaphore_mem>>) src(%dma_wait3A_290 : memref<90000x128xf32, #tpu.memory_space<hbm>>) dst(%arg12 : memref<112x128xf32, #tpu.memory_space<vmem>>)
      %add3A_291 = arith.constant 1 : i32
      %add3A_292 = arith.addi %mul3A_182, %add3A_291 : i32
      %mul3A_293 = arith.constant 112 : i32
      %mul3A_294 = arith.muli %add3A_292, %mul3A_293 : i32
      %add3A_295 = arith.constant 0 : i32
      %add3A_296 = arith.addi %mul3A_294, %add3A_295 : i32
      %get3A_297 = arith.index_cast %add3A_296 : i32 to index
      %get3A_298 = tpu.vector_load %arg10[%get3A_297] {strides = array<i32>} : memref<10080xi32, #tpu.memory_space<vmem>>, vector<16xi32>,
      %get3A_299 = vector.shape_cast %get3A_298 : vector<16xi32> to vector<16xi32>
      %dma_start3A_300 = arith.constant 0 : i32
      %dma_start3A_301 = arith.constant 0 : i32
      %dma_start3A_302 = tpu.memref_slice %arg12[%dma_start3A_300, %dma_start3A_301] : memref<112x128xf32, #tpu.memory_space<vmem>> -> memref<16x128xf32, #tpu.memory_space<vmem>>
      %dma_start3A_303 = arith.constant 0 : i32
      %dma_start3A_304 = arith.constant 0 : i32
      %dma_start3A_305 = tpu.memref_slice %arg17[%dma_start3A_303, %dma_start3A_304] : memref<10240x128xf32, #tpu.memory_space<vmem_shared>> -> memref<10240x128xf32, #tpu.memory_space<vmem_shared>>
      tpu.enqueue_indirect_dma source(%dma_start3A_302 : memref<16x128xf32, #tpu.memory_space<vmem>>) target(%dma_start3A_305 : memref<10240x128xf32, #tpu.memory_space<vmem_shared>>) offsets(%get3A_299 : vector<16xi32>) semaphore(%arg16 : memref<!tpu.dma_semaphore, #tpu.memory_space<semaphore_mem>>) {add = true}
      %mul3A_306 = arith.constant 112 : i32
      %mul3A_307 = arith.muli %add3A_292, %mul3A_306 : i32
      %add3A_308 = arith.constant 16 : i32
      %add3A_309 = arith.addi %mul3A_307, %add3A_308 : i32
      %get3A_310 = arith.index_cast %add3A_309 : i32 to index
      %get3A_311 = tpu.vector_load %arg10[%get3A_310] {strides = array<i32>} : memref<10080xi32, #tpu.memory_space<vmem>>, vector<16xi32>,
      %get3A_312 = vector.shape_cast %get3A_311 : vector<16xi32> to vector<16xi32>
      %dma_start3A_313 = arith.constant 16 : i32
      %dma_start3A_314 = arith.constant 0 : i32
      %dma_start3A_315 = tpu.memref_slice %arg12[%dma_start3A_313, %dma_start3A_314] : memref<112x128xf32, #tpu.memory_space<vmem>> -> memref<16x128xf32, #tpu.memory_space<vmem>>
      %dma_start3A_316 = arith.constant 0 : i32
      %dma_start3A_317 = arith.constant 0 : i32
      %dma_start3A_318 = tpu.memref_slice %arg17[%dma_start3A_316, %dma_start3A_317] : memref<10240x128xf32, #tpu.memory_space<vmem_shared>> -> memref<10240x128xf32, #tpu.memory_space<vmem_shared>>
      tpu.enqueue_indirect_dma source(%dma_start3A_315 : memref<16x128xf32, #tpu.memory_space<vmem>>) target(%dma_start3A_318 : memref<10240x128xf32, #tpu.memory_space<vmem_shared>>) offsets(%get3A_312 : vector<16xi32>) semaphore(%arg16 : memref<!tpu.dma_semaphore, #tpu.memory_space<semaphore_mem>>) {add = true}
      %mul3A_319 = arith.constant 112 : i32
      %mul3A_320 = arith.muli %add3A_292, %mul3A_319 : i32
      %add3A_321 = arith.constant 32 : i32
      %add3A_322 = arith.addi %mul3A_320, %add3A_321 : i32
      %get3A_323 = arith.index_cast %add3A_322 : i32 to index
      %get3A_324 = tpu.vector_load %arg10[%get3A_323] {strides = array<i32>} : memref<10080xi32, #tpu.memory_space<vmem>>, vector<16xi32>,
      %get3A_325 = vector.shape_cast %get3A_324 : vector<16xi32> to vector<16xi32>
      %dma_start3A_326 = arith.constant 32 : i32
      %dma_start3A_327 = arith.constant 0 : i32
      %dma_start3A_328 = tpu.memref_slice %arg12[%dma_start3A_326, %dma_start3A_327] : memref<112x128xf32, #tpu.memory_space<vmem>> -> memref<16x128xf32, #tpu.memory_space<vmem>>
      %dma_start3A_329 = arith.constant 0 : i32
      %dma_start3A_330 = arith.constant 0 : i32
      %dma_start3A_331 = tpu.memref_slice %arg17[%dma_start3A_329, %dma_start3A_330] : memref<10240x128xf32, #tpu.memory_space<vmem_shared>> -> memref<10240x128xf32, #tpu.memory_space<vmem_shared>>
      tpu.enqueue_indirect_dma source(%dma_start3A_328 : memref<16x128xf32, #tpu.memory_space<vmem>>) target(%dma_start3A_331 : memref<10240x128xf32, #tpu.memory_space<vmem_shared>>) offsets(%get3A_325 : vector<16xi32>) semaphore(%arg16 : memref<!tpu.dma_semaphore, #tpu.memory_space<semaphore_mem>>) {add = true}
      %mul3A_332 = arith.constant 112 : i32
      %mul3A_333 = arith.muli %add3A_292, %mul3A_332 : i32
      %add3A_334 = arith.constant 48 : i32
      %add3A_335 = arith.addi %mul3A_333, %add3A_334 : i32
      %get3A_336 = arith.index_cast %add3A_335 : i32 to index
      %get3A_337 = tpu.vector_load %arg10[%get3A_336] {strides = array<i32>} : memref<10080xi32, #tpu.memory_space<vmem>>, vector<16xi32>,
      %get3A_338 = vector.shape_cast %get3A_337 : vector<16xi32> to vector<16xi32>
      %dma_start3A_339 = arith.constant 48 : i32
      %dma_start3A_340 = arith.constant 0 : i32
      %dma_start3A_341 = tpu.memref_slice %arg12[%dma_start3A_339, %dma_start3A_340] : memref<112x128xf32, #tpu.memory_space<vmem>> -> memref<16x128xf32, #tpu.memory_space<vmem>>
      %dma_start3A_342 = arith.constant 0 : i32
      %dma_start3A_343 = arith.constant 0 : i32
      %dma_start3A_344 = tpu.memref_slice %arg17[%dma_start3A_342, %dma_start3A_343] : memref<10240x128xf32, #tpu.memory_space<vmem_shared>> -> memref<10240x128xf32, #tpu.memory_space<vmem_shared>>
      tpu.enqueue_indirect_dma source(%dma_start3A_341 : memref<16x128xf32, #tpu.memory_space<vmem>>) target(%dma_start3A_344 : memref<10240x128xf32, #tpu.memory_space<vmem_shared>>) offsets(%get3A_338 : vector<16xi32>) semaphore(%arg16 : memref<!tpu.dma_semaphore, #tpu.memory_space<semaphore_mem>>) {add = true}
      %mul3A_345 = arith.constant 112 : i32
      %mul3A_346 = arith.muli %add3A_292, %mul3A_345 : i32
      %add3A_347 = arith.constant 64 : i32
      %add3A_348 = arith.addi %mul3A_346, %add3A_347 : i32
      %get3A_349 = arith.index_cast %add3A_348 : i32 to index
      %get3A_350 = tpu.vector_load %arg10[%get3A_349] {strides = array<i32>} : memref<10080xi32, #tpu.memory_space<vmem>>, vector<16xi32>,
      %get3A_351 = vector.shape_cast %get3A_350 : vector<16xi32> to vector<16xi32>
      %dma_start3A_352 = arith.constant 64 : i32
      %dma_start3A_353 = arith.constant 0 : i32
      %dma_start3A_354 = tpu.memref_slice %arg12[%dma_start3A_352, %dma_start3A_353] : memref<112x128xf32, #tpu.memory_space<vmem>> -> memref<16x128xf32, #tpu.memory_space<vmem>>
      %dma_start3A_355 = arith.constant 0 : i32
      %dma_start3A_356 = arith.constant 0 : i32
      %dma_start3A_357 = tpu.memref_slice %arg17[%dma_start3A_355, %dma_start3A_356] : memref<10240x128xf32, #tpu.memory_space<vmem_shared>> -> memref<10240x128xf32, #tpu.memory_space<vmem_shared>>
      tpu.enqueue_indirect_dma source(%dma_start3A_354 : memref<16x128xf32, #tpu.memory_space<vmem>>) target(%dma_start3A_357 : memref<10240x128xf32, #tpu.memory_space<vmem_shared>>) offsets(%get3A_351 : vector<16xi32>) semaphore(%arg16 : memref<!tpu.dma_semaphore, #tpu.memory_space<semaphore_mem>>) {add = true}
      %mul3A_358 = arith.constant 112 : i32
      %mul3A_359 = arith.muli %add3A_292, %mul3A_358 : i32
      %add3A_360 = arith.constant 80 : i32
      %add3A_361 = arith.addi %mul3A_359, %add3A_360 : i32
      %get3A_362 = arith.index_cast %add3A_361 : i32 to index
      %get3A_363 = tpu.vector_load %arg10[%get3A_362] {strides = array<i32>} : memref<10080xi32, #tpu.memory_space<vmem>>, vector<16xi32>,
      %get3A_364 = vector.shape_cast %get3A_363 : vector<16xi32> to vector<16xi32>
      %dma_start3A_365 = arith.constant 80 : i32
      %dma_start3A_366 = arith.constant 0 : i32
      %dma_start3A_367 = tpu.memref_slice %arg12[%dma_start3A_365, %dma_start3A_366] : memref<112x128xf32, #tpu.memory_space<vmem>> -> memref<16x128xf32, #tpu.memory_space<vmem>>
      %dma_start3A_368 = arith.constant 0 : i32
      %dma_start3A_369 = arith.constant 0 : i32
      %dma_start3A_370 = tpu.memref_slice %arg17[%dma_start3A_368, %dma_start3A_369] : memref<10240x128xf32, #tpu.memory_space<vmem_shared>> -> memref<10240x128xf32, #tpu.memory_space<vmem_shared>>
      tpu.enqueue_indirect_dma source(%dma_start3A_367 : memref<16x128xf32, #tpu.memory_space<vmem>>) target(%dma_start3A_370 : memref<10240x128xf32, #tpu.memory_space<vmem_shared>>) offsets(%get3A_364 : vector<16xi32>) semaphore(%arg16 : memref<!tpu.dma_semaphore, #tpu.memory_space<semaphore_mem>>) {add = true}
      %mul3A_371 = arith.constant 112 : i32
      %mul3A_372 = arith.muli %add3A_292, %mul3A_371 : i32
      %add3A_373 = arith.constant 96 : i32
      %add3A_374 = arith.addi %mul3A_372, %add3A_373 : i32
      %get3A_375 = arith.index_cast %add3A_374 : i32 to index
      %get3A_376 = tpu.vector_load %arg10[%get3A_375] {strides = array<i32>} : memref<10080xi32, #tpu.memory_space<vmem>>, vector<16xi32>,
      %get3A_377 = vector.shape_cast %get3A_376 : vector<16xi32> to vector<16xi32>
      %dma_start3A_378 = arith.constant 96 : i32
      %dma_start3A_379 = arith.constant 0 : i32
      %dma_start3A_380 = tpu.memref_slice %arg12[%dma_start3A_378, %dma_start3A_379] : memref<112x128xf32, #tpu.memory_space<vmem>> -> memref<16x128xf32, #tpu.memory_space<vmem>>
      %dma_start3A_381 = arith.constant 0 : i32
      %dma_start3A_382 = arith.constant 0 : i32
      %dma_start3A_383 = tpu.memref_slice %arg17[%dma_start3A_381, %dma_start3A_382] : memref<10240x128xf32, #tpu.memory_space<vmem_shared>> -> memref<10240x128xf32, #tpu.memory_space<vmem_shared>>
      tpu.enqueue_indirect_dma source(%dma_start3A_380 : memref<16x128xf32, #tpu.memory_space<vmem>>) target(%dma_start3A_383 : memref<10240x128xf32, #tpu.memory_space<vmem_shared>>) offsets(%get3A_377 : vector<16xi32>) semaphore(%arg16 : memref<!tpu.dma_semaphore, #tpu.memory_space<semaphore_mem>>) {add = true}
      %dma_wait3A_384 = arith.constant 0 : i32
      %dma_wait3A_385 = tpu.memref_slice %arg9[%dma_wait3A_384] : memref<10080xi32, #tpu.memory_space<vmem>> -> memref<112xi32, #tpu.memory_space<vmem>>
      %dma_wait3A_386 = arith.constant 0 : i32
      %dma_wait3A_387 = arith.constant 0 : i32
      %dma_wait3A_388 = tpu.memref_slice %arg2[%dma_wait3A_386, %dma_wait3A_387] : memref<90000x128xf32, #tpu.memory_space<hbm>> -> memref<90000x128xf32, #tpu.memory_space<hbm>>
      tpu.wait_indirect_dma semaphore(%arg16 : memref<!tpu.dma_semaphore, #tpu.memory_space<semaphore_mem>>) src(%dma_wait3A_388 : memref<90000x128xf32, #tpu.memory_space<hbm>>) dst(%arg12 : memref<112x128xf32, #tpu.memory_space<vmem>>)
      %add3A_389 = arith.constant 3 : i32
      %add3A_390 = arith.addi %mul3A_182, %add3A_389 : i32
      %le3A_391 = arith.constant 89 : i32
      %le3A_392 = arith.cmpi sle, %add3A_390, %le3A_391 : i32
      %convert_element_type3A_393 = arith.extui %le3A_392 : i1 to i32
      %cond3A_394 = arith.constant 0 : i32
      %cond3A_395 = arith.cmpi ne, %convert_element_type3A_393, %cond3A_394 : i32
      scf.if %cond3A_395 {
        %add3A_396 = arith.constant 3 : i32
        %add3A_397 = arith.addi %mul3A_182, %add3A_396 : i32
        %mul3A_398 = arith.constant 112 : i32
        %mul3A_399 = arith.muli %add3A_397, %mul3A_398 : i32
        %dma_start3A_400 = tpu.memref_slice %arg9[%mul3A_399] : memref<10080xi32, #tpu.memory_space<vmem>> -> memref<112xi32, #tpu.memory_space<vmem>>
        %dma_start3A_401 = arith.constant 0 : i32
        %dma_start3A_402 = arith.constant 0 : i32
        %dma_start3A_403 = tpu.memref_slice %arg2[%dma_start3A_401, %dma_start3A_402] : memref<90000x128xf32, #tpu.memory_space<hbm>> -> memref<90000x128xf32, #tpu.memory_space<hbm>>
        tpu.enqueue_indirect_dma source(%dma_start3A_403 : memref<90000x128xf32, #tpu.memory_space<hbm>>) target(%arg12 : memref<112x128xf32, #tpu.memory_space<vmem>>) offsets(%dma_start3A_400 : memref<112xi32, #tpu.memory_space<vmem>>) semaphore(%arg14 : memref<!tpu.dma_semaphore, #tpu.memory_space<semaphore_mem>>)
      } else {
      }
    }
    %scan3A_26 = arith.constant 45 : i32
    %barrier3A_27 = arith.constant 0 : index
    tpu.barrier barrier_id(%barrier3A_27)
    %mul3A_28 = arith.constant 640 : i32
    %mul3A_29 = arith.muli %arg1, %mul3A_28 : i32
    %mul3A_30 = arith.constant 640 : i32
    %mul3A_31 = arith.muli %arg1, %mul3A_30 : i32
    %add3A_32 = arith.addi %mul3A_10, %mul3A_31 : i32
    "tpu.region"() ({
      %run_scoped3A = tpu.sem_alloc : memref<!tpu.dma_semaphore, #tpu.memory_space<semaphore_mem>>
      %dma_start3A_180 = arith.constant 0 : i32
      %dma_start3A_181 = tpu.memref_slice %arg8[%add3A_32, %dma_start3A_180] : memref<102400x128xf32, #tpu.memory_space<hbm>> -> memref<640x128xf32, #tpu.memory_space<hbm>>
      %dma_start3A_182 = arith.constant 0 : i32
      %dma_start3A_183 = tpu.memref_slice %arg17[%mul3A_29, %dma_start3A_182] : memref<10240x128xf32, #tpu.memory_space<vmem_shared>> -> memref<640x128xf32, #tpu.memory_space<vmem_shared>>
      tpu.enqueue_dma source(%dma_start3A_183 : memref<640x128xf32, #tpu.memory_space<vmem_shared>>) target(%dma_start3A_181 : memref<640x128xf32, #tpu.memory_space<hbm>>) target_semaphore(%run_scoped3A : memref<!tpu.dma_semaphore, #tpu.memory_space<semaphore_mem>>)
      %dma_wait3A = arith.constant 0 : i32
      %dma_wait3A_184 = tpu.memref_slice %arg8[%add3A_32, %dma_wait3A] : memref<102400x128xf32, #tpu.memory_space<hbm>> -> memref<640x128xf32, #tpu.memory_space<hbm>>
      %dma_wait3A_185 = arith.constant 0 : i32
      %dma_wait3A_186 = tpu.memref_slice %arg17[%mul3A_29, %dma_wait3A_185] : memref<10240x128xf32, #tpu.memory_space<vmem_shared>> -> memref<640x128xf32, #tpu.memory_space<vmem_shared>>
      tpu.wait_dma2 semaphore(%run_scoped3A : memref<!tpu.dma_semaphore, #tpu.memory_space<semaphore_mem>>) src(%dma_wait3A_186 : memref<640x128xf32, #tpu.memory_space<vmem_shared>>) dst(%dma_wait3A_184 : memref<640x128xf32, #tpu.memory_space<hbm>>)
      tpu.yield
    }) : () -> ()
    %barrier3A_33 = arith.constant 0 : index
    tpu.barrier barrier_id(%barrier3A_33)
    %mul3A_34 = arith.constant 4 : i32
    %mul3A_35 = arith.muli %arg0, %mul3A_34 : i32
    %add3A_36 = arith.constant 1 : i32
    %add3A_37 = arith.addi %mul3A_35, %add3A_36 : i32
    %mul3A_38 = arith.constant 161280 : i32
    %mul3A_39 = arith.muli %add3A_37, %mul3A_38 : i32
    %mul3A_40 = arith.constant 10080 : i32
    %mul3A_41 = arith.muli %arg1, %mul3A_40 : i32
    %add3A_42 = arith.addi %mul3A_39, %mul3A_41 : i32
    "tpu.region"() ({
      %run_scoped3A = tpu.sem_alloc : memref<!tpu.dma_semaphore, #tpu.memory_space<semaphore_mem>>
      %dma_start3A_180 = tpu.memref_slice %arg3[%add3A_42] : memref<1290240xi32, #tpu.memory_space<hbm>> -> memref<10080xi32, #tpu.memory_space<hbm>>
      %dma_start3A_181 = tpu.memref_slice %arg3[%add3A_42] : memref<1290240xi32, #tpu.memory_space<hbm>> -> memref<10080xi32, #tpu.memory_space<hbm>>
      tpu.enqueue_dma source(%dma_start3A_181 : memref<10080xi32, #tpu.memory_space<hbm>>) target(%arg9 : memref<10080xi32, #tpu.memory_space<vmem>>) target_semaphore(%run_scoped3A : memref<!tpu.dma_semaphore, #tpu.memory_space<semaphore_mem>>)
      %dma_wait3A = tpu.memref_slice %arg3[%add3A_42] : memref<1290240xi32, #tpu.memory_space<hbm>> -> memref<10080xi32, #tpu.memory_space<hbm>>
      %dma_wait3A_182 = tpu.memref_slice %arg3[%add3A_42] : memref<1290240xi32, #tpu.memory_space<hbm>> -> memref<10080xi32, #tpu.memory_space<hbm>>
      tpu.wait_dma2 semaphore(%run_scoped3A : memref<!tpu.dma_semaphore, #tpu.memory_space<semaphore_mem>>) src(%dma_wait3A_182 : memref<10080xi32, #tpu.memory_space<hbm>>) dst(%arg9 : memref<10080xi32, #tpu.memory_space<vmem>>)
      tpu.yield
    }) : () -> ()
    %mul3A_43 = arith.constant 10240 : i32
    %mul3A_44 = arith.muli %add3A_37, %mul3A_43 : i32
    %mul3A_45 = arith.constant 640 : i32
    %mul3A_46 = arith.muli %arg1, %mul3A_45 : i32
    "tpu.region"() ({
      %run_scoped3A = tpu.sem_alloc : memref<!tpu.dma_semaphore, #tpu.memory_space<semaphore_mem>>
      %dma_start3A_180 = arith.constant 0 : i32
      %dma_start3A_181 = tpu.memref_slice %arg17[%mul3A_46, %dma_start3A_180] : memref<10240x128xf32, #tpu.memory_space<vmem_shared>> -> memref<640x128xf32, #tpu.memory_space<vmem_shared>>
      tpu.enqueue_dma source(%arg7 : memref<640x128xf32, #tpu.memory_space<hbm>>) target(%dma_start3A_181 : memref<640x128xf32, #tpu.memory_space<vmem_shared>>) target_semaphore(%run_scoped3A : memref<!tpu.dma_semaphore, #tpu.memory_space<semaphore_mem>>)
      %dma_wait3A = arith.constant 0 : i32
      %dma_wait3A_182 = tpu.memref_slice %arg17[%mul3A_46, %dma_wait3A] : memref<10240x128xf32, #tpu.memory_space<vmem_shared>> -> memref<640x128xf32, #tpu.memory_space<vmem_shared>>
      tpu.wait_dma2 semaphore(%run_scoped3A : memref<!tpu.dma_semaphore, #tpu.memory_space<semaphore_mem>>) src(%arg7 : memref<640x128xf32, #tpu.memory_space<hbm>>) dst(%dma_wait3A_182 : memref<640x128xf32, #tpu.memory_space<vmem_shared>>)
      tpu.yield
    }) : () -> ()
    %barrier3A_47 = arith.constant 0 : index
    tpu.barrier barrier_id(%barrier3A_47)
    %dma_start3A_48 = arith.constant 0 : i32
    %dma_start3A_49 = tpu.memref_slice %arg9[%dma_start3A_48] : memref<10080xi32, #tpu.memory_space<vmem>> -> memref<112xi32, #tpu.memory_space<vmem>>
    %dma_start3A_50 = arith.constant 0 : i32
    %dma_start3A_51 = arith.constant 0 : i32
    %dma_start3A_52 = tpu.memref_slice %arg2[%dma_start3A_50, %dma_start3A_51] : memref<90000x128xf32, #tpu.memory_space<hbm>> -> memref<90000x128xf32, #tpu.memory_space<hbm>>
    tpu.enqueue_indirect_dma source(%dma_start3A_52 : memref<90000x128xf32, #tpu.memory_space<hbm>>) target(%arg11 : memref<112x128xf32, #tpu.memory_space<vmem>>) offsets(%dma_start3A_49 : memref<112xi32, #tpu.memory_space<vmem>>) semaphore(%arg13 : memref<!tpu.dma_semaphore, #tpu.memory_space<semaphore_mem>>)
    %dma_start3A_53 = arith.constant 112 : i32
    %dma_start3A_54 = tpu.memref_slice %arg9[%dma_start3A_53] : memref<10080xi32, #tpu.memory_space<vmem>> -> memref<112xi32, #tpu.memory_space<vmem>>
    %dma_start3A_55 = arith.constant 0 : i32
    %dma_start3A_56 = arith.constant 0 : i32
    %dma_start3A_57 = tpu.memref_slice %arg2[%dma_start3A_55, %dma_start3A_56] : memref<90000x128xf32, #tpu.memory_space<hbm>> -> memref<90000x128xf32, #tpu.memory_space<hbm>>
    tpu.enqueue_indirect_dma source(%dma_start3A_57 : memref<90000x128xf32, #tpu.memory_space<hbm>>) target(%arg12 : memref<112x128xf32, #tpu.memory_space<vmem>>) offsets(%dma_start3A_54 : memref<112xi32, #tpu.memory_space<vmem>>) semaphore(%arg14 : memref<!tpu.dma_semaphore, #tpu.memory_space<semaphore_mem>>)
    %scan3A_58 = arith.constant 0 : i32
    %scan3A_59 = arith.constant 0 : i32
    %scan3A_60 = arith.constant 45 : i32
    %scan3A_61 = arith.addi %scan3A_59, %scan3A_60 : i32
    %scan3A_62 = arith.constant 1 : i32
    scf.for %scan3A_180 = %scan3A_59 to %scan3A_61 step %scan3A_62  : i32 {
      %mul3A_181 = arith.constant 2 : i32
      %mul3A_182 = arith.muli %mul3A_181, %scan3A_180 : i32
      %dma_wait3A = arith.constant 0 : i32
      %dma_wait3A_183 = tpu.memref_slice %arg9[%dma_wait3A] : memref<10080xi32, #tpu.memory_space<vmem>> -> memref<112xi32, #tpu.memory_space<vmem>>
      %dma_wait3A_184 = arith.constant 0 : i32
      %dma_wait3A_185 = arith.constant 0 : i32
      %dma_wait3A_186 = tpu.memref_slice %arg2[%dma_wait3A_184, %dma_wait3A_185] : memref<90000x128xf32, #tpu.memory_space<hbm>> -> memref<90000x128xf32, #tpu.memory_space<hbm>>
      tpu.wait_indirect_dma semaphore(%arg13 : memref<!tpu.dma_semaphore, #tpu.memory_space<semaphore_mem>>) src(%dma_wait3A_186 : memref<90000x128xf32, #tpu.memory_space<hbm>>) dst(%arg11 : memref<112x128xf32, #tpu.memory_space<vmem>>)
      %mul3A_187 = arith.constant 112 : i32
      %mul3A_188 = arith.muli %mul3A_182, %mul3A_187 : i32
      %add3A_189 = arith.constant 0 : i32
      %add3A_190 = arith.addi %mul3A_188, %add3A_189 : i32
      %get3A = arith.index_cast %add3A_190 : i32 to index
      %get3A_191 = tpu.vector_load %arg10[%get3A] {strides = array<i32>} : memref<10080xi32, #tpu.memory_space<vmem>>, vector<16xi32>,
      %get3A_192 = vector.shape_cast %get3A_191 : vector<16xi32> to vector<16xi32>
      %dma_start3A_193 = arith.constant 0 : i32
      %dma_start3A_194 = arith.constant 0 : i32
      %dma_start3A_195 = tpu.memref_slice %arg11[%dma_start3A_193, %dma_start3A_194] : memref<112x128xf32, #tpu.memory_space<vmem>> -> memref<16x128xf32, #tpu.memory_space<vmem>>
      %dma_start3A_196 = arith.constant 0 : i32
      %dma_start3A_197 = arith.constant 0 : i32
      %dma_start3A_198 = tpu.memref_slice %arg17[%dma_start3A_196, %dma_start3A_197] : memref<10240x128xf32, #tpu.memory_space<vmem_shared>> -> memref<10240x128xf32, #tpu.memory_space<vmem_shared>>
      tpu.enqueue_indirect_dma source(%dma_start3A_195 : memref<16x128xf32, #tpu.memory_space<vmem>>) target(%dma_start3A_198 : memref<10240x128xf32, #tpu.memory_space<vmem_shared>>) offsets(%get3A_192 : vector<16xi32>) semaphore(%arg15 : memref<!tpu.dma_semaphore, #tpu.memory_space<semaphore_mem>>) {add = true}
      %mul3A_199 = arith.constant 112 : i32
      %mul3A_200 = arith.muli %mul3A_182, %mul3A_199 : i32
      %add3A_201 = arith.constant 16 : i32
      %add3A_202 = arith.addi %mul3A_200, %add3A_201 : i32
      %get3A_203 = arith.index_cast %add3A_202 : i32 to index
      %get3A_204 = tpu.vector_load %arg10[%get3A_203] {strides = array<i32>} : memref<10080xi32, #tpu.memory_space<vmem>>, vector<16xi32>,
      %get3A_205 = vector.shape_cast %get3A_204 : vector<16xi32> to vector<16xi32>
      %dma_start3A_206 = arith.constant 16 : i32
      %dma_start3A_207 = arith.constant 0 : i32
      %dma_start3A_208 = tpu.memref_slice %arg11[%dma_start3A_206, %dma_start3A_207] : memref<112x128xf32, #tpu.memory_space<vmem>> -> memref<16x128xf32, #tpu.memory_space<vmem>>
      %dma_start3A_209 = arith.constant 0 : i32
      %dma_start3A_210 = arith.constant 0 : i32
      %dma_start3A_211 = tpu.memref_slice %arg17[%dma_start3A_209, %dma_start3A_210] : memref<10240x128xf32, #tpu.memory_space<vmem_shared>> -> memref<10240x128xf32, #tpu.memory_space<vmem_shared>>
      tpu.enqueue_indirect_dma source(%dma_start3A_208 : memref<16x128xf32, #tpu.memory_space<vmem>>) target(%dma_start3A_211 : memref<10240x128xf32, #tpu.memory_space<vmem_shared>>) offsets(%get3A_205 : vector<16xi32>) semaphore(%arg15 : memref<!tpu.dma_semaphore, #tpu.memory_space<semaphore_mem>>) {add = true}
      %mul3A_212 = arith.constant 112 : i32
      %mul3A_213 = arith.muli %mul3A_182, %mul3A_212 : i32
      %add3A_214 = arith.constant 32 : i32
      %add3A_215 = arith.addi %mul3A_213, %add3A_214 : i32
      %get3A_216 = arith.index_cast %add3A_215 : i32 to index
      %get3A_217 = tpu.vector_load %arg10[%get3A_216] {strides = array<i32>} : memref<10080xi32, #tpu.memory_space<vmem>>, vector<16xi32>,
      %get3A_218 = vector.shape_cast %get3A_217 : vector<16xi32> to vector<16xi32>
      %dma_start3A_219 = arith.constant 32 : i32
      %dma_start3A_220 = arith.constant 0 : i32
      %dma_start3A_221 = tpu.memref_slice %arg11[%dma_start3A_219, %dma_start3A_220] : memref<112x128xf32, #tpu.memory_space<vmem>> -> memref<16x128xf32, #tpu.memory_space<vmem>>
      %dma_start3A_222 = arith.constant 0 : i32
      %dma_start3A_223 = arith.constant 0 : i32
      %dma_start3A_224 = tpu.memref_slice %arg17[%dma_start3A_222, %dma_start3A_223] : memref<10240x128xf32, #tpu.memory_space<vmem_shared>> -> memref<10240x128xf32, #tpu.memory_space<vmem_shared>>
      tpu.enqueue_indirect_dma source(%dma_start3A_221 : memref<16x128xf32, #tpu.memory_space<vmem>>) target(%dma_start3A_224 : memref<10240x128xf32, #tpu.memory_space<vmem_shared>>) offsets(%get3A_218 : vector<16xi32>) semaphore(%arg15 : memref<!tpu.dma_semaphore, #tpu.memory_space<semaphore_mem>>) {add = true}
      %mul3A_225 = arith.constant 112 : i32
      %mul3A_226 = arith.muli %mul3A_182, %mul3A_225 : i32
      %add3A_227 = arith.constant 48 : i32
      %add3A_228 = arith.addi %mul3A_226, %add3A_227 : i32
      %get3A_229 = arith.index_cast %add3A_228 : i32 to index
      %get3A_230 = tpu.vector_load %arg10[%get3A_229] {strides = array<i32>} : memref<10080xi32, #tpu.memory_space<vmem>>, vector<16xi32>,
      %get3A_231 = vector.shape_cast %get3A_230 : vector<16xi32> to vector<16xi32>
      %dma_start3A_232 = arith.constant 48 : i32
      %dma_start3A_233 = arith.constant 0 : i32
      %dma_start3A_234 = tpu.memref_slice %arg11[%dma_start3A_232, %dma_start3A_233] : memref<112x128xf32, #tpu.memory_space<vmem>> -> memref<16x128xf32, #tpu.memory_space<vmem>>
      %dma_start3A_235 = arith.constant 0 : i32
      %dma_start3A_236 = arith.constant 0 : i32
      %dma_start3A_237 = tpu.memref_slice %arg17[%dma_start3A_235, %dma_start3A_236] : memref<10240x128xf32, #tpu.memory_space<vmem_shared>> -> memref<10240x128xf32, #tpu.memory_space<vmem_shared>>
      tpu.enqueue_indirect_dma source(%dma_start3A_234 : memref<16x128xf32, #tpu.memory_space<vmem>>) target(%dma_start3A_237 : memref<10240x128xf32, #tpu.memory_space<vmem_shared>>) offsets(%get3A_231 : vector<16xi32>) semaphore(%arg15 : memref<!tpu.dma_semaphore, #tpu.memory_space<semaphore_mem>>) {add = true}
      %mul3A_238 = arith.constant 112 : i32
      %mul3A_239 = arith.muli %mul3A_182, %mul3A_238 : i32
      %add3A_240 = arith.constant 64 : i32
      %add3A_241 = arith.addi %mul3A_239, %add3A_240 : i32
      %get3A_242 = arith.index_cast %add3A_241 : i32 to index
      %get3A_243 = tpu.vector_load %arg10[%get3A_242] {strides = array<i32>} : memref<10080xi32, #tpu.memory_space<vmem>>, vector<16xi32>,
      %get3A_244 = vector.shape_cast %get3A_243 : vector<16xi32> to vector<16xi32>
      %dma_start3A_245 = arith.constant 64 : i32
      %dma_start3A_246 = arith.constant 0 : i32
      %dma_start3A_247 = tpu.memref_slice %arg11[%dma_start3A_245, %dma_start3A_246] : memref<112x128xf32, #tpu.memory_space<vmem>> -> memref<16x128xf32, #tpu.memory_space<vmem>>
      %dma_start3A_248 = arith.constant 0 : i32
      %dma_start3A_249 = arith.constant 0 : i32
      %dma_start3A_250 = tpu.memref_slice %arg17[%dma_start3A_248, %dma_start3A_249] : memref<10240x128xf32, #tpu.memory_space<vmem_shared>> -> memref<10240x128xf32, #tpu.memory_space<vmem_shared>>
      tpu.enqueue_indirect_dma source(%dma_start3A_247 : memref<16x128xf32, #tpu.memory_space<vmem>>) target(%dma_start3A_250 : memref<10240x128xf32, #tpu.memory_space<vmem_shared>>) offsets(%get3A_244 : vector<16xi32>) semaphore(%arg15 : memref<!tpu.dma_semaphore, #tpu.memory_space<semaphore_mem>>) {add = true}
      %mul3A_251 = arith.constant 112 : i32
      %mul3A_252 = arith.muli %mul3A_182, %mul3A_251 : i32
      %add3A_253 = arith.constant 80 : i32
      %add3A_254 = arith.addi %mul3A_252, %add3A_253 : i32
      %get3A_255 = arith.index_cast %add3A_254 : i32 to index
      %get3A_256 = tpu.vector_load %arg10[%get3A_255] {strides = array<i32>} : memref<10080xi32, #tpu.memory_space<vmem>>, vector<16xi32>,
      %get3A_257 = vector.shape_cast %get3A_256 : vector<16xi32> to vector<16xi32>
      %dma_start3A_258 = arith.constant 80 : i32
      %dma_start3A_259 = arith.constant 0 : i32
      %dma_start3A_260 = tpu.memref_slice %arg11[%dma_start3A_258, %dma_start3A_259] : memref<112x128xf32, #tpu.memory_space<vmem>> -> memref<16x128xf32, #tpu.memory_space<vmem>>
      %dma_start3A_261 = arith.constant 0 : i32
      %dma_start3A_262 = arith.constant 0 : i32
      %dma_start3A_263 = tpu.memref_slice %arg17[%dma_start3A_261, %dma_start3A_262] : memref<10240x128xf32, #tpu.memory_space<vmem_shared>> -> memref<10240x128xf32, #tpu.memory_space<vmem_shared>>
      tpu.enqueue_indirect_dma source(%dma_start3A_260 : memref<16x128xf32, #tpu.memory_space<vmem>>) target(%dma_start3A_263 : memref<10240x128xf32, #tpu.memory_space<vmem_shared>>) offsets(%get3A_257 : vector<16xi32>) semaphore(%arg15 : memref<!tpu.dma_semaphore, #tpu.memory_space<semaphore_mem>>) {add = true}
      %mul3A_264 = arith.constant 112 : i32
      %mul3A_265 = arith.muli %mul3A_182, %mul3A_264 : i32
      %add3A_266 = arith.constant 96 : i32
      %add3A_267 = arith.addi %mul3A_265, %add3A_266 : i32
      %get3A_268 = arith.index_cast %add3A_267 : i32 to index
      %get3A_269 = tpu.vector_load %arg10[%get3A_268] {strides = array<i32>} : memref<10080xi32, #tpu.memory_space<vmem>>, vector<16xi32>,
      %get3A_270 = vector.shape_cast %get3A_269 : vector<16xi32> to vector<16xi32>
      %dma_start3A_271 = arith.constant 96 : i32
      %dma_start3A_272 = arith.constant 0 : i32
      %dma_start3A_273 = tpu.memref_slice %arg11[%dma_start3A_271, %dma_start3A_272] : memref<112x128xf32, #tpu.memory_space<vmem>> -> memref<16x128xf32, #tpu.memory_space<vmem>>
      %dma_start3A_274 = arith.constant 0 : i32
      %dma_start3A_275 = arith.constant 0 : i32
      %dma_start3A_276 = tpu.memref_slice %arg17[%dma_start3A_274, %dma_start3A_275] : memref<10240x128xf32, #tpu.memory_space<vmem_shared>> -> memref<10240x128xf32, #tpu.memory_space<vmem_shared>>
      tpu.enqueue_indirect_dma source(%dma_start3A_273 : memref<16x128xf32, #tpu.memory_space<vmem>>) target(%dma_start3A_276 : memref<10240x128xf32, #tpu.memory_space<vmem_shared>>) offsets(%get3A_270 : vector<16xi32>) semaphore(%arg15 : memref<!tpu.dma_semaphore, #tpu.memory_space<semaphore_mem>>) {add = true}
      %dma_wait3A_277 = arith.constant 0 : i32
      %dma_wait3A_278 = tpu.memref_slice %arg9[%dma_wait3A_277] : memref<10080xi32, #tpu.memory_space<vmem>> -> memref<112xi32, #tpu.memory_space<vmem>>
      %dma_wait3A_279 = arith.constant 0 : i32
      %dma_wait3A_280 = arith.constant 0 : i32
      %dma_wait3A_281 = tpu.memref_slice %arg2[%dma_wait3A_279, %dma_wait3A_280] : memref<90000x128xf32, #tpu.memory_space<hbm>> -> memref<90000x128xf32, #tpu.memory_space<hbm>>
      tpu.wait_indirect_dma semaphore(%arg15 : memref<!tpu.dma_semaphore, #tpu.memory_space<semaphore_mem>>) src(%dma_wait3A_281 : memref<90000x128xf32, #tpu.memory_space<hbm>>) dst(%arg11 : memref<112x128xf32, #tpu.memory_space<vmem>>)
      %add3A_282 = arith.constant 2 : i32
      %add3A_283 = arith.addi %mul3A_182, %add3A_282 : i32
      %le3A = arith.constant 89 : i32
      %le3A_284 = arith.cmpi sle, %add3A_283, %le3A : i32
      %convert_element_type3A = arith.extui %le3A_284 : i1 to i32
      %cond3A = arith.constant 0 : i32
      %cond3A_285 = arith.cmpi ne, %convert_element_type3A, %cond3A : i32
      scf.if %cond3A_285 {
        %add3A_396 = arith.constant 2 : i32
        %add3A_397 = arith.addi %mul3A_182, %add3A_396 : i32
        %mul3A_398 = arith.constant 112 : i32
        %mul3A_399 = arith.muli %add3A_397, %mul3A_398 : i32
        %dma_start3A_400 = tpu.memref_slice %arg9[%mul3A_399] : memref<10080xi32, #tpu.memory_space<vmem>> -> memref<112xi32, #tpu.memory_space<vmem>>
        %dma_start3A_401 = arith.constant 0 : i32
        %dma_start3A_402 = arith.constant 0 : i32
        %dma_start3A_403 = tpu.memref_slice %arg2[%dma_start3A_401, %dma_start3A_402] : memref<90000x128xf32, #tpu.memory_space<hbm>> -> memref<90000x128xf32, #tpu.memory_space<hbm>>
        tpu.enqueue_indirect_dma source(%dma_start3A_403 : memref<90000x128xf32, #tpu.memory_space<hbm>>) target(%arg11 : memref<112x128xf32, #tpu.memory_space<vmem>>) offsets(%dma_start3A_400 : memref<112xi32, #tpu.memory_space<vmem>>) semaphore(%arg13 : memref<!tpu.dma_semaphore, #tpu.memory_space<semaphore_mem>>)
      } else {
      }
      %dma_wait3A_286 = arith.constant 0 : i32
      %dma_wait3A_287 = tpu.memref_slice %arg9[%dma_wait3A_286] : memref<10080xi32, #tpu.memory_space<vmem>> -> memref<112xi32, #tpu.memory_space<vmem>>
      %dma_wait3A_288 = arith.constant 0 : i32
      %dma_wait3A_289 = arith.constant 0 : i32
      %dma_wait3A_290 = tpu.memref_slice %arg2[%dma_wait3A_288, %dma_wait3A_289] : memref<90000x128xf32, #tpu.memory_space<hbm>> -> memref<90000x128xf32, #tpu.memory_space<hbm>>
      tpu.wait_indirect_dma semaphore(%arg14 : memref<!tpu.dma_semaphore, #tpu.memory_space<semaphore_mem>>) src(%dma_wait3A_290 : memref<90000x128xf32, #tpu.memory_space<hbm>>) dst(%arg12 : memref<112x128xf32, #tpu.memory_space<vmem>>)
      %add3A_291 = arith.constant 1 : i32
      %add3A_292 = arith.addi %mul3A_182, %add3A_291 : i32
      %mul3A_293 = arith.constant 112 : i32
      %mul3A_294 = arith.muli %add3A_292, %mul3A_293 : i32
      %add3A_295 = arith.constant 0 : i32
      %add3A_296 = arith.addi %mul3A_294, %add3A_295 : i32
      %get3A_297 = arith.index_cast %add3A_296 : i32 to index
      %get3A_298 = tpu.vector_load %arg10[%get3A_297] {strides = array<i32>} : memref<10080xi32, #tpu.memory_space<vmem>>, vector<16xi32>,
      %get3A_299 = vector.shape_cast %get3A_298 : vector<16xi32> to vector<16xi32>
      %dma_start3A_300 = arith.constant 0 : i32
      %dma_start3A_301 = arith.constant 0 : i32
      %dma_start3A_302 = tpu.memref_slice %arg12[%dma_start3A_300, %dma_start3A_301] : memref<112x128xf32, #tpu.memory_space<vmem>> -> memref<16x128xf32, #tpu.memory_space<vmem>>
      %dma_start3A_303 = arith.constant 0 : i32
      %dma_start3A_304 = arith.constant 0 : i32
      %dma_start3A_305 = tpu.memref_slice %arg17[%dma_start3A_303, %dma_start3A_304] : memref<10240x128xf32, #tpu.memory_space<vmem_shared>> -> memref<10240x128xf32, #tpu.memory_space<vmem_shared>>
      tpu.enqueue_indirect_dma source(%dma_start3A_302 : memref<16x128xf32, #tpu.memory_space<vmem>>) target(%dma_start3A_305 : memref<10240x128xf32, #tpu.memory_space<vmem_shared>>) offsets(%get3A_299 : vector<16xi32>) semaphore(%arg16 : memref<!tpu.dma_semaphore, #tpu.memory_space<semaphore_mem>>) {add = true}
      %mul3A_306 = arith.constant 112 : i32
      %mul3A_307 = arith.muli %add3A_292, %mul3A_306 : i32
      %add3A_308 = arith.constant 16 : i32
      %add3A_309 = arith.addi %mul3A_307, %add3A_308 : i32
      %get3A_310 = arith.index_cast %add3A_309 : i32 to index
      %get3A_311 = tpu.vector_load %arg10[%get3A_310] {strides = array<i32>} : memref<10080xi32, #tpu.memory_space<vmem>>, vector<16xi32>,
      %get3A_312 = vector.shape_cast %get3A_311 : vector<16xi32> to vector<16xi32>
      %dma_start3A_313 = arith.constant 16 : i32
      %dma_start3A_314 = arith.constant 0 : i32
      %dma_start3A_315 = tpu.memref_slice %arg12[%dma_start3A_313, %dma_start3A_314] : memref<112x128xf32, #tpu.memory_space<vmem>> -> memref<16x128xf32, #tpu.memory_space<vmem>>
      %dma_start3A_316 = arith.constant 0 : i32
      %dma_start3A_317 = arith.constant 0 : i32
      %dma_start3A_318 = tpu.memref_slice %arg17[%dma_start3A_316, %dma_start3A_317] : memref<10240x128xf32, #tpu.memory_space<vmem_shared>> -> memref<10240x128xf32, #tpu.memory_space<vmem_shared>>
      tpu.enqueue_indirect_dma source(%dma_start3A_315 : memref<16x128xf32, #tpu.memory_space<vmem>>) target(%dma_start3A_318 : memref<10240x128xf32, #tpu.memory_space<vmem_shared>>) offsets(%get3A_312 : vector<16xi32>) semaphore(%arg16 : memref<!tpu.dma_semaphore, #tpu.memory_space<semaphore_mem>>) {add = true}
      %mul3A_319 = arith.constant 112 : i32
      %mul3A_320 = arith.muli %add3A_292, %mul3A_319 : i32
      %add3A_321 = arith.constant 32 : i32
      %add3A_322 = arith.addi %mul3A_320, %add3A_321 : i32
      %get3A_323 = arith.index_cast %add3A_322 : i32 to index
      %get3A_324 = tpu.vector_load %arg10[%get3A_323] {strides = array<i32>} : memref<10080xi32, #tpu.memory_space<vmem>>, vector<16xi32>,
      %get3A_325 = vector.shape_cast %get3A_324 : vector<16xi32> to vector<16xi32>
      %dma_start3A_326 = arith.constant 32 : i32
      %dma_start3A_327 = arith.constant 0 : i32
      %dma_start3A_328 = tpu.memref_slice %arg12[%dma_start3A_326, %dma_start3A_327] : memref<112x128xf32, #tpu.memory_space<vmem>> -> memref<16x128xf32, #tpu.memory_space<vmem>>
      %dma_start3A_329 = arith.constant 0 : i32
      %dma_start3A_330 = arith.constant 0 : i32
      %dma_start3A_331 = tpu.memref_slice %arg17[%dma_start3A_329, %dma_start3A_330] : memref<10240x128xf32, #tpu.memory_space<vmem_shared>> -> memref<10240x128xf32, #tpu.memory_space<vmem_shared>>
      tpu.enqueue_indirect_dma source(%dma_start3A_328 : memref<16x128xf32, #tpu.memory_space<vmem>>) target(%dma_start3A_331 : memref<10240x128xf32, #tpu.memory_space<vmem_shared>>) offsets(%get3A_325 : vector<16xi32>) semaphore(%arg16 : memref<!tpu.dma_semaphore, #tpu.memory_space<semaphore_mem>>) {add = true}
      %mul3A_332 = arith.constant 112 : i32
      %mul3A_333 = arith.muli %add3A_292, %mul3A_332 : i32
      %add3A_334 = arith.constant 48 : i32
      %add3A_335 = arith.addi %mul3A_333, %add3A_334 : i32
      %get3A_336 = arith.index_cast %add3A_335 : i32 to index
      %get3A_337 = tpu.vector_load %arg10[%get3A_336] {strides = array<i32>} : memref<10080xi32, #tpu.memory_space<vmem>>, vector<16xi32>,
      %get3A_338 = vector.shape_cast %get3A_337 : vector<16xi32> to vector<16xi32>
      %dma_start3A_339 = arith.constant 48 : i32
      %dma_start3A_340 = arith.constant 0 : i32
      %dma_start3A_341 = tpu.memref_slice %arg12[%dma_start3A_339, %dma_start3A_340] : memref<112x128xf32, #tpu.memory_space<vmem>> -> memref<16x128xf32, #tpu.memory_space<vmem>>
      %dma_start3A_342 = arith.constant 0 : i32
      %dma_start3A_343 = arith.constant 0 : i32
      %dma_start3A_344 = tpu.memref_slice %arg17[%dma_start3A_342, %dma_start3A_343] : memref<10240x128xf32, #tpu.memory_space<vmem_shared>> -> memref<10240x128xf32, #tpu.memory_space<vmem_shared>>
      tpu.enqueue_indirect_dma source(%dma_start3A_341 : memref<16x128xf32, #tpu.memory_space<vmem>>) target(%dma_start3A_344 : memref<10240x128xf32, #tpu.memory_space<vmem_shared>>) offsets(%get3A_338 : vector<16xi32>) semaphore(%arg16 : memref<!tpu.dma_semaphore, #tpu.memory_space<semaphore_mem>>) {add = true}
      %mul3A_345 = arith.constant 112 : i32
      %mul3A_346 = arith.muli %add3A_292, %mul3A_345 : i32
      %add3A_347 = arith.constant 64 : i32
      %add3A_348 = arith.addi %mul3A_346, %add3A_347 : i32
      %get3A_349 = arith.index_cast %add3A_348 : i32 to index
      %get3A_350 = tpu.vector_load %arg10[%get3A_349] {strides = array<i32>} : memref<10080xi32, #tpu.memory_space<vmem>>, vector<16xi32>,
      %get3A_351 = vector.shape_cast %get3A_350 : vector<16xi32> to vector<16xi32>
      %dma_start3A_352 = arith.constant 64 : i32
      %dma_start3A_353 = arith.constant 0 : i32
      %dma_start3A_354 = tpu.memref_slice %arg12[%dma_start3A_352, %dma_start3A_353] : memref<112x128xf32, #tpu.memory_space<vmem>> -> memref<16x128xf32, #tpu.memory_space<vmem>>
      %dma_start3A_355 = arith.constant 0 : i32
      %dma_start3A_356 = arith.constant 0 : i32
      %dma_start3A_357 = tpu.memref_slice %arg17[%dma_start3A_355, %dma_start3A_356] : memref<10240x128xf32, #tpu.memory_space<vmem_shared>> -> memref<10240x128xf32, #tpu.memory_space<vmem_shared>>
      tpu.enqueue_indirect_dma source(%dma_start3A_354 : memref<16x128xf32, #tpu.memory_space<vmem>>) target(%dma_start3A_357 : memref<10240x128xf32, #tpu.memory_space<vmem_shared>>) offsets(%get3A_351 : vector<16xi32>) semaphore(%arg16 : memref<!tpu.dma_semaphore, #tpu.memory_space<semaphore_mem>>) {add = true}
      %mul3A_358 = arith.constant 112 : i32
      %mul3A_359 = arith.muli %add3A_292, %mul3A_358 : i32
      %add3A_360 = arith.constant 80 : i32
      %add3A_361 = arith.addi %mul3A_359, %add3A_360 : i32
      %get3A_362 = arith.index_cast %add3A_361 : i32 to index
      %get3A_363 = tpu.vector_load %arg10[%get3A_362] {strides = array<i32>} : memref<10080xi32, #tpu.memory_space<vmem>>, vector<16xi32>,
      %get3A_364 = vector.shape_cast %get3A_363 : vector<16xi32> to vector<16xi32>
      %dma_start3A_365 = arith.constant 80 : i32
      %dma_start3A_366 = arith.constant 0 : i32
      %dma_start3A_367 = tpu.memref_slice %arg12[%dma_start3A_365, %dma_start3A_366] : memref<112x128xf32, #tpu.memory_space<vmem>> -> memref<16x128xf32, #tpu.memory_space<vmem>>
      %dma_start3A_368 = arith.constant 0 : i32
      %dma_start3A_369 = arith.constant 0 : i32
      %dma_start3A_370 = tpu.memref_slice %arg17[%dma_start3A_368, %dma_start3A_369] : memref<10240x128xf32, #tpu.memory_space<vmem_shared>> -> memref<10240x128xf32, #tpu.memory_space<vmem_shared>>
      tpu.enqueue_indirect_dma source(%dma_start3A_367 : memref<16x128xf32, #tpu.memory_space<vmem>>) target(%dma_start3A_370 : memref<10240x128xf32, #tpu.memory_space<vmem_shared>>) offsets(%get3A_364 : vector<16xi32>) semaphore(%arg16 : memref<!tpu.dma_semaphore, #tpu.memory_space<semaphore_mem>>) {add = true}
      %mul3A_371 = arith.constant 112 : i32
      %mul3A_372 = arith.muli %add3A_292, %mul3A_371 : i32
      %add3A_373 = arith.constant 96 : i32
      %add3A_374 = arith.addi %mul3A_372, %add3A_373 : i32
      %get3A_375 = arith.index_cast %add3A_374 : i32 to index
      %get3A_376 = tpu.vector_load %arg10[%get3A_375] {strides = array<i32>} : memref<10080xi32, #tpu.memory_space<vmem>>, vector<16xi32>,
      %get3A_377 = vector.shape_cast %get3A_376 : vector<16xi32> to vector<16xi32>
      %dma_start3A_378 = arith.constant 96 : i32
      %dma_start3A_379 = arith.constant 0 : i32
      %dma_start3A_380 = tpu.memref_slice %arg12[%dma_start3A_378, %dma_start3A_379] : memref<112x128xf32, #tpu.memory_space<vmem>> -> memref<16x128xf32, #tpu.memory_space<vmem>>
      %dma_start3A_381 = arith.constant 0 : i32
      %dma_start3A_382 = arith.constant 0 : i32
      %dma_start3A_383 = tpu.memref_slice %arg17[%dma_start3A_381, %dma_start3A_382] : memref<10240x128xf32, #tpu.memory_space<vmem_shared>> -> memref<10240x128xf32, #tpu.memory_space<vmem_shared>>
      tpu.enqueue_indirect_dma source(%dma_start3A_380 : memref<16x128xf32, #tpu.memory_space<vmem>>) target(%dma_start3A_383 : memref<10240x128xf32, #tpu.memory_space<vmem_shared>>) offsets(%get3A_377 : vector<16xi32>) semaphore(%arg16 : memref<!tpu.dma_semaphore, #tpu.memory_space<semaphore_mem>>) {add = true}
      %dma_wait3A_384 = arith.constant 0 : i32
      %dma_wait3A_385 = tpu.memref_slice %arg9[%dma_wait3A_384] : memref<10080xi32, #tpu.memory_space<vmem>> -> memref<112xi32, #tpu.memory_space<vmem>>
      %dma_wait3A_386 = arith.constant 0 : i32
      %dma_wait3A_387 = arith.constant 0 : i32
      %dma_wait3A_388 = tpu.memref_slice %arg2[%dma_wait3A_386, %dma_wait3A_387] : memref<90000x128xf32, #tpu.memory_space<hbm>> -> memref<90000x128xf32, #tpu.memory_space<hbm>>
      tpu.wait_indirect_dma semaphore(%arg16 : memref<!tpu.dma_semaphore, #tpu.memory_space<semaphore_mem>>) src(%dma_wait3A_388 : memref<90000x128xf32, #tpu.memory_space<hbm>>) dst(%arg12 : memref<112x128xf32, #tpu.memory_space<vmem>>)
      %add3A_389 = arith.constant 3 : i32
      %add3A_390 = arith.addi %mul3A_182, %add3A_389 : i32
      %le3A_391 = arith.constant 89 : i32
      %le3A_392 = arith.cmpi sle, %add3A_390, %le3A_391 : i32
      %convert_element_type3A_393 = arith.extui %le3A_392 : i1 to i32
      %cond3A_394 = arith.constant 0 : i32
      %cond3A_395 = arith.cmpi ne, %convert_element_type3A_393, %cond3A_394 : i32
      scf.if %cond3A_395 {
        %add3A_396 = arith.constant 3 : i32
        %add3A_397 = arith.addi %mul3A_182, %add3A_396 : i32
        %mul3A_398 = arith.constant 112 : i32
        %mul3A_399 = arith.muli %add3A_397, %mul3A_398 : i32
        %dma_start3A_400 = tpu.memref_slice %arg9[%mul3A_399] : memref<10080xi32, #tpu.memory_space<vmem>> -> memref<112xi32, #tpu.memory_space<vmem>>
        %dma_start3A_401 = arith.constant 0 : i32
        %dma_start3A_402 = arith.constant 0 : i32
        %dma_start3A_403 = tpu.memref_slice %arg2[%dma_start3A_401, %dma_start3A_402] : memref<90000x128xf32, #tpu.memory_space<hbm>> -> memref<90000x128xf32, #tpu.memory_space<hbm>>
        tpu.enqueue_indirect_dma source(%dma_start3A_403 : memref<90000x128xf32, #tpu.memory_space<hbm>>) target(%arg12 : memref<112x128xf32, #tpu.memory_space<vmem>>) offsets(%dma_start3A_400 : memref<112xi32, #tpu.memory_space<vmem>>) semaphore(%arg14 : memref<!tpu.dma_semaphore, #tpu.memory_space<semaphore_mem>>)
      } else {
      }
    }
    %scan3A_63 = arith.constant 45 : i32
    %barrier3A_64 = arith.constant 0 : index
    tpu.barrier barrier_id(%barrier3A_64)
    %mul3A_65 = arith.constant 640 : i32
    %mul3A_66 = arith.muli %arg1, %mul3A_65 : i32
    %mul3A_67 = arith.constant 640 : i32
    %mul3A_68 = arith.muli %arg1, %mul3A_67 : i32
    %add3A_69 = arith.addi %mul3A_44, %mul3A_68 : i32
    "tpu.region"() ({
      %run_scoped3A = tpu.sem_alloc : memref<!tpu.dma_semaphore, #tpu.memory_space<semaphore_mem>>
      %dma_start3A_180 = arith.constant 0 : i32
      %dma_start3A_181 = tpu.memref_slice %arg8[%add3A_69, %dma_start3A_180] : memref<102400x128xf32, #tpu.memory_space<hbm>> -> memref<640x128xf32, #tpu.memory_space<hbm>>
      %dma_start3A_182 = arith.constant 0 : i32
      %dma_start3A_183 = tpu.memref_slice %arg17[%mul3A_66, %dma_start3A_182] : memref<10240x128xf32, #tpu.memory_space<vmem_shared>> -> memref<640x128xf32, #tpu.memory_space<vmem_shared>>
      tpu.enqueue_dma source(%dma_start3A_183 : memref<640x128xf32, #tpu.memory_space<vmem_shared>>) target(%dma_start3A_181 : memref<640x128xf32, #tpu.memory_space<hbm>>) target_semaphore(%run_scoped3A : memref<!tpu.dma_semaphore, #tpu.memory_space<semaphore_mem>>)
      %dma_wait3A = arith.constant 0 : i32
      %dma_wait3A_184 = tpu.memref_slice %arg8[%add3A_69, %dma_wait3A] : memref<102400x128xf32, #tpu.memory_space<hbm>> -> memref<640x128xf32, #tpu.memory_space<hbm>>
      %dma_wait3A_185 = arith.constant 0 : i32
      %dma_wait3A_186 = tpu.memref_slice %arg17[%mul3A_66, %dma_wait3A_185] : memref<10240x128xf32, #tpu.memory_space<vmem_shared>> -> memref<640x128xf32, #tpu.memory_space<vmem_shared>>
      tpu.wait_dma2 semaphore(%run_scoped3A : memref<!tpu.dma_semaphore, #tpu.memory_space<semaphore_mem>>) src(%dma_wait3A_186 : memref<640x128xf32, #tpu.memory_space<vmem_shared>>) dst(%dma_wait3A_184 : memref<640x128xf32, #tpu.memory_space<hbm>>)
      tpu.yield
    }) : () -> ()
    %barrier3A_70 = arith.constant 0 : index
    tpu.barrier barrier_id(%barrier3A_70)
    %mul3A_71 = arith.constant 4 : i32
    %mul3A_72 = arith.muli %arg0, %mul3A_71 : i32
    %add3A_73 = arith.constant 2 : i32
    %add3A_74 = arith.addi %mul3A_72, %add3A_73 : i32
    %mul3A_75 = arith.constant 161280 : i32
    %mul3A_76 = arith.muli %add3A_74, %mul3A_75 : i32
    %mul3A_77 = arith.constant 10080 : i32
    %mul3A_78 = arith.muli %arg1, %mul3A_77 : i32
    %add3A_79 = arith.addi %mul3A_76, %mul3A_78 : i32
    "tpu.region"() ({
      %run_scoped3A = tpu.sem_alloc : memref<!tpu.dma_semaphore, #tpu.memory_space<semaphore_mem>>
      %dma_start3A_180 = tpu.memref_slice %arg3[%add3A_79] : memref<1290240xi32, #tpu.memory_space<hbm>> -> memref<10080xi32, #tpu.memory_space<hbm>>
      %dma_start3A_181 = tpu.memref_slice %arg3[%add3A_79] : memref<1290240xi32, #tpu.memory_space<hbm>> -> memref<10080xi32, #tpu.memory_space<hbm>>
      tpu.enqueue_dma source(%dma_start3A_181 : memref<10080xi32, #tpu.memory_space<hbm>>) target(%arg9 : memref<10080xi32, #tpu.memory_space<vmem>>) target_semaphore(%run_scoped3A : memref<!tpu.dma_semaphore, #tpu.memory_space<semaphore_mem>>)
      %dma_wait3A = tpu.memref_slice %arg3[%add3A_79] : memref<1290240xi32, #tpu.memory_space<hbm>> -> memref<10080xi32, #tpu.memory_space<hbm>>
      %dma_wait3A_182 = tpu.memref_slice %arg3[%add3A_79] : memref<1290240xi32, #tpu.memory_space<hbm>> -> memref<10080xi32, #tpu.memory_space<hbm>>
      tpu.wait_dma2 semaphore(%run_scoped3A : memref<!tpu.dma_semaphore, #tpu.memory_space<semaphore_mem>>) src(%dma_wait3A_182 : memref<10080xi32, #tpu.memory_space<hbm>>) dst(%arg9 : memref<10080xi32, #tpu.memory_space<vmem>>)
      tpu.yield
    }) : () -> ()
    %mul3A_80 = arith.constant 10240 : i32
    %mul3A_81 = arith.muli %add3A_74, %mul3A_80 : i32
    %mul3A_82 = arith.constant 640 : i32
    %mul3A_83 = arith.muli %arg1, %mul3A_82 : i32
    "tpu.region"() ({
      %run_scoped3A = tpu.sem_alloc : memref<!tpu.dma_semaphore, #tpu.memory_space<semaphore_mem>>
      %dma_start3A_180 = arith.constant 0 : i32
      %dma_start3A_181 = tpu.memref_slice %arg17[%mul3A_83, %dma_start3A_180] : memref<10240x128xf32, #tpu.memory_space<vmem_shared>> -> memref<640x128xf32, #tpu.memory_space<vmem_shared>>
      tpu.enqueue_dma source(%arg7 : memref<640x128xf32, #tpu.memory_space<hbm>>) target(%dma_start3A_181 : memref<640x128xf32, #tpu.memory_space<vmem_shared>>) target_semaphore(%run_scoped3A : memref<!tpu.dma_semaphore, #tpu.memory_space<semaphore_mem>>)
      %dma_wait3A = arith.constant 0 : i32
      %dma_wait3A_182 = tpu.memref_slice %arg17[%mul3A_83, %dma_wait3A] : memref<10240x128xf32, #tpu.memory_space<vmem_shared>> -> memref<640x128xf32, #tpu.memory_space<vmem_shared>>
      tpu.wait_dma2 semaphore(%run_scoped3A : memref<!tpu.dma_semaphore, #tpu.memory_space<semaphore_mem>>) src(%arg7 : memref<640x128xf32, #tpu.memory_space<hbm>>) dst(%dma_wait3A_182 : memref<640x128xf32, #tpu.memory_space<vmem_shared>>)
      tpu.yield
    }) : () -> ()
    %barrier3A_84 = arith.constant 0 : index
    tpu.barrier barrier_id(%barrier3A_84)
    %dma_start3A_85 = arith.constant 0 : i32
    %dma_start3A_86 = tpu.memref_slice %arg9[%dma_start3A_85] : memref<10080xi32, #tpu.memory_space<vmem>> -> memref<112xi32, #tpu.memory_space<vmem>>
    %dma_start3A_87 = arith.constant 0 : i32
    %dma_start3A_88 = arith.constant 0 : i32
    %dma_start3A_89 = tpu.memref_slice %arg2[%dma_start3A_87, %dma_start3A_88] : memref<90000x128xf32, #tpu.memory_space<hbm>> -> memref<90000x128xf32, #tpu.memory_space<hbm>>
    tpu.enqueue_indirect_dma source(%dma_start3A_89 : memref<90000x128xf32, #tpu.memory_space<hbm>>) target(%arg11 : memref<112x128xf32, #tpu.memory_space<vmem>>) offsets(%dma_start3A_86 : memref<112xi32, #tpu.memory_space<vmem>>) semaphore(%arg13 : memref<!tpu.dma_semaphore, #tpu.memory_space<semaphore_mem>>)
    %dma_start3A_90 = arith.constant 112 : i32
    %dma_start3A_91 = tpu.memref_slice %arg9[%dma_start3A_90] : memref<10080xi32, #tpu.memory_space<vmem>> -> memref<112xi32, #tpu.memory_space<vmem>>
    %dma_start3A_92 = arith.constant 0 : i32
    %dma_start3A_93 = arith.constant 0 : i32
    %dma_start3A_94 = tpu.memref_slice %arg2[%dma_start3A_92, %dma_start3A_93] : memref<90000x128xf32, #tpu.memory_space<hbm>> -> memref<90000x128xf32, #tpu.memory_space<hbm>>
    tpu.enqueue_indirect_dma source(%dma_start3A_94 : memref<90000x128xf32, #tpu.memory_space<hbm>>) target(%arg12 : memref<112x128xf32, #tpu.memory_space<vmem>>) offsets(%dma_start3A_91 : memref<112xi32, #tpu.memory_space<vmem>>) semaphore(%arg14 : memref<!tpu.dma_semaphore, #tpu.memory_space<semaphore_mem>>)
    %scan3A_95 = arith.constant 0 : i32
    %scan3A_96 = arith.constant 0 : i32
    %scan3A_97 = arith.constant 45 : i32
    %scan3A_98 = arith.addi %scan3A_96, %scan3A_97 : i32
    %scan3A_99 = arith.constant 1 : i32
    scf.for %scan3A_180 = %scan3A_96 to %scan3A_98 step %scan3A_99  : i32 {
      %mul3A_181 = arith.constant 2 : i32
      %mul3A_182 = arith.muli %mul3A_181, %scan3A_180 : i32
      %dma_wait3A = arith.constant 0 : i32
      %dma_wait3A_183 = tpu.memref_slice %arg9[%dma_wait3A] : memref<10080xi32, #tpu.memory_space<vmem>> -> memref<112xi32, #tpu.memory_space<vmem>>
      %dma_wait3A_184 = arith.constant 0 : i32
      %dma_wait3A_185 = arith.constant 0 : i32
      %dma_wait3A_186 = tpu.memref_slice %arg2[%dma_wait3A_184, %dma_wait3A_185] : memref<90000x128xf32, #tpu.memory_space<hbm>> -> memref<90000x128xf32, #tpu.memory_space<hbm>>
      tpu.wait_indirect_dma semaphore(%arg13 : memref<!tpu.dma_semaphore, #tpu.memory_space<semaphore_mem>>) src(%dma_wait3A_186 : memref<90000x128xf32, #tpu.memory_space<hbm>>) dst(%arg11 : memref<112x128xf32, #tpu.memory_space<vmem>>)
      %mul3A_187 = arith.constant 112 : i32
      %mul3A_188 = arith.muli %mul3A_182, %mul3A_187 : i32
      %add3A_189 = arith.constant 0 : i32
      %add3A_190 = arith.addi %mul3A_188, %add3A_189 : i32
      %get3A = arith.index_cast %add3A_190 : i32 to index
      %get3A_191 = tpu.vector_load %arg10[%get3A] {strides = array<i32>} : memref<10080xi32, #tpu.memory_space<vmem>>, vector<16xi32>,
      %get3A_192 = vector.shape_cast %get3A_191 : vector<16xi32> to vector<16xi32>
      %dma_start3A_193 = arith.constant 0 : i32
      %dma_start3A_194 = arith.constant 0 : i32
      %dma_start3A_195 = tpu.memref_slice %arg11[%dma_start3A_193, %dma_start3A_194] : memref<112x128xf32, #tpu.memory_space<vmem>> -> memref<16x128xf32, #tpu.memory_space<vmem>>
      %dma_start3A_196 = arith.constant 0 : i32
      %dma_start3A_197 = arith.constant 0 : i32
      %dma_start3A_198 = tpu.memref_slice %arg17[%dma_start3A_196, %dma_start3A_197] : memref<10240x128xf32, #tpu.memory_space<vmem_shared>> -> memref<10240x128xf32, #tpu.memory_space<vmem_shared>>
      tpu.enqueue_indirect_dma source(%dma_start3A_195 : memref<16x128xf32, #tpu.memory_space<vmem>>) target(%dma_start3A_198 : memref<10240x128xf32, #tpu.memory_space<vmem_shared>>) offsets(%get3A_192 : vector<16xi32>) semaphore(%arg15 : memref<!tpu.dma_semaphore, #tpu.memory_space<semaphore_mem>>) {add = true}
      %mul3A_199 = arith.constant 112 : i32
      %mul3A_200 = arith.muli %mul3A_182, %mul3A_199 : i32
      %add3A_201 = arith.constant 16 : i32
      %add3A_202 = arith.addi %mul3A_200, %add3A_201 : i32
      %get3A_203 = arith.index_cast %add3A_202 : i32 to index
      %get3A_204 = tpu.vector_load %arg10[%get3A_203] {strides = array<i32>} : memref<10080xi32, #tpu.memory_space<vmem>>, vector<16xi32>,
      %get3A_205 = vector.shape_cast %get3A_204 : vector<16xi32> to vector<16xi32>
      %dma_start3A_206 = arith.constant 16 : i32
      %dma_start3A_207 = arith.constant 0 : i32
      %dma_start3A_208 = tpu.memref_slice %arg11[%dma_start3A_206, %dma_start3A_207] : memref<112x128xf32, #tpu.memory_space<vmem>> -> memref<16x128xf32, #tpu.memory_space<vmem>>
      %dma_start3A_209 = arith.constant 0 : i32
      %dma_start3A_210 = arith.constant 0 : i32
      %dma_start3A_211 = tpu.memref_slice %arg17[%dma_start3A_209, %dma_start3A_210] : memref<10240x128xf32, #tpu.memory_space<vmem_shared>> -> memref<10240x128xf32, #tpu.memory_space<vmem_shared>>
      tpu.enqueue_indirect_dma source(%dma_start3A_208 : memref<16x128xf32, #tpu.memory_space<vmem>>) target(%dma_start3A_211 : memref<10240x128xf32, #tpu.memory_space<vmem_shared>>) offsets(%get3A_205 : vector<16xi32>) semaphore(%arg15 : memref<!tpu.dma_semaphore, #tpu.memory_space<semaphore_mem>>) {add = true}
      %mul3A_212 = arith.constant 112 : i32
      %mul3A_213 = arith.muli %mul3A_182, %mul3A_212 : i32
      %add3A_214 = arith.constant 32 : i32
      %add3A_215 = arith.addi %mul3A_213, %add3A_214 : i32
      %get3A_216 = arith.index_cast %add3A_215 : i32 to index
      %get3A_217 = tpu.vector_load %arg10[%get3A_216] {strides = array<i32>} : memref<10080xi32, #tpu.memory_space<vmem>>, vector<16xi32>,
      %get3A_218 = vector.shape_cast %get3A_217 : vector<16xi32> to vector<16xi32>
      %dma_start3A_219 = arith.constant 32 : i32
      %dma_start3A_220 = arith.constant 0 : i32
      %dma_start3A_221 = tpu.memref_slice %arg11[%dma_start3A_219, %dma_start3A_220] : memref<112x128xf32, #tpu.memory_space<vmem>> -> memref<16x128xf32, #tpu.memory_space<vmem>>
      %dma_start3A_222 = arith.constant 0 : i32
      %dma_start3A_223 = arith.constant 0 : i32
      %dma_start3A_224 = tpu.memref_slice %arg17[%dma_start3A_222, %dma_start3A_223] : memref<10240x128xf32, #tpu.memory_space<vmem_shared>> -> memref<10240x128xf32, #tpu.memory_space<vmem_shared>>
      tpu.enqueue_indirect_dma source(%dma_start3A_221 : memref<16x128xf32, #tpu.memory_space<vmem>>) target(%dma_start3A_224 : memref<10240x128xf32, #tpu.memory_space<vmem_shared>>) offsets(%get3A_218 : vector<16xi32>) semaphore(%arg15 : memref<!tpu.dma_semaphore, #tpu.memory_space<semaphore_mem>>) {add = true}
      %mul3A_225 = arith.constant 112 : i32
      %mul3A_226 = arith.muli %mul3A_182, %mul3A_225 : i32
      %add3A_227 = arith.constant 48 : i32
      %add3A_228 = arith.addi %mul3A_226, %add3A_227 : i32
      %get3A_229 = arith.index_cast %add3A_228 : i32 to index
      %get3A_230 = tpu.vector_load %arg10[%get3A_229] {strides = array<i32>} : memref<10080xi32, #tpu.memory_space<vmem>>, vector<16xi32>,
      %get3A_231 = vector.shape_cast %get3A_230 : vector<16xi32> to vector<16xi32>
      %dma_start3A_232 = arith.constant 48 : i32
      %dma_start3A_233 = arith.constant 0 : i32
      %dma_start3A_234 = tpu.memref_slice %arg11[%dma_start3A_232, %dma_start3A_233] : memref<112x128xf32, #tpu.memory_space<vmem>> -> memref<16x128xf32, #tpu.memory_space<vmem>>
      %dma_start3A_235 = arith.constant 0 : i32
      %dma_start3A_236 = arith.constant 0 : i32
      %dma_start3A_237 = tpu.memref_slice %arg17[%dma_start3A_235, %dma_start3A_236] : memref<10240x128xf32, #tpu.memory_space<vmem_shared>> -> memref<10240x128xf32, #tpu.memory_space<vmem_shared>>
      tpu.enqueue_indirect_dma source(%dma_start3A_234 : memref<16x128xf32, #tpu.memory_space<vmem>>) target(%dma_start3A_237 : memref<10240x128xf32, #tpu.memory_space<vmem_shared>>) offsets(%get3A_231 : vector<16xi32>) semaphore(%arg15 : memref<!tpu.dma_semaphore, #tpu.memory_space<semaphore_mem>>) {add = true}
      %mul3A_238 = arith.constant 112 : i32
      %mul3A_239 = arith.muli %mul3A_182, %mul3A_238 : i32
      %add3A_240 = arith.constant 64 : i32
      %add3A_241 = arith.addi %mul3A_239, %add3A_240 : i32
      %get3A_242 = arith.index_cast %add3A_241 : i32 to index
      %get3A_243 = tpu.vector_load %arg10[%get3A_242] {strides = array<i32>} : memref<10080xi32, #tpu.memory_space<vmem>>, vector<16xi32>,
      %get3A_244 = vector.shape_cast %get3A_243 : vector<16xi32> to vector<16xi32>
      %dma_start3A_245 = arith.constant 64 : i32
      %dma_start3A_246 = arith.constant 0 : i32
      %dma_start3A_247 = tpu.memref_slice %arg11[%dma_start3A_245, %dma_start3A_246] : memref<112x128xf32, #tpu.memory_space<vmem>> -> memref<16x128xf32, #tpu.memory_space<vmem>>
      %dma_start3A_248 = arith.constant 0 : i32
      %dma_start3A_249 = arith.constant 0 : i32
      %dma_start3A_250 = tpu.memref_slice %arg17[%dma_start3A_248, %dma_start3A_249] : memref<10240x128xf32, #tpu.memory_space<vmem_shared>> -> memref<10240x128xf32, #tpu.memory_space<vmem_shared>>
      tpu.enqueue_indirect_dma source(%dma_start3A_247 : memref<16x128xf32, #tpu.memory_space<vmem>>) target(%dma_start3A_250 : memref<10240x128xf32, #tpu.memory_space<vmem_shared>>) offsets(%get3A_244 : vector<16xi32>) semaphore(%arg15 : memref<!tpu.dma_semaphore, #tpu.memory_space<semaphore_mem>>) {add = true}
      %mul3A_251 = arith.constant 112 : i32
      %mul3A_252 = arith.muli %mul3A_182, %mul3A_251 : i32
      %add3A_253 = arith.constant 80 : i32
      %add3A_254 = arith.addi %mul3A_252, %add3A_253 : i32
      %get3A_255 = arith.index_cast %add3A_254 : i32 to index
      %get3A_256 = tpu.vector_load %arg10[%get3A_255] {strides = array<i32>} : memref<10080xi32, #tpu.memory_space<vmem>>, vector<16xi32>,
      %get3A_257 = vector.shape_cast %get3A_256 : vector<16xi32> to vector<16xi32>
      %dma_start3A_258 = arith.constant 80 : i32
      %dma_start3A_259 = arith.constant 0 : i32
      %dma_start3A_260 = tpu.memref_slice %arg11[%dma_start3A_258, %dma_start3A_259] : memref<112x128xf32, #tpu.memory_space<vmem>> -> memref<16x128xf32, #tpu.memory_space<vmem>>
      %dma_start3A_261 = arith.constant 0 : i32
      %dma_start3A_262 = arith.constant 0 : i32
      %dma_start3A_263 = tpu.memref_slice %arg17[%dma_start3A_261, %dma_start3A_262] : memref<10240x128xf32, #tpu.memory_space<vmem_shared>> -> memref<10240x128xf32, #tpu.memory_space<vmem_shared>>
      tpu.enqueue_indirect_dma source(%dma_start3A_260 : memref<16x128xf32, #tpu.memory_space<vmem>>) target(%dma_start3A_263 : memref<10240x128xf32, #tpu.memory_space<vmem_shared>>) offsets(%get3A_257 : vector<16xi32>) semaphore(%arg15 : memref<!tpu.dma_semaphore, #tpu.memory_space<semaphore_mem>>) {add = true}
      %mul3A_264 = arith.constant 112 : i32
      %mul3A_265 = arith.muli %mul3A_182, %mul3A_264 : i32
      %add3A_266 = arith.constant 96 : i32
      %add3A_267 = arith.addi %mul3A_265, %add3A_266 : i32
      %get3A_268 = arith.index_cast %add3A_267 : i32 to index
      %get3A_269 = tpu.vector_load %arg10[%get3A_268] {strides = array<i32>} : memref<10080xi32, #tpu.memory_space<vmem>>, vector<16xi32>,
      %get3A_270 = vector.shape_cast %get3A_269 : vector<16xi32> to vector<16xi32>
      %dma_start3A_271 = arith.constant 96 : i32
      %dma_start3A_272 = arith.constant 0 : i32
      %dma_start3A_273 = tpu.memref_slice %arg11[%dma_start3A_271, %dma_start3A_272] : memref<112x128xf32, #tpu.memory_space<vmem>> -> memref<16x128xf32, #tpu.memory_space<vmem>>
      %dma_start3A_274 = arith.constant 0 : i32
      %dma_start3A_275 = arith.constant 0 : i32
      %dma_start3A_276 = tpu.memref_slice %arg17[%dma_start3A_274, %dma_start3A_275] : memref<10240x128xf32, #tpu.memory_space<vmem_shared>> -> memref<10240x128xf32, #tpu.memory_space<vmem_shared>>
      tpu.enqueue_indirect_dma source(%dma_start3A_273 : memref<16x128xf32, #tpu.memory_space<vmem>>) target(%dma_start3A_276 : memref<10240x128xf32, #tpu.memory_space<vmem_shared>>) offsets(%get3A_270 : vector<16xi32>) semaphore(%arg15 : memref<!tpu.dma_semaphore, #tpu.memory_space<semaphore_mem>>) {add = true}
      %dma_wait3A_277 = arith.constant 0 : i32
      %dma_wait3A_278 = tpu.memref_slice %arg9[%dma_wait3A_277] : memref<10080xi32, #tpu.memory_space<vmem>> -> memref<112xi32, #tpu.memory_space<vmem>>
      %dma_wait3A_279 = arith.constant 0 : i32
      %dma_wait3A_280 = arith.constant 0 : i32
      %dma_wait3A_281 = tpu.memref_slice %arg2[%dma_wait3A_279, %dma_wait3A_280] : memref<90000x128xf32, #tpu.memory_space<hbm>> -> memref<90000x128xf32, #tpu.memory_space<hbm>>
      tpu.wait_indirect_dma semaphore(%arg15 : memref<!tpu.dma_semaphore, #tpu.memory_space<semaphore_mem>>) src(%dma_wait3A_281 : memref<90000x128xf32, #tpu.memory_space<hbm>>) dst(%arg11 : memref<112x128xf32, #tpu.memory_space<vmem>>)
      %add3A_282 = arith.constant 2 : i32
      %add3A_283 = arith.addi %mul3A_182, %add3A_282 : i32
      %le3A = arith.constant 89 : i32
      %le3A_284 = arith.cmpi sle, %add3A_283, %le3A : i32
      %convert_element_type3A = arith.extui %le3A_284 : i1 to i32
      %cond3A = arith.constant 0 : i32
      %cond3A_285 = arith.cmpi ne, %convert_element_type3A, %cond3A : i32
      scf.if %cond3A_285 {
        %add3A_396 = arith.constant 2 : i32
        %add3A_397 = arith.addi %mul3A_182, %add3A_396 : i32
        %mul3A_398 = arith.constant 112 : i32
        %mul3A_399 = arith.muli %add3A_397, %mul3A_398 : i32
        %dma_start3A_400 = tpu.memref_slice %arg9[%mul3A_399] : memref<10080xi32, #tpu.memory_space<vmem>> -> memref<112xi32, #tpu.memory_space<vmem>>
        %dma_start3A_401 = arith.constant 0 : i32
        %dma_start3A_402 = arith.constant 0 : i32
        %dma_start3A_403 = tpu.memref_slice %arg2[%dma_start3A_401, %dma_start3A_402] : memref<90000x128xf32, #tpu.memory_space<hbm>> -> memref<90000x128xf32, #tpu.memory_space<hbm>>
        tpu.enqueue_indirect_dma source(%dma_start3A_403 : memref<90000x128xf32, #tpu.memory_space<hbm>>) target(%arg11 : memref<112x128xf32, #tpu.memory_space<vmem>>) offsets(%dma_start3A_400 : memref<112xi32, #tpu.memory_space<vmem>>) semaphore(%arg13 : memref<!tpu.dma_semaphore, #tpu.memory_space<semaphore_mem>>)
      } else {
      }
      %dma_wait3A_286 = arith.constant 0 : i32
      %dma_wait3A_287 = tpu.memref_slice %arg9[%dma_wait3A_286] : memref<10080xi32, #tpu.memory_space<vmem>> -> memref<112xi32, #tpu.memory_space<vmem>>
      %dma_wait3A_288 = arith.constant 0 : i32
      %dma_wait3A_289 = arith.constant 0 : i32
      %dma_wait3A_290 = tpu.memref_slice %arg2[%dma_wait3A_288, %dma_wait3A_289] : memref<90000x128xf32, #tpu.memory_space<hbm>> -> memref<90000x128xf32, #tpu.memory_space<hbm>>
      tpu.wait_indirect_dma semaphore(%arg14 : memref<!tpu.dma_semaphore, #tpu.memory_space<semaphore_mem>>) src(%dma_wait3A_290 : memref<90000x128xf32, #tpu.memory_space<hbm>>) dst(%arg12 : memref<112x128xf32, #tpu.memory_space<vmem>>)
      %add3A_291 = arith.constant 1 : i32
      %add3A_292 = arith.addi %mul3A_182, %add3A_291 : i32
      %mul3A_293 = arith.constant 112 : i32
      %mul3A_294 = arith.muli %add3A_292, %mul3A_293 : i32
      %add3A_295 = arith.constant 0 : i32
      %add3A_296 = arith.addi %mul3A_294, %add3A_295 : i32
      %get3A_297 = arith.index_cast %add3A_296 : i32 to index
      %get3A_298 = tpu.vector_load %arg10[%get3A_297] {strides = array<i32>} : memref<10080xi32, #tpu.memory_space<vmem>>, vector<16xi32>,
      %get3A_299 = vector.shape_cast %get3A_298 : vector<16xi32> to vector<16xi32>
      %dma_start3A_300 = arith.constant 0 : i32
      %dma_start3A_301 = arith.constant 0 : i32
      %dma_start3A_302 = tpu.memref_slice %arg12[%dma_start3A_300, %dma_start3A_301] : memref<112x128xf32, #tpu.memory_space<vmem>> -> memref<16x128xf32, #tpu.memory_space<vmem>>
      %dma_start3A_303 = arith.constant 0 : i32
      %dma_start3A_304 = arith.constant 0 : i32
      %dma_start3A_305 = tpu.memref_slice %arg17[%dma_start3A_303, %dma_start3A_304] : memref<10240x128xf32, #tpu.memory_space<vmem_shared>> -> memref<10240x128xf32, #tpu.memory_space<vmem_shared>>
      tpu.enqueue_indirect_dma source(%dma_start3A_302 : memref<16x128xf32, #tpu.memory_space<vmem>>) target(%dma_start3A_305 : memref<10240x128xf32, #tpu.memory_space<vmem_shared>>) offsets(%get3A_299 : vector<16xi32>) semaphore(%arg16 : memref<!tpu.dma_semaphore, #tpu.memory_space<semaphore_mem>>) {add = true}
      %mul3A_306 = arith.constant 112 : i32
      %mul3A_307 = arith.muli %add3A_292, %mul3A_306 : i32
      %add3A_308 = arith.constant 16 : i32
      %add3A_309 = arith.addi %mul3A_307, %add3A_308 : i32
      %get3A_310 = arith.index_cast %add3A_309 : i32 to index
      %get3A_311 = tpu.vector_load %arg10[%get3A_310] {strides = array<i32>} : memref<10080xi32, #tpu.memory_space<vmem>>, vector<16xi32>,
      %get3A_312 = vector.shape_cast %get3A_311 : vector<16xi32> to vector<16xi32>
      %dma_start3A_313 = arith.constant 16 : i32
      %dma_start3A_314 = arith.constant 0 : i32
      %dma_start3A_315 = tpu.memref_slice %arg12[%dma_start3A_313, %dma_start3A_314] : memref<112x128xf32, #tpu.memory_space<vmem>> -> memref<16x128xf32, #tpu.memory_space<vmem>>
      %dma_start3A_316 = arith.constant 0 : i32
      %dma_start3A_317 = arith.constant 0 : i32
      %dma_start3A_318 = tpu.memref_slice %arg17[%dma_start3A_316, %dma_start3A_317] : memref<10240x128xf32, #tpu.memory_space<vmem_shared>> -> memref<10240x128xf32, #tpu.memory_space<vmem_shared>>
      tpu.enqueue_indirect_dma source(%dma_start3A_315 : memref<16x128xf32, #tpu.memory_space<vmem>>) target(%dma_start3A_318 : memref<10240x128xf32, #tpu.memory_space<vmem_shared>>) offsets(%get3A_312 : vector<16xi32>) semaphore(%arg16 : memref<!tpu.dma_semaphore, #tpu.memory_space<semaphore_mem>>) {add = true}
      %mul3A_319 = arith.constant 112 : i32
      %mul3A_320 = arith.muli %add3A_292, %mul3A_319 : i32
      %add3A_321 = arith.constant 32 : i32
      %add3A_322 = arith.addi %mul3A_320, %add3A_321 : i32
      %get3A_323 = arith.index_cast %add3A_322 : i32 to index
      %get3A_324 = tpu.vector_load %arg10[%get3A_323] {strides = array<i32>} : memref<10080xi32, #tpu.memory_space<vmem>>, vector<16xi32>,
      %get3A_325 = vector.shape_cast %get3A_324 : vector<16xi32> to vector<16xi32>
      %dma_start3A_326 = arith.constant 32 : i32
      %dma_start3A_327 = arith.constant 0 : i32
      %dma_start3A_328 = tpu.memref_slice %arg12[%dma_start3A_326, %dma_start3A_327] : memref<112x128xf32, #tpu.memory_space<vmem>> -> memref<16x128xf32, #tpu.memory_space<vmem>>
      %dma_start3A_329 = arith.constant 0 : i32
      %dma_start3A_330 = arith.constant 0 : i32
      %dma_start3A_331 = tpu.memref_slice %arg17[%dma_start3A_329, %dma_start3A_330] : memref<10240x128xf32, #tpu.memory_space<vmem_shared>> -> memref<10240x128xf32, #tpu.memory_space<vmem_shared>>
      tpu.enqueue_indirect_dma source(%dma_start3A_328 : memref<16x128xf32, #tpu.memory_space<vmem>>) target(%dma_start3A_331 : memref<10240x128xf32, #tpu.memory_space<vmem_shared>>) offsets(%get3A_325 : vector<16xi32>) semaphore(%arg16 : memref<!tpu.dma_semaphore, #tpu.memory_space<semaphore_mem>>) {add = true}
      %mul3A_332 = arith.constant 112 : i32
      %mul3A_333 = arith.muli %add3A_292, %mul3A_332 : i32
      %add3A_334 = arith.constant 48 : i32
      %add3A_335 = arith.addi %mul3A_333, %add3A_334 : i32
      %get3A_336 = arith.index_cast %add3A_335 : i32 to index
      %get3A_337 = tpu.vector_load %arg10[%get3A_336] {strides = array<i32>} : memref<10080xi32, #tpu.memory_space<vmem>>, vector<16xi32>,
      %get3A_338 = vector.shape_cast %get3A_337 : vector<16xi32> to vector<16xi32>
      %dma_start3A_339 = arith.constant 48 : i32
      %dma_start3A_340 = arith.constant 0 : i32
      %dma_start3A_341 = tpu.memref_slice %arg12[%dma_start3A_339, %dma_start3A_340] : memref<112x128xf32, #tpu.memory_space<vmem>> -> memref<16x128xf32, #tpu.memory_space<vmem>>
      %dma_start3A_342 = arith.constant 0 : i32
      %dma_start3A_343 = arith.constant 0 : i32
      %dma_start3A_344 = tpu.memref_slice %arg17[%dma_start3A_342, %dma_start3A_343] : memref<10240x128xf32, #tpu.memory_space<vmem_shared>> -> memref<10240x128xf32, #tpu.memory_space<vmem_shared>>
      tpu.enqueue_indirect_dma source(%dma_start3A_341 : memref<16x128xf32, #tpu.memory_space<vmem>>) target(%dma_start3A_344 : memref<10240x128xf32, #tpu.memory_space<vmem_shared>>) offsets(%get3A_338 : vector<16xi32>) semaphore(%arg16 : memref<!tpu.dma_semaphore, #tpu.memory_space<semaphore_mem>>) {add = true}
      %mul3A_345 = arith.constant 112 : i32
      %mul3A_346 = arith.muli %add3A_292, %mul3A_345 : i32
      %add3A_347 = arith.constant 64 : i32
      %add3A_348 = arith.addi %mul3A_346, %add3A_347 : i32
      %get3A_349 = arith.index_cast %add3A_348 : i32 to index
      %get3A_350 = tpu.vector_load %arg10[%get3A_349] {strides = array<i32>} : memref<10080xi32, #tpu.memory_space<vmem>>, vector<16xi32>,
      %get3A_351 = vector.shape_cast %get3A_350 : vector<16xi32> to vector<16xi32>
      %dma_start3A_352 = arith.constant 64 : i32
      %dma_start3A_353 = arith.constant 0 : i32
      %dma_start3A_354 = tpu.memref_slice %arg12[%dma_start3A_352, %dma_start3A_353] : memref<112x128xf32, #tpu.memory_space<vmem>> -> memref<16x128xf32, #tpu.memory_space<vmem>>
      %dma_start3A_355 = arith.constant 0 : i32
      %dma_start3A_356 = arith.constant 0 : i32
      %dma_start3A_357 = tpu.memref_slice %arg17[%dma_start3A_355, %dma_start3A_356] : memref<10240x128xf32, #tpu.memory_space<vmem_shared>> -> memref<10240x128xf32, #tpu.memory_space<vmem_shared>>
      tpu.enqueue_indirect_dma source(%dma_start3A_354 : memref<16x128xf32, #tpu.memory_space<vmem>>) target(%dma_start3A_357 : memref<10240x128xf32, #tpu.memory_space<vmem_shared>>) offsets(%get3A_351 : vector<16xi32>) semaphore(%arg16 : memref<!tpu.dma_semaphore, #tpu.memory_space<semaphore_mem>>) {add = true}
      %mul3A_358 = arith.constant 112 : i32
      %mul3A_359 = arith.muli %add3A_292, %mul3A_358 : i32
      %add3A_360 = arith.constant 80 : i32
      %add3A_361 = arith.addi %mul3A_359, %add3A_360 : i32
      %get3A_362 = arith.index_cast %add3A_361 : i32 to index
      %get3A_363 = tpu.vector_load %arg10[%get3A_362] {strides = array<i32>} : memref<10080xi32, #tpu.memory_space<vmem>>, vector<16xi32>,
      %get3A_364 = vector.shape_cast %get3A_363 : vector<16xi32> to vector<16xi32>
      %dma_start3A_365 = arith.constant 80 : i32
      %dma_start3A_366 = arith.constant 0 : i32
      %dma_start3A_367 = tpu.memref_slice %arg12[%dma_start3A_365, %dma_start3A_366] : memref<112x128xf32, #tpu.memory_space<vmem>> -> memref<16x128xf32, #tpu.memory_space<vmem>>
      %dma_start3A_368 = arith.constant 0 : i32
      %dma_start3A_369 = arith.constant 0 : i32
      %dma_start3A_370 = tpu.memref_slice %arg17[%dma_start3A_368, %dma_start3A_369] : memref<10240x128xf32, #tpu.memory_space<vmem_shared>> -> memref<10240x128xf32, #tpu.memory_space<vmem_shared>>
      tpu.enqueue_indirect_dma source(%dma_start3A_367 : memref<16x128xf32, #tpu.memory_space<vmem>>) target(%dma_start3A_370 : memref<10240x128xf32, #tpu.memory_space<vmem_shared>>) offsets(%get3A_364 : vector<16xi32>) semaphore(%arg16 : memref<!tpu.dma_semaphore, #tpu.memory_space<semaphore_mem>>) {add = true}
      %mul3A_371 = arith.constant 112 : i32
      %mul3A_372 = arith.muli %add3A_292, %mul3A_371 : i32
      %add3A_373 = arith.constant 96 : i32
      %add3A_374 = arith.addi %mul3A_372, %add3A_373 : i32
      %get3A_375 = arith.index_cast %add3A_374 : i32 to index
      %get3A_376 = tpu.vector_load %arg10[%get3A_375] {strides = array<i32>} : memref<10080xi32, #tpu.memory_space<vmem>>, vector<16xi32>,
      %get3A_377 = vector.shape_cast %get3A_376 : vector<16xi32> to vector<16xi32>
      %dma_start3A_378 = arith.constant 96 : i32
      %dma_start3A_379 = arith.constant 0 : i32
      %dma_start3A_380 = tpu.memref_slice %arg12[%dma_start3A_378, %dma_start3A_379] : memref<112x128xf32, #tpu.memory_space<vmem>> -> memref<16x128xf32, #tpu.memory_space<vmem>>
      %dma_start3A_381 = arith.constant 0 : i32
      %dma_start3A_382 = arith.constant 0 : i32
      %dma_start3A_383 = tpu.memref_slice %arg17[%dma_start3A_381, %dma_start3A_382] : memref<10240x128xf32, #tpu.memory_space<vmem_shared>> -> memref<10240x128xf32, #tpu.memory_space<vmem_shared>>
      tpu.enqueue_indirect_dma source(%dma_start3A_380 : memref<16x128xf32, #tpu.memory_space<vmem>>) target(%dma_start3A_383 : memref<10240x128xf32, #tpu.memory_space<vmem_shared>>) offsets(%get3A_377 : vector<16xi32>) semaphore(%arg16 : memref<!tpu.dma_semaphore, #tpu.memory_space<semaphore_mem>>) {add = true}
      %dma_wait3A_384 = arith.constant 0 : i32
      %dma_wait3A_385 = tpu.memref_slice %arg9[%dma_wait3A_384] : memref<10080xi32, #tpu.memory_space<vmem>> -> memref<112xi32, #tpu.memory_space<vmem>>
      %dma_wait3A_386 = arith.constant 0 : i32
      %dma_wait3A_387 = arith.constant 0 : i32
      %dma_wait3A_388 = tpu.memref_slice %arg2[%dma_wait3A_386, %dma_wait3A_387] : memref<90000x128xf32, #tpu.memory_space<hbm>> -> memref<90000x128xf32, #tpu.memory_space<hbm>>
      tpu.wait_indirect_dma semaphore(%arg16 : memref<!tpu.dma_semaphore, #tpu.memory_space<semaphore_mem>>) src(%dma_wait3A_388 : memref<90000x128xf32, #tpu.memory_space<hbm>>) dst(%arg12 : memref<112x128xf32, #tpu.memory_space<vmem>>)
      %add3A_389 = arith.constant 3 : i32
      %add3A_390 = arith.addi %mul3A_182, %add3A_389 : i32
      %le3A_391 = arith.constant 89 : i32
      %le3A_392 = arith.cmpi sle, %add3A_390, %le3A_391 : i32
      %convert_element_type3A_393 = arith.extui %le3A_392 : i1 to i32
      %cond3A_394 = arith.constant 0 : i32
      %cond3A_395 = arith.cmpi ne, %convert_element_type3A_393, %cond3A_394 : i32
      scf.if %cond3A_395 {
        %add3A_396 = arith.constant 3 : i32
        %add3A_397 = arith.addi %mul3A_182, %add3A_396 : i32
        %mul3A_398 = arith.constant 112 : i32
        %mul3A_399 = arith.muli %add3A_397, %mul3A_398 : i32
        %dma_start3A_400 = tpu.memref_slice %arg9[%mul3A_399] : memref<10080xi32, #tpu.memory_space<vmem>> -> memref<112xi32, #tpu.memory_space<vmem>>
        %dma_start3A_401 = arith.constant 0 : i32
        %dma_start3A_402 = arith.constant 0 : i32
        %dma_start3A_403 = tpu.memref_slice %arg2[%dma_start3A_401, %dma_start3A_402] : memref<90000x128xf32, #tpu.memory_space<hbm>> -> memref<90000x128xf32, #tpu.memory_space<hbm>>
        tpu.enqueue_indirect_dma source(%dma_start3A_403 : memref<90000x128xf32, #tpu.memory_space<hbm>>) target(%arg12 : memref<112x128xf32, #tpu.memory_space<vmem>>) offsets(%dma_start3A_400 : memref<112xi32, #tpu.memory_space<vmem>>) semaphore(%arg14 : memref<!tpu.dma_semaphore, #tpu.memory_space<semaphore_mem>>)
      } else {
      }
    }
    %scan3A_100 = arith.constant 45 : i32
    %barrier3A_101 = arith.constant 0 : index
    tpu.barrier barrier_id(%barrier3A_101)
    %mul3A_102 = arith.constant 640 : i32
    %mul3A_103 = arith.muli %arg1, %mul3A_102 : i32
    %mul3A_104 = arith.constant 640 : i32
    %mul3A_105 = arith.muli %arg1, %mul3A_104 : i32
    %add3A_106 = arith.addi %mul3A_81, %mul3A_105 : i32
    "tpu.region"() ({
      %run_scoped3A = tpu.sem_alloc : memref<!tpu.dma_semaphore, #tpu.memory_space<semaphore_mem>>
      %dma_start3A_180 = arith.constant 0 : i32
      %dma_start3A_181 = tpu.memref_slice %arg8[%add3A_106, %dma_start3A_180] : memref<102400x128xf32, #tpu.memory_space<hbm>> -> memref<640x128xf32, #tpu.memory_space<hbm>>
      %dma_start3A_182 = arith.constant 0 : i32
      %dma_start3A_183 = tpu.memref_slice %arg17[%mul3A_103, %dma_start3A_182] : memref<10240x128xf32, #tpu.memory_space<vmem_shared>> -> memref<640x128xf32, #tpu.memory_space<vmem_shared>>
      tpu.enqueue_dma source(%dma_start3A_183 : memref<640x128xf32, #tpu.memory_space<vmem_shared>>) target(%dma_start3A_181 : memref<640x128xf32, #tpu.memory_space<hbm>>) target_semaphore(%run_scoped3A : memref<!tpu.dma_semaphore, #tpu.memory_space<semaphore_mem>>)
      %dma_wait3A = arith.constant 0 : i32
      %dma_wait3A_184 = tpu.memref_slice %arg8[%add3A_106, %dma_wait3A] : memref<102400x128xf32, #tpu.memory_space<hbm>> -> memref<640x128xf32, #tpu.memory_space<hbm>>
      %dma_wait3A_185 = arith.constant 0 : i32
      %dma_wait3A_186 = tpu.memref_slice %arg17[%mul3A_103, %dma_wait3A_185] : memref<10240x128xf32, #tpu.memory_space<vmem_shared>> -> memref<640x128xf32, #tpu.memory_space<vmem_shared>>
      tpu.wait_dma2 semaphore(%run_scoped3A : memref<!tpu.dma_semaphore, #tpu.memory_space<semaphore_mem>>) src(%dma_wait3A_186 : memref<640x128xf32, #tpu.memory_space<vmem_shared>>) dst(%dma_wait3A_184 : memref<640x128xf32, #tpu.memory_space<hbm>>)
      tpu.yield
    }) : () -> ()
    %barrier3A_107 = arith.constant 0 : index
    tpu.barrier barrier_id(%barrier3A_107)
    %mul3A_108 = arith.constant 4 : i32
    %mul3A_109 = arith.muli %arg0, %mul3A_108 : i32
    %add3A_110 = arith.constant 3 : i32
    %add3A_111 = arith.addi %mul3A_109, %add3A_110 : i32
    %mul3A_112 = arith.constant 161280 : i32
    %mul3A_113 = arith.muli %add3A_111, %mul3A_112 : i32
    %mul3A_114 = arith.constant 10080 : i32
    %mul3A_115 = arith.muli %arg1, %mul3A_114 : i32
    %add3A_116 = arith.addi %mul3A_113, %mul3A_115 : i32
    "tpu.region"() ({
      %run_scoped3A = tpu.sem_alloc : memref<!tpu.dma_semaphore, #tpu.memory_space<semaphore_mem>>
      %dma_start3A_180 = tpu.memref_slice %arg3[%add3A_116] : memref<1290240xi32, #tpu.memory_space<hbm>> -> memref<10080xi32, #tpu.memory_space<hbm>>
      %dma_start3A_181 = tpu.memref_slice %arg3[%add3A_116] : memref<1290240xi32, #tpu.memory_space<hbm>> -> memref<10080xi32, #tpu.memory_space<hbm>>
      tpu.enqueue_dma source(%dma_start3A_181 : memref<10080xi32, #tpu.memory_space<hbm>>) target(%arg9 : memref<10080xi32, #tpu.memory_space<vmem>>) target_semaphore(%run_scoped3A : memref<!tpu.dma_semaphore, #tpu.memory_space<semaphore_mem>>)
      %dma_wait3A = tpu.memref_slice %arg3[%add3A_116] : memref<1290240xi32, #tpu.memory_space<hbm>> -> memref<10080xi32, #tpu.memory_space<hbm>>
      %dma_wait3A_182 = tpu.memref_slice %arg3[%add3A_116] : memref<1290240xi32, #tpu.memory_space<hbm>> -> memref<10080xi32, #tpu.memory_space<hbm>>
      tpu.wait_dma2 semaphore(%run_scoped3A : memref<!tpu.dma_semaphore, #tpu.memory_space<semaphore_mem>>) src(%dma_wait3A_182 : memref<10080xi32, #tpu.memory_space<hbm>>) dst(%arg9 : memref<10080xi32, #tpu.memory_space<vmem>>)
      tpu.yield
    }) : () -> ()
    %mul3A_117 = arith.constant 10240 : i32
    %mul3A_118 = arith.muli %add3A_111, %mul3A_117 : i32
    %mul3A_119 = arith.constant 640 : i32
    %mul3A_120 = arith.muli %arg1, %mul3A_119 : i32
    "tpu.region"() ({
      %run_scoped3A = tpu.sem_alloc : memref<!tpu.dma_semaphore, #tpu.memory_space<semaphore_mem>>
      %dma_start3A_180 = arith.constant 0 : i32
      %dma_start3A_181 = tpu.memref_slice %arg17[%mul3A_120, %dma_start3A_180] : memref<10240x128xf32, #tpu.memory_space<vmem_shared>> -> memref<640x128xf32, #tpu.memory_space<vmem_shared>>
      tpu.enqueue_dma source(%arg7 : memref<640x128xf32, #tpu.memory_space<hbm>>) target(%dma_start3A_181 : memref<640x128xf32, #tpu.memory_space<vmem_shared>>) target_semaphore(%run_scoped3A : memref<!tpu.dma_semaphore, #tpu.memory_space<semaphore_mem>>)
      %dma_wait3A = arith.constant 0 : i32
      %dma_wait3A_182 = tpu.memref_slice %arg17[%mul3A_120, %dma_wait3A] : memref<10240x128xf32, #tpu.memory_space<vmem_shared>> -> memref<640x128xf32, #tpu.memory_space<vmem_shared>>
      tpu.wait_dma2 semaphore(%run_scoped3A : memref<!tpu.dma_semaphore, #tpu.memory_space<semaphore_mem>>) src(%arg7 : memref<640x128xf32, #tpu.memory_space<hbm>>) dst(%dma_wait3A_182 : memref<640x128xf32, #tpu.memory_space<vmem_shared>>)
      tpu.yield
    }) : () -> ()
    %barrier3A_121 = arith.constant 0 : index
    tpu.barrier barrier_id(%barrier3A_121)
    %dma_start3A_122 = arith.constant 0 : i32
    %dma_start3A_123 = tpu.memref_slice %arg9[%dma_start3A_122] : memref<10080xi32, #tpu.memory_space<vmem>> -> memref<112xi32, #tpu.memory_space<vmem>>
    %dma_start3A_124 = arith.constant 0 : i32
    %dma_start3A_125 = arith.constant 0 : i32
    %dma_start3A_126 = tpu.memref_slice %arg2[%dma_start3A_124, %dma_start3A_125] : memref<90000x128xf32, #tpu.memory_space<hbm>> -> memref<90000x128xf32, #tpu.memory_space<hbm>>
    tpu.enqueue_indirect_dma source(%dma_start3A_126 : memref<90000x128xf32, #tpu.memory_space<hbm>>) target(%arg11 : memref<112x128xf32, #tpu.memory_space<vmem>>) offsets(%dma_start3A_123 : memref<112xi32, #tpu.memory_space<vmem>>) semaphore(%arg13 : memref<!tpu.dma_semaphore, #tpu.memory_space<semaphore_mem>>)
    %dma_start3A_127 = arith.constant 112 : i32
    %dma_start3A_128 = tpu.memref_slice %arg9[%dma_start3A_127] : memref<10080xi32, #tpu.memory_space<vmem>> -> memref<112xi32, #tpu.memory_space<vmem>>
    %dma_start3A_129 = arith.constant 0 : i32
    %dma_start3A_130 = arith.constant 0 : i32
    %dma_start3A_131 = tpu.memref_slice %arg2[%dma_start3A_129, %dma_start3A_130] : memref<90000x128xf32, #tpu.memory_space<hbm>> -> memref<90000x128xf32, #tpu.memory_space<hbm>>
    tpu.enqueue_indirect_dma source(%dma_start3A_131 : memref<90000x128xf32, #tpu.memory_space<hbm>>) target(%arg12 : memref<112x128xf32, #tpu.memory_space<vmem>>) offsets(%dma_start3A_128 : memref<112xi32, #tpu.memory_space<vmem>>) semaphore(%arg14 : memref<!tpu.dma_semaphore, #tpu.memory_space<semaphore_mem>>)
    %scan3A_132 = arith.constant 0 : i32
    %scan3A_133 = arith.constant 0 : i32
    %scan3A_134 = arith.constant 45 : i32
    %scan3A_135 = arith.addi %scan3A_133, %scan3A_134 : i32
    %scan3A_136 = arith.constant 1 : i32
    scf.for %scan3A_180 = %scan3A_133 to %scan3A_135 step %scan3A_136  : i32 {
      %mul3A_181 = arith.constant 2 : i32
      %mul3A_182 = arith.muli %mul3A_181, %scan3A_180 : i32
      %dma_wait3A = arith.constant 0 : i32
      %dma_wait3A_183 = tpu.memref_slice %arg9[%dma_wait3A] : memref<10080xi32, #tpu.memory_space<vmem>> -> memref<112xi32, #tpu.memory_space<vmem>>
      %dma_wait3A_184 = arith.constant 0 : i32
      %dma_wait3A_185 = arith.constant 0 : i32
      %dma_wait3A_186 = tpu.memref_slice %arg2[%dma_wait3A_184, %dma_wait3A_185] : memref<90000x128xf32, #tpu.memory_space<hbm>> -> memref<90000x128xf32, #tpu.memory_space<hbm>>
      tpu.wait_indirect_dma semaphore(%arg13 : memref<!tpu.dma_semaphore, #tpu.memory_space<semaphore_mem>>) src(%dma_wait3A_186 : memref<90000x128xf32, #tpu.memory_space<hbm>>) dst(%arg11 : memref<112x128xf32, #tpu.memory_space<vmem>>)
      %mul3A_187 = arith.constant 112 : i32
      %mul3A_188 = arith.muli %mul3A_182, %mul3A_187 : i32
      %add3A_189 = arith.constant 0 : i32
      %add3A_190 = arith.addi %mul3A_188, %add3A_189 : i32
      %get3A = arith.index_cast %add3A_190 : i32 to index
      %get3A_191 = tpu.vector_load %arg10[%get3A] {strides = array<i32>} : memref<10080xi32, #tpu.memory_space<vmem>>, vector<16xi32>,
      %get3A_192 = vector.shape_cast %get3A_191 : vector<16xi32> to vector<16xi32>
      %dma_start3A_193 = arith.constant 0 : i32
      %dma_start3A_194 = arith.constant 0 : i32
      %dma_start3A_195 = tpu.memref_slice %arg11[%dma_start3A_193, %dma_start3A_194] : memref<112x128xf32, #tpu.memory_space<vmem>> -> memref<16x128xf32, #tpu.memory_space<vmem>>
      %dma_start3A_196 = arith.constant 0 : i32
      %dma_start3A_197 = arith.constant 0 : i32
      %dma_start3A_198 = tpu.memref_slice %arg17[%dma_start3A_196, %dma_start3A_197] : memref<10240x128xf32, #tpu.memory_space<vmem_shared>> -> memref<10240x128xf32, #tpu.memory_space<vmem_shared>>
      tpu.enqueue_indirect_dma source(%dma_start3A_195 : memref<16x128xf32, #tpu.memory_space<vmem>>) target(%dma_start3A_198 : memref<10240x128xf32, #tpu.memory_space<vmem_shared>>) offsets(%get3A_192 : vector<16xi32>) semaphore(%arg15 : memref<!tpu.dma_semaphore, #tpu.memory_space<semaphore_mem>>) {add = true}
      %mul3A_199 = arith.constant 112 : i32
      %mul3A_200 = arith.muli %mul3A_182, %mul3A_199 : i32
      %add3A_201 = arith.constant 16 : i32
      %add3A_202 = arith.addi %mul3A_200, %add3A_201 : i32
      %get3A_203 = arith.index_cast %add3A_202 : i32 to index
      %get3A_204 = tpu.vector_load %arg10[%get3A_203] {strides = array<i32>} : memref<10080xi32, #tpu.memory_space<vmem>>, vector<16xi32>,
      %get3A_205 = vector.shape_cast %get3A_204 : vector<16xi32> to vector<16xi32>
      %dma_start3A_206 = arith.constant 16 : i32
      %dma_start3A_207 = arith.constant 0 : i32
      %dma_start3A_208 = tpu.memref_slice %arg11[%dma_start3A_206, %dma_start3A_207] : memref<112x128xf32, #tpu.memory_space<vmem>> -> memref<16x128xf32, #tpu.memory_space<vmem>>
      %dma_start3A_209 = arith.constant 0 : i32
      %dma_start3A_210 = arith.constant 0 : i32
      %dma_start3A_211 = tpu.memref_slice %arg17[%dma_start3A_209, %dma_start3A_210] : memref<10240x128xf32, #tpu.memory_space<vmem_shared>> -> memref<10240x128xf32, #tpu.memory_space<vmem_shared>>
      tpu.enqueue_indirect_dma source(%dma_start3A_208 : memref<16x128xf32, #tpu.memory_space<vmem>>) target(%dma_start3A_211 : memref<10240x128xf32, #tpu.memory_space<vmem_shared>>) offsets(%get3A_205 : vector<16xi32>) semaphore(%arg15 : memref<!tpu.dma_semaphore, #tpu.memory_space<semaphore_mem>>) {add = true}
      %mul3A_212 = arith.constant 112 : i32
      %mul3A_213 = arith.muli %mul3A_182, %mul3A_212 : i32
      %add3A_214 = arith.constant 32 : i32
      %add3A_215 = arith.addi %mul3A_213, %add3A_214 : i32
      %get3A_216 = arith.index_cast %add3A_215 : i32 to index
      %get3A_217 = tpu.vector_load %arg10[%get3A_216] {strides = array<i32>} : memref<10080xi32, #tpu.memory_space<vmem>>, vector<16xi32>,
      %get3A_218 = vector.shape_cast %get3A_217 : vector<16xi32> to vector<16xi32>
      %dma_start3A_219 = arith.constant 32 : i32
      %dma_start3A_220 = arith.constant 0 : i32
      %dma_start3A_221 = tpu.memref_slice %arg11[%dma_start3A_219, %dma_start3A_220] : memref<112x128xf32, #tpu.memory_space<vmem>> -> memref<16x128xf32, #tpu.memory_space<vmem>>
      %dma_start3A_222 = arith.constant 0 : i32
      %dma_start3A_223 = arith.constant 0 : i32
      %dma_start3A_224 = tpu.memref_slice %arg17[%dma_start3A_222, %dma_start3A_223] : memref<10240x128xf32, #tpu.memory_space<vmem_shared>> -> memref<10240x128xf32, #tpu.memory_space<vmem_shared>>
      tpu.enqueue_indirect_dma source(%dma_start3A_221 : memref<16x128xf32, #tpu.memory_space<vmem>>) target(%dma_start3A_224 : memref<10240x128xf32, #tpu.memory_space<vmem_shared>>) offsets(%get3A_218 : vector<16xi32>) semaphore(%arg15 : memref<!tpu.dma_semaphore, #tpu.memory_space<semaphore_mem>>) {add = true}
      %mul3A_225 = arith.constant 112 : i32
      %mul3A_226 = arith.muli %mul3A_182, %mul3A_225 : i32
      %add3A_227 = arith.constant 48 : i32
      %add3A_228 = arith.addi %mul3A_226, %add3A_227 : i32
      %get3A_229 = arith.index_cast %add3A_228 : i32 to index
      %get3A_230 = tpu.vector_load %arg10[%get3A_229] {strides = array<i32>} : memref<10080xi32, #tpu.memory_space<vmem>>, vector<16xi32>,
      %get3A_231 = vector.shape_cast %get3A_230 : vector<16xi32> to vector<16xi32>
      %dma_start3A_232 = arith.constant 48 : i32
      %dma_start3A_233 = arith.constant 0 : i32
      %dma_start3A_234 = tpu.memref_slice %arg11[%dma_start3A_232, %dma_start3A_233] : memref<112x128xf32, #tpu.memory_space<vmem>> -> memref<16x128xf32, #tpu.memory_space<vmem>>
      %dma_start3A_235 = arith.constant 0 : i32
      %dma_start3A_236 = arith.constant 0 : i32
      %dma_start3A_237 = tpu.memref_slice %arg17[%dma_start3A_235, %dma_start3A_236] : memref<10240x128xf32, #tpu.memory_space<vmem_shared>> -> memref<10240x128xf32, #tpu.memory_space<vmem_shared>>
      tpu.enqueue_indirect_dma source(%dma_start3A_234 : memref<16x128xf32, #tpu.memory_space<vmem>>) target(%dma_start3A_237 : memref<10240x128xf32, #tpu.memory_space<vmem_shared>>) offsets(%get3A_231 : vector<16xi32>) semaphore(%arg15 : memref<!tpu.dma_semaphore, #tpu.memory_space<semaphore_mem>>) {add = true}
      %mul3A_238 = arith.constant 112 : i32
      %mul3A_239 = arith.muli %mul3A_182, %mul3A_238 : i32
      %add3A_240 = arith.constant 64 : i32
      %add3A_241 = arith.addi %mul3A_239, %add3A_240 : i32
      %get3A_242 = arith.index_cast %add3A_241 : i32 to index
      %get3A_243 = tpu.vector_load %arg10[%get3A_242] {strides = array<i32>} : memref<10080xi32, #tpu.memory_space<vmem>>, vector<16xi32>,
      %get3A_244 = vector.shape_cast %get3A_243 : vector<16xi32> to vector<16xi32>
      %dma_start3A_245 = arith.constant 64 : i32
      %dma_start3A_246 = arith.constant 0 : i32
      %dma_start3A_247 = tpu.memref_slice %arg11[%dma_start3A_245, %dma_start3A_246] : memref<112x128xf32, #tpu.memory_space<vmem>> -> memref<16x128xf32, #tpu.memory_space<vmem>>
      %dma_start3A_248 = arith.constant 0 : i32
      %dma_start3A_249 = arith.constant 0 : i32
      %dma_start3A_250 = tpu.memref_slice %arg17[%dma_start3A_248, %dma_start3A_249] : memref<10240x128xf32, #tpu.memory_space<vmem_shared>> -> memref<10240x128xf32, #tpu.memory_space<vmem_shared>>
      tpu.enqueue_indirect_dma source(%dma_start3A_247 : memref<16x128xf32, #tpu.memory_space<vmem>>) target(%dma_start3A_250 : memref<10240x128xf32, #tpu.memory_space<vmem_shared>>) offsets(%get3A_244 : vector<16xi32>) semaphore(%arg15 : memref<!tpu.dma_semaphore, #tpu.memory_space<semaphore_mem>>) {add = true}
      %mul3A_251 = arith.constant 112 : i32
      %mul3A_252 = arith.muli %mul3A_182, %mul3A_251 : i32
      %add3A_253 = arith.constant 80 : i32
      %add3A_254 = arith.addi %mul3A_252, %add3A_253 : i32
      %get3A_255 = arith.index_cast %add3A_254 : i32 to index
      %get3A_256 = tpu.vector_load %arg10[%get3A_255] {strides = array<i32>} : memref<10080xi32, #tpu.memory_space<vmem>>, vector<16xi32>,
      %get3A_257 = vector.shape_cast %get3A_256 : vector<16xi32> to vector<16xi32>
      %dma_start3A_258 = arith.constant 80 : i32
      %dma_start3A_259 = arith.constant 0 : i32
      %dma_start3A_260 = tpu.memref_slice %arg11[%dma_start3A_258, %dma_start3A_259] : memref<112x128xf32, #tpu.memory_space<vmem>> -> memref<16x128xf32, #tpu.memory_space<vmem>>
      %dma_start3A_261 = arith.constant 0 : i32
      %dma_start3A_262 = arith.constant 0 : i32
      %dma_start3A_263 = tpu.memref_slice %arg17[%dma_start3A_261, %dma_start3A_262] : memref<10240x128xf32, #tpu.memory_space<vmem_shared>> -> memref<10240x128xf32, #tpu.memory_space<vmem_shared>>
      tpu.enqueue_indirect_dma source(%dma_start3A_260 : memref<16x128xf32, #tpu.memory_space<vmem>>) target(%dma_start3A_263 : memref<10240x128xf32, #tpu.memory_space<vmem_shared>>) offsets(%get3A_257 : vector<16xi32>) semaphore(%arg15 : memref<!tpu.dma_semaphore, #tpu.memory_space<semaphore_mem>>) {add = true}
      %mul3A_264 = arith.constant 112 : i32
      %mul3A_265 = arith.muli %mul3A_182, %mul3A_264 : i32
      %add3A_266 = arith.constant 96 : i32
      %add3A_267 = arith.addi %mul3A_265, %add3A_266 : i32
      %get3A_268 = arith.index_cast %add3A_267 : i32 to index
      %get3A_269 = tpu.vector_load %arg10[%get3A_268] {strides = array<i32>} : memref<10080xi32, #tpu.memory_space<vmem>>, vector<16xi32>,
      %get3A_270 = vector.shape_cast %get3A_269 : vector<16xi32> to vector<16xi32>
      %dma_start3A_271 = arith.constant 96 : i32
      %dma_start3A_272 = arith.constant 0 : i32
      %dma_start3A_273 = tpu.memref_slice %arg11[%dma_start3A_271, %dma_start3A_272] : memref<112x128xf32, #tpu.memory_space<vmem>> -> memref<16x128xf32, #tpu.memory_space<vmem>>
      %dma_start3A_274 = arith.constant 0 : i32
      %dma_start3A_275 = arith.constant 0 : i32
      %dma_start3A_276 = tpu.memref_slice %arg17[%dma_start3A_274, %dma_start3A_275] : memref<10240x128xf32, #tpu.memory_space<vmem_shared>> -> memref<10240x128xf32, #tpu.memory_space<vmem_shared>>
      tpu.enqueue_indirect_dma source(%dma_start3A_273 : memref<16x128xf32, #tpu.memory_space<vmem>>) target(%dma_start3A_276 : memref<10240x128xf32, #tpu.memory_space<vmem_shared>>) offsets(%get3A_270 : vector<16xi32>) semaphore(%arg15 : memref<!tpu.dma_semaphore, #tpu.memory_space<semaphore_mem>>) {add = true}
      %dma_wait3A_277 = arith.constant 0 : i32
      %dma_wait3A_278 = tpu.memref_slice %arg9[%dma_wait3A_277] : memref<10080xi32, #tpu.memory_space<vmem>> -> memref<112xi32, #tpu.memory_space<vmem>>
      %dma_wait3A_279 = arith.constant 0 : i32
      %dma_wait3A_280 = arith.constant 0 : i32
      %dma_wait3A_281 = tpu.memref_slice %arg2[%dma_wait3A_279, %dma_wait3A_280] : memref<90000x128xf32, #tpu.memory_space<hbm>> -> memref<90000x128xf32, #tpu.memory_space<hbm>>
      tpu.wait_indirect_dma semaphore(%arg15 : memref<!tpu.dma_semaphore, #tpu.memory_space<semaphore_mem>>) src(%dma_wait3A_281 : memref<90000x128xf32, #tpu.memory_space<hbm>>) dst(%arg11 : memref<112x128xf32, #tpu.memory_space<vmem>>)
      %add3A_282 = arith.constant 2 : i32
      %add3A_283 = arith.addi %mul3A_182, %add3A_282 : i32
      %le3A = arith.constant 89 : i32
      %le3A_284 = arith.cmpi sle, %add3A_283, %le3A : i32
      %convert_element_type3A = arith.extui %le3A_284 : i1 to i32
      %cond3A = arith.constant 0 : i32
      %cond3A_285 = arith.cmpi ne, %convert_element_type3A, %cond3A : i32
      scf.if %cond3A_285 {
        %add3A_396 = arith.constant 2 : i32
        %add3A_397 = arith.addi %mul3A_182, %add3A_396 : i32
        %mul3A_398 = arith.constant 112 : i32
        %mul3A_399 = arith.muli %add3A_397, %mul3A_398 : i32
        %dma_start3A_400 = tpu.memref_slice %arg9[%mul3A_399] : memref<10080xi32, #tpu.memory_space<vmem>> -> memref<112xi32, #tpu.memory_space<vmem>>
        %dma_start3A_401 = arith.constant 0 : i32
        %dma_start3A_402 = arith.constant 0 : i32
        %dma_start3A_403 = tpu.memref_slice %arg2[%dma_start3A_401, %dma_start3A_402] : memref<90000x128xf32, #tpu.memory_space<hbm>> -> memref<90000x128xf32, #tpu.memory_space<hbm>>
        tpu.enqueue_indirect_dma source(%dma_start3A_403 : memref<90000x128xf32, #tpu.memory_space<hbm>>) target(%arg11 : memref<112x128xf32, #tpu.memory_space<vmem>>) offsets(%dma_start3A_400 : memref<112xi32, #tpu.memory_space<vmem>>) semaphore(%arg13 : memref<!tpu.dma_semaphore, #tpu.memory_space<semaphore_mem>>)
      } else {
      }
      %dma_wait3A_286 = arith.constant 0 : i32
      %dma_wait3A_287 = tpu.memref_slice %arg9[%dma_wait3A_286] : memref<10080xi32, #tpu.memory_space<vmem>> -> memref<112xi32, #tpu.memory_space<vmem>>
      %dma_wait3A_288 = arith.constant 0 : i32
      %dma_wait3A_289 = arith.constant 0 : i32
      %dma_wait3A_290 = tpu.memref_slice %arg2[%dma_wait3A_288, %dma_wait3A_289] : memref<90000x128xf32, #tpu.memory_space<hbm>> -> memref<90000x128xf32, #tpu.memory_space<hbm>>
      tpu.wait_indirect_dma semaphore(%arg14 : memref<!tpu.dma_semaphore, #tpu.memory_space<semaphore_mem>>) src(%dma_wait3A_290 : memref<90000x128xf32, #tpu.memory_space<hbm>>) dst(%arg12 : memref<112x128xf32, #tpu.memory_space<vmem>>)
      %add3A_291 = arith.constant 1 : i32
      %add3A_292 = arith.addi %mul3A_182, %add3A_291 : i32
      %mul3A_293 = arith.constant 112 : i32
      %mul3A_294 = arith.muli %add3A_292, %mul3A_293 : i32
      %add3A_295 = arith.constant 0 : i32
      %add3A_296 = arith.addi %mul3A_294, %add3A_295 : i32
      %get3A_297 = arith.index_cast %add3A_296 : i32 to index
      %get3A_298 = tpu.vector_load %arg10[%get3A_297] {strides = array<i32>} : memref<10080xi32, #tpu.memory_space<vmem>>, vector<16xi32>,
      %get3A_299 = vector.shape_cast %get3A_298 : vector<16xi32> to vector<16xi32>
      %dma_start3A_300 = arith.constant 0 : i32
      %dma_start3A_301 = arith.constant 0 : i32
      %dma_start3A_302 = tpu.memref_slice %arg12[%dma_start3A_300, %dma_start3A_301] : memref<112x128xf32, #tpu.memory_space<vmem>> -> memref<16x128xf32, #tpu.memory_space<vmem>>
      %dma_start3A_303 = arith.constant 0 : i32
      %dma_start3A_304 = arith.constant 0 : i32
      %dma_start3A_305 = tpu.memref_slice %arg17[%dma_start3A_303, %dma_start3A_304] : memref<10240x128xf32, #tpu.memory_space<vmem_shared>> -> memref<10240x128xf32, #tpu.memory_space<vmem_shared>>
      tpu.enqueue_indirect_dma source(%dma_start3A_302 : memref<16x128xf32, #tpu.memory_space<vmem>>) target(%dma_start3A_305 : memref<10240x128xf32, #tpu.memory_space<vmem_shared>>) offsets(%get3A_299 : vector<16xi32>) semaphore(%arg16 : memref<!tpu.dma_semaphore, #tpu.memory_space<semaphore_mem>>) {add = true}
      %mul3A_306 = arith.constant 112 : i32
      %mul3A_307 = arith.muli %add3A_292, %mul3A_306 : i32
      %add3A_308 = arith.constant 16 : i32
      %add3A_309 = arith.addi %mul3A_307, %add3A_308 : i32
      %get3A_310 = arith.index_cast %add3A_309 : i32 to index
      %get3A_311 = tpu.vector_load %arg10[%get3A_310] {strides = array<i32>} : memref<10080xi32, #tpu.memory_space<vmem>>, vector<16xi32>,
      %get3A_312 = vector.shape_cast %get3A_311 : vector<16xi32> to vector<16xi32>
      %dma_start3A_313 = arith.constant 16 : i32
      %dma_start3A_314 = arith.constant 0 : i32
      %dma_start3A_315 = tpu.memref_slice %arg12[%dma_start3A_313, %dma_start3A_314] : memref<112x128xf32, #tpu.memory_space<vmem>> -> memref<16x128xf32, #tpu.memory_space<vmem>>
      %dma_start3A_316 = arith.constant 0 : i32
      %dma_start3A_317 = arith.constant 0 : i32
      %dma_start3A_318 = tpu.memref_slice %arg17[%dma_start3A_316, %dma_start3A_317] : memref<10240x128xf32, #tpu.memory_space<vmem_shared>> -> memref<10240x128xf32, #tpu.memory_space<vmem_shared>>
      tpu.enqueue_indirect_dma source(%dma_start3A_315 : memref<16x128xf32, #tpu.memory_space<vmem>>) target(%dma_start3A_318 : memref<10240x128xf32, #tpu.memory_space<vmem_shared>>) offsets(%get3A_312 : vector<16xi32>) semaphore(%arg16 : memref<!tpu.dma_semaphore, #tpu.memory_space<semaphore_mem>>) {add = true}
      %mul3A_319 = arith.constant 112 : i32
      %mul3A_320 = arith.muli %add3A_292, %mul3A_319 : i32
      %add3A_321 = arith.constant 32 : i32
      %add3A_322 = arith.addi %mul3A_320, %add3A_321 : i32
      %get3A_323 = arith.index_cast %add3A_322 : i32 to index
      %get3A_324 = tpu.vector_load %arg10[%get3A_323] {strides = array<i32>} : memref<10080xi32, #tpu.memory_space<vmem>>, vector<16xi32>,
      %get3A_325 = vector.shape_cast %get3A_324 : vector<16xi32> to vector<16xi32>
      %dma_start3A_326 = arith.constant 32 : i32
      %dma_start3A_327 = arith.constant 0 : i32
      %dma_start3A_328 = tpu.memref_slice %arg12[%dma_start3A_326, %dma_start3A_327] : memref<112x128xf32, #tpu.memory_space<vmem>> -> memref<16x128xf32, #tpu.memory_space<vmem>>
      %dma_start3A_329 = arith.constant 0 : i32
      %dma_start3A_330 = arith.constant 0 : i32
      %dma_start3A_331 = tpu.memref_slice %arg17[%dma_start3A_329, %dma_start3A_330] : memref<10240x128xf32, #tpu.memory_space<vmem_shared>> -> memref<10240x128xf32, #tpu.memory_space<vmem_shared>>
      tpu.enqueue_indirect_dma source(%dma_start3A_328 : memref<16x128xf32, #tpu.memory_space<vmem>>) target(%dma_start3A_331 : memref<10240x128xf32, #tpu.memory_space<vmem_shared>>) offsets(%get3A_325 : vector<16xi32>) semaphore(%arg16 : memref<!tpu.dma_semaphore, #tpu.memory_space<semaphore_mem>>) {add = true}
      %mul3A_332 = arith.constant 112 : i32
      %mul3A_333 = arith.muli %add3A_292, %mul3A_332 : i32
      %add3A_334 = arith.constant 48 : i32
      %add3A_335 = arith.addi %mul3A_333, %add3A_334 : i32
      %get3A_336 = arith.index_cast %add3A_335 : i32 to index
      %get3A_337 = tpu.vector_load %arg10[%get3A_336] {strides = array<i32>} : memref<10080xi32, #tpu.memory_space<vmem>>, vector<16xi32>,
      %get3A_338 = vector.shape_cast %get3A_337 : vector<16xi32> to vector<16xi32>
      %dma_start3A_339 = arith.constant 48 : i32
      %dma_start3A_340 = arith.constant 0 : i32
      %dma_start3A_341 = tpu.memref_slice %arg12[%dma_start3A_339, %dma_start3A_340] : memref<112x128xf32, #tpu.memory_space<vmem>> -> memref<16x128xf32, #tpu.memory_space<vmem>>
      %dma_start3A_342 = arith.constant 0 : i32
      %dma_start3A_343 = arith.constant 0 : i32
      %dma_start3A_344 = tpu.memref_slice %arg17[%dma_start3A_342, %dma_start3A_343] : memref<10240x128xf32, #tpu.memory_space<vmem_shared>> -> memref<10240x128xf32, #tpu.memory_space<vmem_shared>>
      tpu.enqueue_indirect_dma source(%dma_start3A_341 : memref<16x128xf32, #tpu.memory_space<vmem>>) target(%dma_start3A_344 : memref<10240x128xf32, #tpu.memory_space<vmem_shared>>) offsets(%get3A_338 : vector<16xi32>) semaphore(%arg16 : memref<!tpu.dma_semaphore, #tpu.memory_space<semaphore_mem>>) {add = true}
      %mul3A_345 = arith.constant 112 : i32
      %mul3A_346 = arith.muli %add3A_292, %mul3A_345 : i32
      %add3A_347 = arith.constant 64 : i32
      %add3A_348 = arith.addi %mul3A_346, %add3A_347 : i32
      %get3A_349 = arith.index_cast %add3A_348 : i32 to index
      %get3A_350 = tpu.vector_load %arg10[%get3A_349] {strides = array<i32>} : memref<10080xi32, #tpu.memory_space<vmem>>, vector<16xi32>,
      %get3A_351 = vector.shape_cast %get3A_350 : vector<16xi32> to vector<16xi32>
      %dma_start3A_352 = arith.constant 64 : i32
      %dma_start3A_353 = arith.constant 0 : i32
      %dma_start3A_354 = tpu.memref_slice %arg12[%dma_start3A_352, %dma_start3A_353] : memref<112x128xf32, #tpu.memory_space<vmem>> -> memref<16x128xf32, #tpu.memory_space<vmem>>
      %dma_start3A_355 = arith.constant 0 : i32
      %dma_start3A_356 = arith.constant 0 : i32
      %dma_start3A_357 = tpu.memref_slice %arg17[%dma_start3A_355, %dma_start3A_356] : memref<10240x128xf32, #tpu.memory_space<vmem_shared>> -> memref<10240x128xf32, #tpu.memory_space<vmem_shared>>
      tpu.enqueue_indirect_dma source(%dma_start3A_354 : memref<16x128xf32, #tpu.memory_space<vmem>>) target(%dma_start3A_357 : memref<10240x128xf32, #tpu.memory_space<vmem_shared>>) offsets(%get3A_351 : vector<16xi32>) semaphore(%arg16 : memref<!tpu.dma_semaphore, #tpu.memory_space<semaphore_mem>>) {add = true}
      %mul3A_358 = arith.constant 112 : i32
      %mul3A_359 = arith.muli %add3A_292, %mul3A_358 : i32
      %add3A_360 = arith.constant 80 : i32
      %add3A_361 = arith.addi %mul3A_359, %add3A_360 : i32
      %get3A_362 = arith.index_cast %add3A_361 : i32 to index
      %get3A_363 = tpu.vector_load %arg10[%get3A_362] {strides = array<i32>} : memref<10080xi32, #tpu.memory_space<vmem>>, vector<16xi32>,
      %get3A_364 = vector.shape_cast %get3A_363 : vector<16xi32> to vector<16xi32>
      %dma_start3A_365 = arith.constant 80 : i32
      %dma_start3A_366 = arith.constant 0 : i32
      %dma_start3A_367 = tpu.memref_slice %arg12[%dma_start3A_365, %dma_start3A_366] : memref<112x128xf32, #tpu.memory_space<vmem>> -> memref<16x128xf32, #tpu.memory_space<vmem>>
      %dma_start3A_368 = arith.constant 0 : i32
      %dma_start3A_369 = arith.constant 0 : i32
      %dma_start3A_370 = tpu.memref_slice %arg17[%dma_start3A_368, %dma_start3A_369] : memref<10240x128xf32, #tpu.memory_space<vmem_shared>> -> memref<10240x128xf32, #tpu.memory_space<vmem_shared>>
      tpu.enqueue_indirect_dma source(%dma_start3A_367 : memref<16x128xf32, #tpu.memory_space<vmem>>) target(%dma_start3A_370 : memref<10240x128xf32, #tpu.memory_space<vmem_shared>>) offsets(%get3A_364 : vector<16xi32>) semaphore(%arg16 : memref<!tpu.dma_semaphore, #tpu.memory_space<semaphore_mem>>) {add = true}
      %mul3A_371 = arith.constant 112 : i32
      %mul3A_372 = arith.muli %add3A_292, %mul3A_371 : i32
      %add3A_373 = arith.constant 96 : i32
      %add3A_374 = arith.addi %mul3A_372, %add3A_373 : i32
      %get3A_375 = arith.index_cast %add3A_374 : i32 to index
      %get3A_376 = tpu.vector_load %arg10[%get3A_375] {strides = array<i32>} : memref<10080xi32, #tpu.memory_space<vmem>>, vector<16xi32>,
      %get3A_377 = vector.shape_cast %get3A_376 : vector<16xi32> to vector<16xi32>
      %dma_start3A_378 = arith.constant 96 : i32
      %dma_start3A_379 = arith.constant 0 : i32
      %dma_start3A_380 = tpu.memref_slice %arg12[%dma_start3A_378, %dma_start3A_379] : memref<112x128xf32, #tpu.memory_space<vmem>> -> memref<16x128xf32, #tpu.memory_space<vmem>>
      %dma_start3A_381 = arith.constant 0 : i32
      %dma_start3A_382 = arith.constant 0 : i32
      %dma_start3A_383 = tpu.memref_slice %arg17[%dma_start3A_381, %dma_start3A_382] : memref<10240x128xf32, #tpu.memory_space<vmem_shared>> -> memref<10240x128xf32, #tpu.memory_space<vmem_shared>>
      tpu.enqueue_indirect_dma source(%dma_start3A_380 : memref<16x128xf32, #tpu.memory_space<vmem>>) target(%dma_start3A_383 : memref<10240x128xf32, #tpu.memory_space<vmem_shared>>) offsets(%get3A_377 : vector<16xi32>) semaphore(%arg16 : memref<!tpu.dma_semaphore, #tpu.memory_space<semaphore_mem>>) {add = true}
      %dma_wait3A_384 = arith.constant 0 : i32
      %dma_wait3A_385 = tpu.memref_slice %arg9[%dma_wait3A_384] : memref<10080xi32, #tpu.memory_space<vmem>> -> memref<112xi32, #tpu.memory_space<vmem>>
      %dma_wait3A_386 = arith.constant 0 : i32
      %dma_wait3A_387 = arith.constant 0 : i32
      %dma_wait3A_388 = tpu.memref_slice %arg2[%dma_wait3A_386, %dma_wait3A_387] : memref<90000x128xf32, #tpu.memory_space<hbm>> -> memref<90000x128xf32, #tpu.memory_space<hbm>>
      tpu.wait_indirect_dma semaphore(%arg16 : memref<!tpu.dma_semaphore, #tpu.memory_space<semaphore_mem>>) src(%dma_wait3A_388 : memref<90000x128xf32, #tpu.memory_space<hbm>>) dst(%arg12 : memref<112x128xf32, #tpu.memory_space<vmem>>)
      %add3A_389 = arith.constant 3 : i32
      %add3A_390 = arith.addi %mul3A_182, %add3A_389 : i32
      %le3A_391 = arith.constant 89 : i32
      %le3A_392 = arith.cmpi sle, %add3A_390, %le3A_391 : i32
      %convert_element_type3A_393 = arith.extui %le3A_392 : i1 to i32
      %cond3A_394 = arith.constant 0 : i32
      %cond3A_395 = arith.cmpi ne, %convert_element_type3A_393, %cond3A_394 : i32
      scf.if %cond3A_395 {
        %add3A_396 = arith.constant 3 : i32
        %add3A_397 = arith.addi %mul3A_182, %add3A_396 : i32
        %mul3A_398 = arith.constant 112 : i32
        %mul3A_399 = arith.muli %add3A_397, %mul3A_398 : i32
        %dma_start3A_400 = tpu.memref_slice %arg9[%mul3A_399] : memref<10080xi32, #tpu.memory_space<vmem>> -> memref<112xi32, #tpu.memory_space<vmem>>
        %dma_start3A_401 = arith.constant 0 : i32
        %dma_start3A_402 = arith.constant 0 : i32
        %dma_start3A_403 = tpu.memref_slice %arg2[%dma_start3A_401, %dma_start3A_402] : memref<90000x128xf32, #tpu.memory_space<hbm>> -> memref<90000x128xf32, #tpu.memory_space<hbm>>
        tpu.enqueue_indirect_dma source(%dma_start3A_403 : memref<90000x128xf32, #tpu.memory_space<hbm>>) target(%arg12 : memref<112x128xf32, #tpu.memory_space<vmem>>) offsets(%dma_start3A_400 : memref<112xi32, #tpu.memory_space<vmem>>) semaphore(%arg14 : memref<!tpu.dma_semaphore, #tpu.memory_space<semaphore_mem>>)
      } else {
      }
    }
    %scan3A_137 = arith.constant 45 : i32
    %barrier3A_138 = arith.constant 0 : index
    tpu.barrier barrier_id(%barrier3A_138)
    %mul3A_139 = arith.constant 640 : i32
    %mul3A_140 = arith.muli %arg1, %mul3A_139 : i32
    %mul3A_141 = arith.constant 640 : i32
    %mul3A_142 = arith.muli %arg1, %mul3A_141 : i32
    %add3A_143 = arith.addi %mul3A_118, %mul3A_142 : i32
    "tpu.region"() ({
      %run_scoped3A = tpu.sem_alloc : memref<!tpu.dma_semaphore, #tpu.memory_space<semaphore_mem>>
      %dma_start3A_180 = arith.constant 0 : i32
      %dma_start3A_181 = tpu.memref_slice %arg8[%add3A_143, %dma_start3A_180] : memref<102400x128xf32, #tpu.memory_space<hbm>> -> memref<640x128xf32, #tpu.memory_space<hbm>>
      %dma_start3A_182 = arith.constant 0 : i32
      %dma_start3A_183 = tpu.memref_slice %arg17[%mul3A_140, %dma_start3A_182] : memref<10240x128xf32, #tpu.memory_space<vmem_shared>> -> memref<640x128xf32, #tpu.memory_space<vmem_shared>>
      tpu.enqueue_dma source(%dma_start3A_183 : memref<640x128xf32, #tpu.memory_space<vmem_shared>>) target(%dma_start3A_181 : memref<640x128xf32, #tpu.memory_space<hbm>>) target_semaphore(%run_scoped3A : memref<!tpu.dma_semaphore, #tpu.memory_space<semaphore_mem>>)
      %dma_wait3A = arith.constant 0 : i32
      %dma_wait3A_184 = tpu.memref_slice %arg8[%add3A_143, %dma_wait3A] : memref<102400x128xf32, #tpu.memory_space<hbm>> -> memref<640x128xf32, #tpu.memory_space<hbm>>
      %dma_wait3A_185 = arith.constant 0 : i32
      %dma_wait3A_186 = tpu.memref_slice %arg17[%mul3A_140, %dma_wait3A_185] : memref<10240x128xf32, #tpu.memory_space<vmem_shared>> -> memref<640x128xf32, #tpu.memory_space<vmem_shared>>
      tpu.wait_dma2 semaphore(%run_scoped3A : memref<!tpu.dma_semaphore, #tpu.memory_space<semaphore_mem>>) src(%dma_wait3A_186 : memref<640x128xf32, #tpu.memory_space<vmem_shared>>) dst(%dma_wait3A_184 : memref<640x128xf32, #tpu.memory_space<hbm>>)
      tpu.yield
    }) : () -> ()
    %barrier3A_144 = arith.constant 0 : index
    tpu.barrier barrier_id(%barrier3A_144)
    %mul3A_145 = arith.constant 16 : i32
    %mul3A_146 = arith.muli %arg0, %mul3A_145 : i32
    %add3A_147 = arith.addi %mul3A_146, %arg1 : i32
    %mul3A_148 = arith.constant 5152 : i32
    %mul3A_149 = arith.muli %add3A_147, %mul3A_148 : i32
    "tpu.region"() ({
      %run_scoped3A = tpu.sem_alloc : memref<!tpu.dma_semaphore, #tpu.memory_space<semaphore_mem>>
      %dma_start3A_180 = arith.constant 0 : i32
      %dma_start3A_181 = tpu.memref_slice %arg9[%dma_start3A_180] : memref<10080xi32, #tpu.memory_space<vmem>> -> memref<5152xi32, #tpu.memory_space<vmem>>
      %dma_start3A_182 = tpu.memref_slice %arg5[%mul3A_149] : memref<164864xi32, #tpu.memory_space<hbm>> -> memref<5152xi32, #tpu.memory_space<hbm>>
      %dma_start3A_183 = arith.constant 0 : i32
      %dma_start3A_184 = tpu.memref_slice %arg9[%dma_start3A_183] : memref<10080xi32, #tpu.memory_space<vmem>> -> memref<5152xi32, #tpu.memory_space<vmem>>
      %dma_start3A_185 = tpu.memref_slice %arg5[%mul3A_149] : memref<164864xi32, #tpu.memory_space<hbm>> -> memref<5152xi32, #tpu.memory_space<hbm>>
      tpu.enqueue_dma source(%dma_start3A_185 : memref<5152xi32, #tpu.memory_space<hbm>>) target(%dma_start3A_184 : memref<5152xi32, #tpu.memory_space<vmem>>) target_semaphore(%run_scoped3A : memref<!tpu.dma_semaphore, #tpu.memory_space<semaphore_mem>>)
      %dma_wait3A = arith.constant 0 : i32
      %dma_wait3A_186 = tpu.memref_slice %arg9[%dma_wait3A] : memref<10080xi32, #tpu.memory_space<vmem>> -> memref<5152xi32, #tpu.memory_space<vmem>>
      %dma_wait3A_187 = tpu.memref_slice %arg5[%mul3A_149] : memref<164864xi32, #tpu.memory_space<hbm>> -> memref<5152xi32, #tpu.memory_space<hbm>>
      %dma_wait3A_188 = arith.constant 0 : i32
      %dma_wait3A_189 = tpu.memref_slice %arg9[%dma_wait3A_188] : memref<10080xi32, #tpu.memory_space<vmem>> -> memref<5152xi32, #tpu.memory_space<vmem>>
      %dma_wait3A_190 = tpu.memref_slice %arg5[%mul3A_149] : memref<164864xi32, #tpu.memory_space<hbm>> -> memref<5152xi32, #tpu.memory_space<hbm>>
      tpu.wait_dma2 semaphore(%run_scoped3A : memref<!tpu.dma_semaphore, #tpu.memory_space<semaphore_mem>>) src(%dma_wait3A_190 : memref<5152xi32, #tpu.memory_space<hbm>>) dst(%dma_wait3A_189 : memref<5152xi32, #tpu.memory_space<vmem>>)
      tpu.yield
    }) : () -> ()
    "tpu.region"() ({
      %run_scoped3A = tpu.sem_alloc : memref<!tpu.dma_semaphore, #tpu.memory_space<semaphore_mem>>
      %dma_start3A_180 = arith.constant 0 : i32
      %dma_start3A_181 = tpu.memref_slice %arg10[%dma_start3A_180] : memref<10080xi32, #tpu.memory_space<vmem>> -> memref<5152xi32, #tpu.memory_space<vmem>>
      %dma_start3A_182 = tpu.memref_slice %arg6[%mul3A_149] : memref<164864xi32, #tpu.memory_space<hbm>> -> memref<5152xi32, #tpu.memory_space<hbm>>
      %dma_start3A_183 = arith.constant 0 : i32
      %dma_start3A_184 = tpu.memref_slice %arg10[%dma_start3A_183] : memref<10080xi32, #tpu.memory_space<vmem>> -> memref<5152xi32, #tpu.memory_space<vmem>>
      %dma_start3A_185 = tpu.memref_slice %arg6[%mul3A_149] : memref<164864xi32, #tpu.memory_space<hbm>> -> memref<5152xi32, #tpu.memory_space<hbm>>
      tpu.enqueue_dma source(%dma_start3A_185 : memref<5152xi32, #tpu.memory_space<hbm>>) target(%dma_start3A_184 : memref<5152xi32, #tpu.memory_space<vmem>>) target_semaphore(%run_scoped3A : memref<!tpu.dma_semaphore, #tpu.memory_space<semaphore_mem>>)
      %dma_wait3A = arith.constant 0 : i32
      %dma_wait3A_186 = tpu.memref_slice %arg10[%dma_wait3A] : memref<10080xi32, #tpu.memory_space<vmem>> -> memref<5152xi32, #tpu.memory_space<vmem>>
      %dma_wait3A_187 = tpu.memref_slice %arg6[%mul3A_149] : memref<164864xi32, #tpu.memory_space<hbm>> -> memref<5152xi32, #tpu.memory_space<hbm>>
      %dma_wait3A_188 = arith.constant 0 : i32
      %dma_wait3A_189 = tpu.memref_slice %arg10[%dma_wait3A_188] : memref<10080xi32, #tpu.memory_space<vmem>> -> memref<5152xi32, #tpu.memory_space<vmem>>
      %dma_wait3A_190 = tpu.memref_slice %arg6[%mul3A_149] : memref<164864xi32, #tpu.memory_space<hbm>> -> memref<5152xi32, #tpu.memory_space<hbm>>
      tpu.wait_dma2 semaphore(%run_scoped3A : memref<!tpu.dma_semaphore, #tpu.memory_space<semaphore_mem>>) src(%dma_wait3A_190 : memref<5152xi32, #tpu.memory_space<hbm>>) dst(%dma_wait3A_189 : memref<5152xi32, #tpu.memory_space<vmem>>)
      tpu.yield
    }) : () -> ()
    %add3A_150 = arith.constant 8 : i32
    %add3A_151 = arith.addi %add3A_150, %arg0 : i32
    %mul3A_152 = arith.constant 10240 : i32
    %mul3A_153 = arith.muli %add3A_151, %mul3A_152 : i32
    %mul3A_154 = arith.constant 640 : i32
    %mul3A_155 = arith.muli %arg1, %mul3A_154 : i32
    "tpu.region"() ({
      %run_scoped3A = tpu.sem_alloc : memref<!tpu.dma_semaphore, #tpu.memory_space<semaphore_mem>>
      %dma_start3A_180 = arith.constant 0 : i32
      %dma_start3A_181 = tpu.memref_slice %arg17[%mul3A_155, %dma_start3A_180] : memref<10240x128xf32, #tpu.memory_space<vmem_shared>> -> memref<640x128xf32, #tpu.memory_space<vmem_shared>>
      tpu.enqueue_dma source(%arg7 : memref<640x128xf32, #tpu.memory_space<hbm>>) target(%dma_start3A_181 : memref<640x128xf32, #tpu.memory_space<vmem_shared>>) target_semaphore(%run_scoped3A : memref<!tpu.dma_semaphore, #tpu.memory_space<semaphore_mem>>)
      %dma_wait3A = arith.constant 0 : i32
      %dma_wait3A_182 = tpu.memref_slice %arg17[%mul3A_155, %dma_wait3A] : memref<10240x128xf32, #tpu.memory_space<vmem_shared>> -> memref<640x128xf32, #tpu.memory_space<vmem_shared>>
      tpu.wait_dma2 semaphore(%run_scoped3A : memref<!tpu.dma_semaphore, #tpu.memory_space<semaphore_mem>>) src(%arg7 : memref<640x128xf32, #tpu.memory_space<hbm>>) dst(%dma_wait3A_182 : memref<640x128xf32, #tpu.memory_space<vmem_shared>>)
      tpu.yield
    }) : () -> ()
    %barrier3A_156 = arith.constant 0 : index
    tpu.barrier barrier_id(%barrier3A_156)
    %dma_start3A_157 = arith.constant 0 : i32
    %dma_start3A_158 = tpu.memref_slice %arg9[%dma_start3A_157] : memref<10080xi32, #tpu.memory_space<vmem>> -> memref<112xi32, #tpu.memory_space<vmem>>
    %dma_start3A_159 = arith.constant 0 : i32
    %dma_start3A_160 = arith.constant 0 : i32
    %dma_start3A_161 = tpu.memref_slice %arg2[%dma_start3A_159, %dma_start3A_160] : memref<90000x128xf32, #tpu.memory_space<hbm>> -> memref<90000x128xf32, #tpu.memory_space<hbm>>
    tpu.enqueue_indirect_dma source(%dma_start3A_161 : memref<90000x128xf32, #tpu.memory_space<hbm>>) target(%arg11 : memref<112x128xf32, #tpu.memory_space<vmem>>) offsets(%dma_start3A_158 : memref<112xi32, #tpu.memory_space<vmem>>) semaphore(%arg13 : memref<!tpu.dma_semaphore, #tpu.memory_space<semaphore_mem>>)
    %dma_start3A_162 = arith.constant 112 : i32
    %dma_start3A_163 = tpu.memref_slice %arg9[%dma_start3A_162] : memref<10080xi32, #tpu.memory_space<vmem>> -> memref<112xi32, #tpu.memory_space<vmem>>
    %dma_start3A_164 = arith.constant 0 : i32
    %dma_start3A_165 = arith.constant 0 : i32
    %dma_start3A_166 = tpu.memref_slice %arg2[%dma_start3A_164, %dma_start3A_165] : memref<90000x128xf32, #tpu.memory_space<hbm>> -> memref<90000x128xf32, #tpu.memory_space<hbm>>
    tpu.enqueue_indirect_dma source(%dma_start3A_166 : memref<90000x128xf32, #tpu.memory_space<hbm>>) target(%arg12 : memref<112x128xf32, #tpu.memory_space<vmem>>) offsets(%dma_start3A_163 : memref<112xi32, #tpu.memory_space<vmem>>) semaphore(%arg14 : memref<!tpu.dma_semaphore, #tpu.memory_space<semaphore_mem>>)
    %scan3A_167 = arith.constant 0 : i32
    %scan3A_168 = arith.constant 0 : i32
    %scan3A_169 = arith.constant 23 : i32
    %scan3A_170 = arith.addi %scan3A_168, %scan3A_169 : i32
    %scan3A_171 = arith.constant 1 : i32
    scf.for %scan3A_180 = %scan3A_168 to %scan3A_170 step %scan3A_171  : i32 {
      %mul3A_181 = arith.constant 2 : i32
      %mul3A_182 = arith.muli %mul3A_181, %scan3A_180 : i32
      %dma_wait3A = arith.constant 0 : i32
      %dma_wait3A_183 = tpu.memref_slice %arg9[%dma_wait3A] : memref<10080xi32, #tpu.memory_space<vmem>> -> memref<112xi32, #tpu.memory_space<vmem>>
      %dma_wait3A_184 = arith.constant 0 : i32
      %dma_wait3A_185 = arith.constant 0 : i32
      %dma_wait3A_186 = tpu.memref_slice %arg2[%dma_wait3A_184, %dma_wait3A_185] : memref<90000x128xf32, #tpu.memory_space<hbm>> -> memref<90000x128xf32, #tpu.memory_space<hbm>>
      tpu.wait_indirect_dma semaphore(%arg13 : memref<!tpu.dma_semaphore, #tpu.memory_space<semaphore_mem>>) src(%dma_wait3A_186 : memref<90000x128xf32, #tpu.memory_space<hbm>>) dst(%arg11 : memref<112x128xf32, #tpu.memory_space<vmem>>)
      %mul3A_187 = arith.constant 112 : i32
      %mul3A_188 = arith.muli %mul3A_182, %mul3A_187 : i32
      %add3A_189 = arith.constant 0 : i32
      %add3A_190 = arith.addi %mul3A_188, %add3A_189 : i32
      %get3A = arith.index_cast %add3A_190 : i32 to index
      %get3A_191 = tpu.vector_load %arg10[%get3A] {strides = array<i32>} : memref<10080xi32, #tpu.memory_space<vmem>>, vector<16xi32>,
      %get3A_192 = vector.shape_cast %get3A_191 : vector<16xi32> to vector<16xi32>
      %dma_start3A_193 = arith.constant 0 : i32
      %dma_start3A_194 = arith.constant 0 : i32
      %dma_start3A_195 = tpu.memref_slice %arg11[%dma_start3A_193, %dma_start3A_194] : memref<112x128xf32, #tpu.memory_space<vmem>> -> memref<16x128xf32, #tpu.memory_space<vmem>>
      %dma_start3A_196 = arith.constant 0 : i32
      %dma_start3A_197 = arith.constant 0 : i32
      %dma_start3A_198 = tpu.memref_slice %arg17[%dma_start3A_196, %dma_start3A_197] : memref<10240x128xf32, #tpu.memory_space<vmem_shared>> -> memref<10240x128xf32, #tpu.memory_space<vmem_shared>>
      tpu.enqueue_indirect_dma source(%dma_start3A_195 : memref<16x128xf32, #tpu.memory_space<vmem>>) target(%dma_start3A_198 : memref<10240x128xf32, #tpu.memory_space<vmem_shared>>) offsets(%get3A_192 : vector<16xi32>) semaphore(%arg15 : memref<!tpu.dma_semaphore, #tpu.memory_space<semaphore_mem>>) {add = true}
      %mul3A_199 = arith.constant 112 : i32
      %mul3A_200 = arith.muli %mul3A_182, %mul3A_199 : i32
      %add3A_201 = arith.constant 16 : i32
      %add3A_202 = arith.addi %mul3A_200, %add3A_201 : i32
      %get3A_203 = arith.index_cast %add3A_202 : i32 to index
      %get3A_204 = tpu.vector_load %arg10[%get3A_203] {strides = array<i32>} : memref<10080xi32, #tpu.memory_space<vmem>>, vector<16xi32>,
      %get3A_205 = vector.shape_cast %get3A_204 : vector<16xi32> to vector<16xi32>
      %dma_start3A_206 = arith.constant 16 : i32
      %dma_start3A_207 = arith.constant 0 : i32
      %dma_start3A_208 = tpu.memref_slice %arg11[%dma_start3A_206, %dma_start3A_207] : memref<112x128xf32, #tpu.memory_space<vmem>> -> memref<16x128xf32, #tpu.memory_space<vmem>>
      %dma_start3A_209 = arith.constant 0 : i32
      %dma_start3A_210 = arith.constant 0 : i32
      %dma_start3A_211 = tpu.memref_slice %arg17[%dma_start3A_209, %dma_start3A_210] : memref<10240x128xf32, #tpu.memory_space<vmem_shared>> -> memref<10240x128xf32, #tpu.memory_space<vmem_shared>>
      tpu.enqueue_indirect_dma source(%dma_start3A_208 : memref<16x128xf32, #tpu.memory_space<vmem>>) target(%dma_start3A_211 : memref<10240x128xf32, #tpu.memory_space<vmem_shared>>) offsets(%get3A_205 : vector<16xi32>) semaphore(%arg15 : memref<!tpu.dma_semaphore, #tpu.memory_space<semaphore_mem>>) {add = true}
      %mul3A_212 = arith.constant 112 : i32
      %mul3A_213 = arith.muli %mul3A_182, %mul3A_212 : i32
      %add3A_214 = arith.constant 32 : i32
      %add3A_215 = arith.addi %mul3A_213, %add3A_214 : i32
      %get3A_216 = arith.index_cast %add3A_215 : i32 to index
      %get3A_217 = tpu.vector_load %arg10[%get3A_216] {strides = array<i32>} : memref<10080xi32, #tpu.memory_space<vmem>>, vector<16xi32>,
      %get3A_218 = vector.shape_cast %get3A_217 : vector<16xi32> to vector<16xi32>
      %dma_start3A_219 = arith.constant 32 : i32
      %dma_start3A_220 = arith.constant 0 : i32
      %dma_start3A_221 = tpu.memref_slice %arg11[%dma_start3A_219, %dma_start3A_220] : memref<112x128xf32, #tpu.memory_space<vmem>> -> memref<16x128xf32, #tpu.memory_space<vmem>>
      %dma_start3A_222 = arith.constant 0 : i32
      %dma_start3A_223 = arith.constant 0 : i32
      %dma_start3A_224 = tpu.memref_slice %arg17[%dma_start3A_222, %dma_start3A_223] : memref<10240x128xf32, #tpu.memory_space<vmem_shared>> -> memref<10240x128xf32, #tpu.memory_space<vmem_shared>>
      tpu.enqueue_indirect_dma source(%dma_start3A_221 : memref<16x128xf32, #tpu.memory_space<vmem>>) target(%dma_start3A_224 : memref<10240x128xf32, #tpu.memory_space<vmem_shared>>) offsets(%get3A_218 : vector<16xi32>) semaphore(%arg15 : memref<!tpu.dma_semaphore, #tpu.memory_space<semaphore_mem>>) {add = true}
      %mul3A_225 = arith.constant 112 : i32
      %mul3A_226 = arith.muli %mul3A_182, %mul3A_225 : i32
      %add3A_227 = arith.constant 48 : i32
      %add3A_228 = arith.addi %mul3A_226, %add3A_227 : i32
      %get3A_229 = arith.index_cast %add3A_228 : i32 to index
      %get3A_230 = tpu.vector_load %arg10[%get3A_229] {strides = array<i32>} : memref<10080xi32, #tpu.memory_space<vmem>>, vector<16xi32>,
      %get3A_231 = vector.shape_cast %get3A_230 : vector<16xi32> to vector<16xi32>
      %dma_start3A_232 = arith.constant 48 : i32
      %dma_start3A_233 = arith.constant 0 : i32
      %dma_start3A_234 = tpu.memref_slice %arg11[%dma_start3A_232, %dma_start3A_233] : memref<112x128xf32, #tpu.memory_space<vmem>> -> memref<16x128xf32, #tpu.memory_space<vmem>>
      %dma_start3A_235 = arith.constant 0 : i32
      %dma_start3A_236 = arith.constant 0 : i32
      %dma_start3A_237 = tpu.memref_slice %arg17[%dma_start3A_235, %dma_start3A_236] : memref<10240x128xf32, #tpu.memory_space<vmem_shared>> -> memref<10240x128xf32, #tpu.memory_space<vmem_shared>>
      tpu.enqueue_indirect_dma source(%dma_start3A_234 : memref<16x128xf32, #tpu.memory_space<vmem>>) target(%dma_start3A_237 : memref<10240x128xf32, #tpu.memory_space<vmem_shared>>) offsets(%get3A_231 : vector<16xi32>) semaphore(%arg15 : memref<!tpu.dma_semaphore, #tpu.memory_space<semaphore_mem>>) {add = true}
      %mul3A_238 = arith.constant 112 : i32
      %mul3A_239 = arith.muli %mul3A_182, %mul3A_238 : i32
      %add3A_240 = arith.constant 64 : i32
      %add3A_241 = arith.addi %mul3A_239, %add3A_240 : i32
      %get3A_242 = arith.index_cast %add3A_241 : i32 to index
      %get3A_243 = tpu.vector_load %arg10[%get3A_242] {strides = array<i32>} : memref<10080xi32, #tpu.memory_space<vmem>>, vector<16xi32>,
      %get3A_244 = vector.shape_cast %get3A_243 : vector<16xi32> to vector<16xi32>
      %dma_start3A_245 = arith.constant 64 : i32
      %dma_start3A_246 = arith.constant 0 : i32
      %dma_start3A_247 = tpu.memref_slice %arg11[%dma_start3A_245, %dma_start3A_246] : memref<112x128xf32, #tpu.memory_space<vmem>> -> memref<16x128xf32, #tpu.memory_space<vmem>>
      %dma_start3A_248 = arith.constant 0 : i32
      %dma_start3A_249 = arith.constant 0 : i32
      %dma_start3A_250 = tpu.memref_slice %arg17[%dma_start3A_248, %dma_start3A_249] : memref<10240x128xf32, #tpu.memory_space<vmem_shared>> -> memref<10240x128xf32, #tpu.memory_space<vmem_shared>>
      tpu.enqueue_indirect_dma source(%dma_start3A_247 : memref<16x128xf32, #tpu.memory_space<vmem>>) target(%dma_start3A_250 : memref<10240x128xf32, #tpu.memory_space<vmem_shared>>) offsets(%get3A_244 : vector<16xi32>) semaphore(%arg15 : memref<!tpu.dma_semaphore, #tpu.memory_space<semaphore_mem>>) {add = true}
      %mul3A_251 = arith.constant 112 : i32
      %mul3A_252 = arith.muli %mul3A_182, %mul3A_251 : i32
      %add3A_253 = arith.constant 80 : i32
      %add3A_254 = arith.addi %mul3A_252, %add3A_253 : i32
      %get3A_255 = arith.index_cast %add3A_254 : i32 to index
      %get3A_256 = tpu.vector_load %arg10[%get3A_255] {strides = array<i32>} : memref<10080xi32, #tpu.memory_space<vmem>>, vector<16xi32>,
      %get3A_257 = vector.shape_cast %get3A_256 : vector<16xi32> to vector<16xi32>
      %dma_start3A_258 = arith.constant 80 : i32
      %dma_start3A_259 = arith.constant 0 : i32
      %dma_start3A_260 = tpu.memref_slice %arg11[%dma_start3A_258, %dma_start3A_259] : memref<112x128xf32, #tpu.memory_space<vmem>> -> memref<16x128xf32, #tpu.memory_space<vmem>>
      %dma_start3A_261 = arith.constant 0 : i32
      %dma_start3A_262 = arith.constant 0 : i32
      %dma_start3A_263 = tpu.memref_slice %arg17[%dma_start3A_261, %dma_start3A_262] : memref<10240x128xf32, #tpu.memory_space<vmem_shared>> -> memref<10240x128xf32, #tpu.memory_space<vmem_shared>>
      tpu.enqueue_indirect_dma source(%dma_start3A_260 : memref<16x128xf32, #tpu.memory_space<vmem>>) target(%dma_start3A_263 : memref<10240x128xf32, #tpu.memory_space<vmem_shared>>) offsets(%get3A_257 : vector<16xi32>) semaphore(%arg15 : memref<!tpu.dma_semaphore, #tpu.memory_space<semaphore_mem>>) {add = true}
      %mul3A_264 = arith.constant 112 : i32
      %mul3A_265 = arith.muli %mul3A_182, %mul3A_264 : i32
      %add3A_266 = arith.constant 96 : i32
      %add3A_267 = arith.addi %mul3A_265, %add3A_266 : i32
      %get3A_268 = arith.index_cast %add3A_267 : i32 to index
      %get3A_269 = tpu.vector_load %arg10[%get3A_268] {strides = array<i32>} : memref<10080xi32, #tpu.memory_space<vmem>>, vector<16xi32>,
      %get3A_270 = vector.shape_cast %get3A_269 : vector<16xi32> to vector<16xi32>
      %dma_start3A_271 = arith.constant 96 : i32
      %dma_start3A_272 = arith.constant 0 : i32
      %dma_start3A_273 = tpu.memref_slice %arg11[%dma_start3A_271, %dma_start3A_272] : memref<112x128xf32, #tpu.memory_space<vmem>> -> memref<16x128xf32, #tpu.memory_space<vmem>>
      %dma_start3A_274 = arith.constant 0 : i32
      %dma_start3A_275 = arith.constant 0 : i32
      %dma_start3A_276 = tpu.memref_slice %arg17[%dma_start3A_274, %dma_start3A_275] : memref<10240x128xf32, #tpu.memory_space<vmem_shared>> -> memref<10240x128xf32, #tpu.memory_space<vmem_shared>>
      tpu.enqueue_indirect_dma source(%dma_start3A_273 : memref<16x128xf32, #tpu.memory_space<vmem>>) target(%dma_start3A_276 : memref<10240x128xf32, #tpu.memory_space<vmem_shared>>) offsets(%get3A_270 : vector<16xi32>) semaphore(%arg15 : memref<!tpu.dma_semaphore, #tpu.memory_space<semaphore_mem>>) {add = true}
      %dma_wait3A_277 = arith.constant 0 : i32
      %dma_wait3A_278 = tpu.memref_slice %arg9[%dma_wait3A_277] : memref<10080xi32, #tpu.memory_space<vmem>> -> memref<112xi32, #tpu.memory_space<vmem>>
      %dma_wait3A_279 = arith.constant 0 : i32
      %dma_wait3A_280 = arith.constant 0 : i32
      %dma_wait3A_281 = tpu.memref_slice %arg2[%dma_wait3A_279, %dma_wait3A_280] : memref<90000x128xf32, #tpu.memory_space<hbm>> -> memref<90000x128xf32, #tpu.memory_space<hbm>>
      tpu.wait_indirect_dma semaphore(%arg15 : memref<!tpu.dma_semaphore, #tpu.memory_space<semaphore_mem>>) src(%dma_wait3A_281 : memref<90000x128xf32, #tpu.memory_space<hbm>>) dst(%arg11 : memref<112x128xf32, #tpu.memory_space<vmem>>)
      %add3A_282 = arith.constant 2 : i32
      %add3A_283 = arith.addi %mul3A_182, %add3A_282 : i32
      %le3A = arith.constant 45 : i32
      %le3A_284 = arith.cmpi sle, %add3A_283, %le3A : i32
      %convert_element_type3A = arith.extui %le3A_284 : i1 to i32
      %cond3A = arith.constant 0 : i32
      %cond3A_285 = arith.cmpi ne, %convert_element_type3A, %cond3A : i32
      scf.if %cond3A_285 {
        %add3A_396 = arith.constant 2 : i32
        %add3A_397 = arith.addi %mul3A_182, %add3A_396 : i32
        %mul3A_398 = arith.constant 112 : i32
        %mul3A_399 = arith.muli %add3A_397, %mul3A_398 : i32
        %dma_start3A_400 = tpu.memref_slice %arg9[%mul3A_399] : memref<10080xi32, #tpu.memory_space<vmem>> -> memref<112xi32, #tpu.memory_space<vmem>>
        %dma_start3A_401 = arith.constant 0 : i32
        %dma_start3A_402 = arith.constant 0 : i32
        %dma_start3A_403 = tpu.memref_slice %arg2[%dma_start3A_401, %dma_start3A_402] : memref<90000x128xf32, #tpu.memory_space<hbm>> -> memref<90000x128xf32, #tpu.memory_space<hbm>>
        tpu.enqueue_indirect_dma source(%dma_start3A_403 : memref<90000x128xf32, #tpu.memory_space<hbm>>) target(%arg11 : memref<112x128xf32, #tpu.memory_space<vmem>>) offsets(%dma_start3A_400 : memref<112xi32, #tpu.memory_space<vmem>>) semaphore(%arg13 : memref<!tpu.dma_semaphore, #tpu.memory_space<semaphore_mem>>)
      } else {
      }
      %dma_wait3A_286 = arith.constant 0 : i32
      %dma_wait3A_287 = tpu.memref_slice %arg9[%dma_wait3A_286] : memref<10080xi32, #tpu.memory_space<vmem>> -> memref<112xi32, #tpu.memory_space<vmem>>
      %dma_wait3A_288 = arith.constant 0 : i32
      %dma_wait3A_289 = arith.constant 0 : i32
      %dma_wait3A_290 = tpu.memref_slice %arg2[%dma_wait3A_288, %dma_wait3A_289] : memref<90000x128xf32, #tpu.memory_space<hbm>> -> memref<90000x128xf32, #tpu.memory_space<hbm>>
      tpu.wait_indirect_dma semaphore(%arg14 : memref<!tpu.dma_semaphore, #tpu.memory_space<semaphore_mem>>) src(%dma_wait3A_290 : memref<90000x128xf32, #tpu.memory_space<hbm>>) dst(%arg12 : memref<112x128xf32, #tpu.memory_space<vmem>>)
      %add3A_291 = arith.constant 1 : i32
      %add3A_292 = arith.addi %mul3A_182, %add3A_291 : i32
      %mul3A_293 = arith.constant 112 : i32
      %mul3A_294 = arith.muli %add3A_292, %mul3A_293 : i32
      %add3A_295 = arith.constant 0 : i32
      %add3A_296 = arith.addi %mul3A_294, %add3A_295 : i32
      %get3A_297 = arith.index_cast %add3A_296 : i32 to index
      %get3A_298 = tpu.vector_load %arg10[%get3A_297] {strides = array<i32>} : memref<10080xi32, #tpu.memory_space<vmem>>, vector<16xi32>,
      %get3A_299 = vector.shape_cast %get3A_298 : vector<16xi32> to vector<16xi32>
      %dma_start3A_300 = arith.constant 0 : i32
      %dma_start3A_301 = arith.constant 0 : i32
      %dma_start3A_302 = tpu.memref_slice %arg12[%dma_start3A_300, %dma_start3A_301] : memref<112x128xf32, #tpu.memory_space<vmem>> -> memref<16x128xf32, #tpu.memory_space<vmem>>
      %dma_start3A_303 = arith.constant 0 : i32
      %dma_start3A_304 = arith.constant 0 : i32
      %dma_start3A_305 = tpu.memref_slice %arg17[%dma_start3A_303, %dma_start3A_304] : memref<10240x128xf32, #tpu.memory_space<vmem_shared>> -> memref<10240x128xf32, #tpu.memory_space<vmem_shared>>
      tpu.enqueue_indirect_dma source(%dma_start3A_302 : memref<16x128xf32, #tpu.memory_space<vmem>>) target(%dma_start3A_305 : memref<10240x128xf32, #tpu.memory_space<vmem_shared>>) offsets(%get3A_299 : vector<16xi32>) semaphore(%arg16 : memref<!tpu.dma_semaphore, #tpu.memory_space<semaphore_mem>>) {add = true}
      %mul3A_306 = arith.constant 112 : i32
      %mul3A_307 = arith.muli %add3A_292, %mul3A_306 : i32
      %add3A_308 = arith.constant 16 : i32
      %add3A_309 = arith.addi %mul3A_307, %add3A_308 : i32
      %get3A_310 = arith.index_cast %add3A_309 : i32 to index
      %get3A_311 = tpu.vector_load %arg10[%get3A_310] {strides = array<i32>} : memref<10080xi32, #tpu.memory_space<vmem>>, vector<16xi32>,
      %get3A_312 = vector.shape_cast %get3A_311 : vector<16xi32> to vector<16xi32>
      %dma_start3A_313 = arith.constant 16 : i32
      %dma_start3A_314 = arith.constant 0 : i32
      %dma_start3A_315 = tpu.memref_slice %arg12[%dma_start3A_313, %dma_start3A_314] : memref<112x128xf32, #tpu.memory_space<vmem>> -> memref<16x128xf32, #tpu.memory_space<vmem>>
      %dma_start3A_316 = arith.constant 0 : i32
      %dma_start3A_317 = arith.constant 0 : i32
      %dma_start3A_318 = tpu.memref_slice %arg17[%dma_start3A_316, %dma_start3A_317] : memref<10240x128xf32, #tpu.memory_space<vmem_shared>> -> memref<10240x128xf32, #tpu.memory_space<vmem_shared>>
      tpu.enqueue_indirect_dma source(%dma_start3A_315 : memref<16x128xf32, #tpu.memory_space<vmem>>) target(%dma_start3A_318 : memref<10240x128xf32, #tpu.memory_space<vmem_shared>>) offsets(%get3A_312 : vector<16xi32>) semaphore(%arg16 : memref<!tpu.dma_semaphore, #tpu.memory_space<semaphore_mem>>) {add = true}
      %mul3A_319 = arith.constant 112 : i32
      %mul3A_320 = arith.muli %add3A_292, %mul3A_319 : i32
      %add3A_321 = arith.constant 32 : i32
      %add3A_322 = arith.addi %mul3A_320, %add3A_321 : i32
      %get3A_323 = arith.index_cast %add3A_322 : i32 to index
      %get3A_324 = tpu.vector_load %arg10[%get3A_323] {strides = array<i32>} : memref<10080xi32, #tpu.memory_space<vmem>>, vector<16xi32>,
      %get3A_325 = vector.shape_cast %get3A_324 : vector<16xi32> to vector<16xi32>
      %dma_start3A_326 = arith.constant 32 : i32
      %dma_start3A_327 = arith.constant 0 : i32
      %dma_start3A_328 = tpu.memref_slice %arg12[%dma_start3A_326, %dma_start3A_327] : memref<112x128xf32, #tpu.memory_space<vmem>> -> memref<16x128xf32, #tpu.memory_space<vmem>>
      %dma_start3A_329 = arith.constant 0 : i32
      %dma_start3A_330 = arith.constant 0 : i32
      %dma_start3A_331 = tpu.memref_slice %arg17[%dma_start3A_329, %dma_start3A_330] : memref<10240x128xf32, #tpu.memory_space<vmem_shared>> -> memref<10240x128xf32, #tpu.memory_space<vmem_shared>>
      tpu.enqueue_indirect_dma source(%dma_start3A_328 : memref<16x128xf32, #tpu.memory_space<vmem>>) target(%dma_start3A_331 : memref<10240x128xf32, #tpu.memory_space<vmem_shared>>) offsets(%get3A_325 : vector<16xi32>) semaphore(%arg16 : memref<!tpu.dma_semaphore, #tpu.memory_space<semaphore_mem>>) {add = true}
      %mul3A_332 = arith.constant 112 : i32
      %mul3A_333 = arith.muli %add3A_292, %mul3A_332 : i32
      %add3A_334 = arith.constant 48 : i32
      %add3A_335 = arith.addi %mul3A_333, %add3A_334 : i32
      %get3A_336 = arith.index_cast %add3A_335 : i32 to index
      %get3A_337 = tpu.vector_load %arg10[%get3A_336] {strides = array<i32>} : memref<10080xi32, #tpu.memory_space<vmem>>, vector<16xi32>,
      %get3A_338 = vector.shape_cast %get3A_337 : vector<16xi32> to vector<16xi32>
      %dma_start3A_339 = arith.constant 48 : i32
      %dma_start3A_340 = arith.constant 0 : i32
      %dma_start3A_341 = tpu.memref_slice %arg12[%dma_start3A_339, %dma_start3A_340] : memref<112x128xf32, #tpu.memory_space<vmem>> -> memref<16x128xf32, #tpu.memory_space<vmem>>
      %dma_start3A_342 = arith.constant 0 : i32
      %dma_start3A_343 = arith.constant 0 : i32
      %dma_start3A_344 = tpu.memref_slice %arg17[%dma_start3A_342, %dma_start3A_343] : memref<10240x128xf32, #tpu.memory_space<vmem_shared>> -> memref<10240x128xf32, #tpu.memory_space<vmem_shared>>
      tpu.enqueue_indirect_dma source(%dma_start3A_341 : memref<16x128xf32, #tpu.memory_space<vmem>>) target(%dma_start3A_344 : memref<10240x128xf32, #tpu.memory_space<vmem_shared>>) offsets(%get3A_338 : vector<16xi32>) semaphore(%arg16 : memref<!tpu.dma_semaphore, #tpu.memory_space<semaphore_mem>>) {add = true}
      %mul3A_345 = arith.constant 112 : i32
      %mul3A_346 = arith.muli %add3A_292, %mul3A_345 : i32
      %add3A_347 = arith.constant 64 : i32
      %add3A_348 = arith.addi %mul3A_346, %add3A_347 : i32
      %get3A_349 = arith.index_cast %add3A_348 : i32 to index
      %get3A_350 = tpu.vector_load %arg10[%get3A_349] {strides = array<i32>} : memref<10080xi32, #tpu.memory_space<vmem>>, vector<16xi32>,
      %get3A_351 = vector.shape_cast %get3A_350 : vector<16xi32> to vector<16xi32>
      %dma_start3A_352 = arith.constant 64 : i32
      %dma_start3A_353 = arith.constant 0 : i32
      %dma_start3A_354 = tpu.memref_slice %arg12[%dma_start3A_352, %dma_start3A_353] : memref<112x128xf32, #tpu.memory_space<vmem>> -> memref<16x128xf32, #tpu.memory_space<vmem>>
      %dma_start3A_355 = arith.constant 0 : i32
      %dma_start3A_356 = arith.constant 0 : i32
      %dma_start3A_357 = tpu.memref_slice %arg17[%dma_start3A_355, %dma_start3A_356] : memref<10240x128xf32, #tpu.memory_space<vmem_shared>> -> memref<10240x128xf32, #tpu.memory_space<vmem_shared>>
      tpu.enqueue_indirect_dma source(%dma_start3A_354 : memref<16x128xf32, #tpu.memory_space<vmem>>) target(%dma_start3A_357 : memref<10240x128xf32, #tpu.memory_space<vmem_shared>>) offsets(%get3A_351 : vector<16xi32>) semaphore(%arg16 : memref<!tpu.dma_semaphore, #tpu.memory_space<semaphore_mem>>) {add = true}
      %mul3A_358 = arith.constant 112 : i32
      %mul3A_359 = arith.muli %add3A_292, %mul3A_358 : i32
      %add3A_360 = arith.constant 80 : i32
      %add3A_361 = arith.addi %mul3A_359, %add3A_360 : i32
      %get3A_362 = arith.index_cast %add3A_361 : i32 to index
      %get3A_363 = tpu.vector_load %arg10[%get3A_362] {strides = array<i32>} : memref<10080xi32, #tpu.memory_space<vmem>>, vector<16xi32>,
      %get3A_364 = vector.shape_cast %get3A_363 : vector<16xi32> to vector<16xi32>
      %dma_start3A_365 = arith.constant 80 : i32
      %dma_start3A_366 = arith.constant 0 : i32
      %dma_start3A_367 = tpu.memref_slice %arg12[%dma_start3A_365, %dma_start3A_366] : memref<112x128xf32, #tpu.memory_space<vmem>> -> memref<16x128xf32, #tpu.memory_space<vmem>>
      %dma_start3A_368 = arith.constant 0 : i32
      %dma_start3A_369 = arith.constant 0 : i32
      %dma_start3A_370 = tpu.memref_slice %arg17[%dma_start3A_368, %dma_start3A_369] : memref<10240x128xf32, #tpu.memory_space<vmem_shared>> -> memref<10240x128xf32, #tpu.memory_space<vmem_shared>>
      tpu.enqueue_indirect_dma source(%dma_start3A_367 : memref<16x128xf32, #tpu.memory_space<vmem>>) target(%dma_start3A_370 : memref<10240x128xf32, #tpu.memory_space<vmem_shared>>) offsets(%get3A_364 : vector<16xi32>) semaphore(%arg16 : memref<!tpu.dma_semaphore, #tpu.memory_space<semaphore_mem>>) {add = true}
      %mul3A_371 = arith.constant 112 : i32
      %mul3A_372 = arith.muli %add3A_292, %mul3A_371 : i32
      %add3A_373 = arith.constant 96 : i32
      %add3A_374 = arith.addi %mul3A_372, %add3A_373 : i32
      %get3A_375 = arith.index_cast %add3A_374 : i32 to index
      %get3A_376 = tpu.vector_load %arg10[%get3A_375] {strides = array<i32>} : memref<10080xi32, #tpu.memory_space<vmem>>, vector<16xi32>,
      %get3A_377 = vector.shape_cast %get3A_376 : vector<16xi32> to vector<16xi32>
      %dma_start3A_378 = arith.constant 96 : i32
      %dma_start3A_379 = arith.constant 0 : i32
      %dma_start3A_380 = tpu.memref_slice %arg12[%dma_start3A_378, %dma_start3A_379] : memref<112x128xf32, #tpu.memory_space<vmem>> -> memref<16x128xf32, #tpu.memory_space<vmem>>
      %dma_start3A_381 = arith.constant 0 : i32
      %dma_start3A_382 = arith.constant 0 : i32
      %dma_start3A_383 = tpu.memref_slice %arg17[%dma_start3A_381, %dma_start3A_382] : memref<10240x128xf32, #tpu.memory_space<vmem_shared>> -> memref<10240x128xf32, #tpu.memory_space<vmem_shared>>
      tpu.enqueue_indirect_dma source(%dma_start3A_380 : memref<16x128xf32, #tpu.memory_space<vmem>>) target(%dma_start3A_383 : memref<10240x128xf32, #tpu.memory_space<vmem_shared>>) offsets(%get3A_377 : vector<16xi32>) semaphore(%arg16 : memref<!tpu.dma_semaphore, #tpu.memory_space<semaphore_mem>>) {add = true}
      %dma_wait3A_384 = arith.constant 0 : i32
      %dma_wait3A_385 = tpu.memref_slice %arg9[%dma_wait3A_384] : memref<10080xi32, #tpu.memory_space<vmem>> -> memref<112xi32, #tpu.memory_space<vmem>>
      %dma_wait3A_386 = arith.constant 0 : i32
      %dma_wait3A_387 = arith.constant 0 : i32
      %dma_wait3A_388 = tpu.memref_slice %arg2[%dma_wait3A_386, %dma_wait3A_387] : memref<90000x128xf32, #tpu.memory_space<hbm>> -> memref<90000x128xf32, #tpu.memory_space<hbm>>
      tpu.wait_indirect_dma semaphore(%arg16 : memref<!tpu.dma_semaphore, #tpu.memory_space<semaphore_mem>>) src(%dma_wait3A_388 : memref<90000x128xf32, #tpu.memory_space<hbm>>) dst(%arg12 : memref<112x128xf32, #tpu.memory_space<vmem>>)
      %add3A_389 = arith.constant 3 : i32
      %add3A_390 = arith.addi %mul3A_182, %add3A_389 : i32
      %le3A_391 = arith.constant 45 : i32
      %le3A_392 = arith.cmpi sle, %add3A_390, %le3A_391 : i32
      %convert_element_type3A_393 = arith.extui %le3A_392 : i1 to i32
      %cond3A_394 = arith.constant 0 : i32
      %cond3A_395 = arith.cmpi ne, %convert_element_type3A_393, %cond3A_394 : i32
      scf.if %cond3A_395 {
        %add3A_396 = arith.constant 3 : i32
        %add3A_397 = arith.addi %mul3A_182, %add3A_396 : i32
        %mul3A_398 = arith.constant 112 : i32
        %mul3A_399 = arith.muli %add3A_397, %mul3A_398 : i32
        %dma_start3A_400 = tpu.memref_slice %arg9[%mul3A_399] : memref<10080xi32, #tpu.memory_space<vmem>> -> memref<112xi32, #tpu.memory_space<vmem>>
        %dma_start3A_401 = arith.constant 0 : i32
        %dma_start3A_402 = arith.constant 0 : i32
        %dma_start3A_403 = tpu.memref_slice %arg2[%dma_start3A_401, %dma_start3A_402] : memref<90000x128xf32, #tpu.memory_space<hbm>> -> memref<90000x128xf32, #tpu.memory_space<hbm>>
        tpu.enqueue_indirect_dma source(%dma_start3A_403 : memref<90000x128xf32, #tpu.memory_space<hbm>>) target(%arg12 : memref<112x128xf32, #tpu.memory_space<vmem>>) offsets(%dma_start3A_400 : memref<112xi32, #tpu.memory_space<vmem>>) semaphore(%arg14 : memref<!tpu.dma_semaphore, #tpu.memory_space<semaphore_mem>>)
      } else {
      }
    }
    %scan3A_172 = arith.constant 23 : i32
    %barrier3A_173 = arith.constant 0 : index
    tpu.barrier barrier_id(%barrier3A_173)
    %mul3A_174 = arith.constant 640 : i32
    %mul3A_175 = arith.muli %arg1, %mul3A_174 : i32
    %mul3A_176 = arith.constant 640 : i32
    %mul3A_177 = arith.muli %arg1, %mul3A_176 : i32
    %add3A_178 = arith.addi %mul3A_153, %mul3A_177 : i32
    "tpu.region"() ({
      %run_scoped3A = tpu.sem_alloc : memref<!tpu.dma_semaphore, #tpu.memory_space<semaphore_mem>>
      %dma_start3A_180 = arith.constant 0 : i32
      %dma_start3A_181 = tpu.memref_slice %arg8[%add3A_178, %dma_start3A_180] : memref<102400x128xf32, #tpu.memory_space<hbm>> -> memref<640x128xf32, #tpu.memory_space<hbm>>
      %dma_start3A_182 = arith.constant 0 : i32
      %dma_start3A_183 = tpu.memref_slice %arg17[%mul3A_175, %dma_start3A_182] : memref<10240x128xf32, #tpu.memory_space<vmem_shared>> -> memref<640x128xf32, #tpu.memory_space<vmem_shared>>
      tpu.enqueue_dma source(%dma_start3A_183 : memref<640x128xf32, #tpu.memory_space<vmem_shared>>) target(%dma_start3A_181 : memref<640x128xf32, #tpu.memory_space<hbm>>) target_semaphore(%run_scoped3A : memref<!tpu.dma_semaphore, #tpu.memory_space<semaphore_mem>>)
      %dma_wait3A = arith.constant 0 : i32
      %dma_wait3A_184 = tpu.memref_slice %arg8[%add3A_178, %dma_wait3A] : memref<102400x128xf32, #tpu.memory_space<hbm>> -> memref<640x128xf32, #tpu.memory_space<hbm>>
      %dma_wait3A_185 = arith.constant 0 : i32
      %dma_wait3A_186 = tpu.memref_slice %arg17[%mul3A_175, %dma_wait3A_185] : memref<10240x128xf32, #tpu.memory_space<vmem_shared>> -> memref<640x128xf32, #tpu.memory_space<vmem_shared>>
      tpu.wait_dma2 semaphore(%run_scoped3A : memref<!tpu.dma_semaphore, #tpu.memory_space<semaphore_mem>>) src(%dma_wait3A_186 : memref<640x128xf32, #tpu.memory_space<vmem_shared>>) dst(%dma_wait3A_184 : memref<640x128xf32, #tpu.memory_space<hbm>>)
      tpu.yield
    }) : () -> ()
    %barrier3A_179 = arith.constant 0 : index
    tpu.barrier barrier_id(%barrier3A_179)
    return
  }
}

module attributes {stable_mosaic.version = 14 : i64} {
  func.func @_tc1_body(%arg0: i32, %arg1: memref<400x256xf32, #tpu.memory_space<vmem>>, %arg2: memref<256x1024xf32, #tpu.memory_space<vmem>>, %arg3: memref<256x4xf32, #tpu.memory_space<vmem>>, %arg4: memref<9x400x128xf32, #tpu.memory_space<vmem>>) attributes {dimension_semantics = [#tpu.dimension_semantics<arbitrary>], iteration_bounds = array<i64: 25>, scalar_prefetch = 0 : i64, scratch_operands = 0 : i64, tpu.core_type = #tpu.core_type<tc>, window_params = [{transform_indices = @transform_0, window_bounds = array<i64: 400, 256>}, {pipeline_mode = #tpu.pipeline_mode<synchronous>, transform_indices = @transform_1, window_bounds = array<i64: 256, 1024>}, {pipeline_mode = #tpu.pipeline_mode<synchronous>, transform_indices = @transform_2, window_bounds = array<i64: 256, 4>}, {transform_indices = @transform_3, window_bounds = array<i64: 9, 400, 128>}]} {
    %get3A = arith.constant 0 : index
    %get3A_0 = arith.constant 0 : index
    %get3A_1 = vector.load %arg1[%get3A, %get3A_0] : memref<400x256xf32, #tpu.memory_space<vmem>>, vector<400x256xf32>
    %get3A_2 = arith.constant 0 : index
    %get3A_3 = arith.constant 0 : index
    %get3A_4 = vector.load %arg3[%get3A_2, %get3A_3] : memref<256x4xf32, #tpu.memory_space<vmem>>, vector<256x4xf32>
    %dot_general3A = arith.constant dense<0.000000e+00> : vector<400x4xf32>
    %dot_general3A_5 = tpu.matmul %get3A_1, %get3A_4, %dot_general3A {dimension_numbers = #tpu.dot_dimension_numbers<[1], [0], [0], [1], [0, 0, 1, 1], [], []>, transpose_lhs_hint = false} : vector<400x256xf32>, vector<256x4xf32>, vector<400x4xf32> -> vector<400x4xf32>
    %exp3A = math.exp %dot_general3A_5 : vector<400x4xf32>
    %get3A_6 = arith.constant 0 : index
    %get3A_7 = arith.constant 0 : index
    %get3A_8 = vector.load %arg2[%get3A_6, %get3A_7] : memref<256x1024xf32, #tpu.memory_space<vmem>>, vector<256x1024xf32>
    %dot_general3A_9 = arith.constant dense<0.000000e+00> : vector<400x1024xf32>
    %dot_general3A_10 = tpu.matmul %get3A_1, %get3A_8, %dot_general3A_9 {dimension_numbers = #tpu.dot_dimension_numbers<[1], [0], [0], [1], [0, 0, 1, 1], [], []>, transpose_lhs_hint = false} : vector<400x256xf32>, vector<256x1024xf32>, vector<400x1024xf32> -> vector<400x1024xf32>
    %slice3A = vector.extract_strided_slice %dot_general3A_10 {offsets = [0, 0], sizes = [400, 32], strides = [1, 1]} : vector<400x1024xf32> to vector<400x32xf32>
    %slice3A_11 = vector.extract_strided_slice %exp3A {offsets = [0, 0], sizes = [400, 1], strides = [1, 1]} : vector<400x4xf32> to vector<400x1xf32>
    %mul3A = vector.broadcast %slice3A_11 : vector<400x1xf32> to vector<400x32xf32>
    %mul3A_12 = arith.mulf %slice3A, %mul3A : vector<400x32xf32>
    %swap3A = arith.constant 0 : index
    %swap3A_13 = arith.constant 0 : index
    %swap3A_14 = arith.constant 0 : index
    %swap3A_15 = vector.load %arg4[%swap3A, %swap3A_13, %swap3A_14] : memref<9x400x128xf32, #tpu.memory_space<vmem>>, vector<1x400x32xf32>
    %swap3A_16 = vector.shape_cast %swap3A_15 : vector<1x400x32xf32> to vector<400x32xf32>
    %swap3A_17 = vector.shape_cast %mul3A_12 : vector<400x32xf32> to vector<1x400x32xf32>
    tpu.vector_store %arg4[%swap3A, %swap3A_13, %swap3A_14], %swap3A_17 {strides = array<i32>} : memref<9x400x128xf32, #tpu.memory_space<vmem>>, vector<1x400x32xf32>,
    %slice3A_18 = vector.extract_strided_slice %dot_general3A_10 {offsets = [0, 256], sizes = [400, 32], strides = [1, 1]} : vector<400x1024xf32> to vector<400x32xf32>
    %slice3A_19 = vector.extract_strided_slice %exp3A {offsets = [0, 1], sizes = [400, 1], strides = [1, 1]} : vector<400x4xf32> to vector<400x1xf32>
    %mul3A_20 = vector.broadcast %slice3A_19 : vector<400x1xf32> to vector<400x32xf32>
    %mul3A_21 = arith.mulf %slice3A_18, %mul3A_20 : vector<400x32xf32>
    %swap3A_22 = arith.constant 0 : index
    %swap3A_23 = arith.constant 0 : index
    %swap3A_24 = arith.constant 32 : index
    %swap3A_25 = vector.load %arg4[%swap3A_22, %swap3A_23, %swap3A_24] : memref<9x400x128xf32, #tpu.memory_space<vmem>>, vector<1x400x32xf32>
    %swap3A_26 = vector.shape_cast %swap3A_25 : vector<1x400x32xf32> to vector<400x32xf32>
    %swap3A_27 = vector.shape_cast %mul3A_21 : vector<400x32xf32> to vector<1x400x32xf32>
    tpu.vector_store %arg4[%swap3A_22, %swap3A_23, %swap3A_24], %swap3A_27 {strides = array<i32>} : memref<9x400x128xf32, #tpu.memory_space<vmem>>, vector<1x400x32xf32>,
    %slice3A_28 = vector.extract_strided_slice %dot_general3A_10 {offsets = [0, 512], sizes = [400, 32], strides = [1, 1]} : vector<400x1024xf32> to vector<400x32xf32>
    %slice3A_29 = vector.extract_strided_slice %exp3A {offsets = [0, 2], sizes = [400, 1], strides = [1, 1]} : vector<400x4xf32> to vector<400x1xf32>
    %mul3A_30 = vector.broadcast %slice3A_29 : vector<400x1xf32> to vector<400x32xf32>
    %mul3A_31 = arith.mulf %slice3A_28, %mul3A_30 : vector<400x32xf32>
    %swap3A_32 = arith.constant 0 : index
    %swap3A_33 = arith.constant 0 : index
    %swap3A_34 = arith.constant 64 : index
    %swap3A_35 = vector.load %arg4[%swap3A_32, %swap3A_33, %swap3A_34] : memref<9x400x128xf32, #tpu.memory_space<vmem>>, vector<1x400x32xf32>
    %swap3A_36 = vector.shape_cast %swap3A_35 : vector<1x400x32xf32> to vector<400x32xf32>
    %swap3A_37 = vector.shape_cast %mul3A_31 : vector<400x32xf32> to vector<1x400x32xf32>
    tpu.vector_store %arg4[%swap3A_32, %swap3A_33, %swap3A_34], %swap3A_37 {strides = array<i32>} : memref<9x400x128xf32, #tpu.memory_space<vmem>>, vector<1x400x32xf32>,
    %slice3A_38 = vector.extract_strided_slice %dot_general3A_10 {offsets = [0, 768], sizes = [400, 32], strides = [1, 1]} : vector<400x1024xf32> to vector<400x32xf32>
    %slice3A_39 = vector.extract_strided_slice %exp3A {offsets = [0, 3], sizes = [400, 1], strides = [1, 1]} : vector<400x4xf32> to vector<400x1xf32>
    %mul3A_40 = vector.broadcast %slice3A_39 : vector<400x1xf32> to vector<400x32xf32>
    %mul3A_41 = arith.mulf %slice3A_38, %mul3A_40 : vector<400x32xf32>
    %swap3A_42 = arith.constant 0 : index
    %swap3A_43 = arith.constant 0 : index
    %swap3A_44 = arith.constant 96 : index
    %swap3A_45 = vector.load %arg4[%swap3A_42, %swap3A_43, %swap3A_44] : memref<9x400x128xf32, #tpu.memory_space<vmem>>, vector<1x400x32xf32>
    %swap3A_46 = vector.shape_cast %swap3A_45 : vector<1x400x32xf32> to vector<400x32xf32>
    %swap3A_47 = vector.shape_cast %mul3A_41 : vector<400x32xf32> to vector<1x400x32xf32>
    tpu.vector_store %arg4[%swap3A_42, %swap3A_43, %swap3A_44], %swap3A_47 {strides = array<i32>} : memref<9x400x128xf32, #tpu.memory_space<vmem>>, vector<1x400x32xf32>,
    %slice3A_48 = vector.extract_strided_slice %dot_general3A_10 {offsets = [0, 32], sizes = [400, 32], strides = [1, 1]} : vector<400x1024xf32> to vector<400x32xf32>
    %slice3A_49 = vector.extract_strided_slice %exp3A {offsets = [0, 0], sizes = [400, 1], strides = [1, 1]} : vector<400x4xf32> to vector<400x1xf32>
    %mul3A_50 = vector.broadcast %slice3A_49 : vector<400x1xf32> to vector<400x32xf32>
    %mul3A_51 = arith.mulf %slice3A_48, %mul3A_50 : vector<400x32xf32>
    %swap3A_52 = arith.constant 1 : index
    %swap3A_53 = arith.constant 0 : index
    %swap3A_54 = arith.constant 0 : index
    %swap3A_55 = vector.load %arg4[%swap3A_52, %swap3A_53, %swap3A_54] : memref<9x400x128xf32, #tpu.memory_space<vmem>>, vector<1x400x32xf32>
    %swap3A_56 = vector.shape_cast %swap3A_55 : vector<1x400x32xf32> to vector<400x32xf32>
    %swap3A_57 = vector.shape_cast %mul3A_51 : vector<400x32xf32> to vector<1x400x32xf32>
    tpu.vector_store %arg4[%swap3A_52, %swap3A_53, %swap3A_54], %swap3A_57 {strides = array<i32>} : memref<9x400x128xf32, #tpu.memory_space<vmem>>, vector<1x400x32xf32>,
    %slice3A_58 = vector.extract_strided_slice %dot_general3A_10 {offsets = [0, 288], sizes = [400, 32], strides = [1, 1]} : vector<400x1024xf32> to vector<400x32xf32>
    %slice3A_59 = vector.extract_strided_slice %exp3A {offsets = [0, 1], sizes = [400, 1], strides = [1, 1]} : vector<400x4xf32> to vector<400x1xf32>
    %mul3A_60 = vector.broadcast %slice3A_59 : vector<400x1xf32> to vector<400x32xf32>
    %mul3A_61 = arith.mulf %slice3A_58, %mul3A_60 : vector<400x32xf32>
    %swap3A_62 = arith.constant 1 : index
    %swap3A_63 = arith.constant 0 : index
    %swap3A_64 = arith.constant 32 : index
    %swap3A_65 = vector.load %arg4[%swap3A_62, %swap3A_63, %swap3A_64] : memref<9x400x128xf32, #tpu.memory_space<vmem>>, vector<1x400x32xf32>
    %swap3A_66 = vector.shape_cast %swap3A_65 : vector<1x400x32xf32> to vector<400x32xf32>
    %swap3A_67 = vector.shape_cast %mul3A_61 : vector<400x32xf32> to vector<1x400x32xf32>
    tpu.vector_store %arg4[%swap3A_62, %swap3A_63, %swap3A_64], %swap3A_67 {strides = array<i32>} : memref<9x400x128xf32, #tpu.memory_space<vmem>>, vector<1x400x32xf32>,
    %slice3A_68 = vector.extract_strided_slice %dot_general3A_10 {offsets = [0, 544], sizes = [400, 32], strides = [1, 1]} : vector<400x1024xf32> to vector<400x32xf32>
    %slice3A_69 = vector.extract_strided_slice %exp3A {offsets = [0, 2], sizes = [400, 1], strides = [1, 1]} : vector<400x4xf32> to vector<400x1xf32>
    %mul3A_70 = vector.broadcast %slice3A_69 : vector<400x1xf32> to vector<400x32xf32>
    %mul3A_71 = arith.mulf %slice3A_68, %mul3A_70 : vector<400x32xf32>
    %swap3A_72 = arith.constant 1 : index
    %swap3A_73 = arith.constant 0 : index
    %swap3A_74 = arith.constant 64 : index
    %swap3A_75 = vector.load %arg4[%swap3A_72, %swap3A_73, %swap3A_74] : memref<9x400x128xf32, #tpu.memory_space<vmem>>, vector<1x400x32xf32>
    %swap3A_76 = vector.shape_cast %swap3A_75 : vector<1x400x32xf32> to vector<400x32xf32>
    %swap3A_77 = vector.shape_cast %mul3A_71 : vector<400x32xf32> to vector<1x400x32xf32>
    tpu.vector_store %arg4[%swap3A_72, %swap3A_73, %swap3A_74], %swap3A_77 {strides = array<i32>} : memref<9x400x128xf32, #tpu.memory_space<vmem>>, vector<1x400x32xf32>,
    %slice3A_78 = vector.extract_strided_slice %dot_general3A_10 {offsets = [0, 800], sizes = [400, 32], strides = [1, 1]} : vector<400x1024xf32> to vector<400x32xf32>
    %slice3A_79 = vector.extract_strided_slice %exp3A {offsets = [0, 3], sizes = [400, 1], strides = [1, 1]} : vector<400x4xf32> to vector<400x1xf32>
    %mul3A_80 = vector.broadcast %slice3A_79 : vector<400x1xf32> to vector<400x32xf32>
    %mul3A_81 = arith.mulf %slice3A_78, %mul3A_80 : vector<400x32xf32>
    %swap3A_82 = arith.constant 1 : index
    %swap3A_83 = arith.constant 0 : index
    %swap3A_84 = arith.constant 96 : index
    %swap3A_85 = vector.load %arg4[%swap3A_82, %swap3A_83, %swap3A_84] : memref<9x400x128xf32, #tpu.memory_space<vmem>>, vector<1x400x32xf32>
    %swap3A_86 = vector.shape_cast %swap3A_85 : vector<1x400x32xf32> to vector<400x32xf32>
    %swap3A_87 = vector.shape_cast %mul3A_81 : vector<400x32xf32> to vector<1x400x32xf32>
    tpu.vector_store %arg4[%swap3A_82, %swap3A_83, %swap3A_84], %swap3A_87 {strides = array<i32>} : memref<9x400x128xf32, #tpu.memory_space<vmem>>, vector<1x400x32xf32>,
    %slice3A_88 = vector.extract_strided_slice %dot_general3A_10 {offsets = [0, 64], sizes = [400, 32], strides = [1, 1]} : vector<400x1024xf32> to vector<400x32xf32>
    %slice3A_89 = vector.extract_strided_slice %exp3A {offsets = [0, 0], sizes = [400, 1], strides = [1, 1]} : vector<400x4xf32> to vector<400x1xf32>
    %mul3A_90 = vector.broadcast %slice3A_89 : vector<400x1xf32> to vector<400x32xf32>
    %mul3A_91 = arith.mulf %slice3A_88, %mul3A_90 : vector<400x32xf32>
    %swap3A_92 = arith.constant 2 : index
    %swap3A_93 = arith.constant 0 : index
    %swap3A_94 = arith.constant 0 : index
    %swap3A_95 = vector.load %arg4[%swap3A_92, %swap3A_93, %swap3A_94] : memref<9x400x128xf32, #tpu.memory_space<vmem>>, vector<1x400x32xf32>
    %swap3A_96 = vector.shape_cast %swap3A_95 : vector<1x400x32xf32> to vector<400x32xf32>
    %swap3A_97 = vector.shape_cast %mul3A_91 : vector<400x32xf32> to vector<1x400x32xf32>
    tpu.vector_store %arg4[%swap3A_92, %swap3A_93, %swap3A_94], %swap3A_97 {strides = array<i32>} : memref<9x400x128xf32, #tpu.memory_space<vmem>>, vector<1x400x32xf32>,
    %slice3A_98 = vector.extract_strided_slice %dot_general3A_10 {offsets = [0, 320], sizes = [400, 32], strides = [1, 1]} : vector<400x1024xf32> to vector<400x32xf32>
    %slice3A_99 = vector.extract_strided_slice %exp3A {offsets = [0, 1], sizes = [400, 1], strides = [1, 1]} : vector<400x4xf32> to vector<400x1xf32>
    %mul3A_100 = vector.broadcast %slice3A_99 : vector<400x1xf32> to vector<400x32xf32>
    %mul3A_101 = arith.mulf %slice3A_98, %mul3A_100 : vector<400x32xf32>
    %swap3A_102 = arith.constant 2 : index
    %swap3A_103 = arith.constant 0 : index
    %swap3A_104 = arith.constant 32 : index
    %swap3A_105 = vector.load %arg4[%swap3A_102, %swap3A_103, %swap3A_104] : memref<9x400x128xf32, #tpu.memory_space<vmem>>, vector<1x400x32xf32>
    %swap3A_106 = vector.shape_cast %swap3A_105 : vector<1x400x32xf32> to vector<400x32xf32>
    %swap3A_107 = vector.shape_cast %mul3A_101 : vector<400x32xf32> to vector<1x400x32xf32>
    tpu.vector_store %arg4[%swap3A_102, %swap3A_103, %swap3A_104], %swap3A_107 {strides = array<i32>} : memref<9x400x128xf32, #tpu.memory_space<vmem>>, vector<1x400x32xf32>,
    %slice3A_108 = vector.extract_strided_slice %dot_general3A_10 {offsets = [0, 576], sizes = [400, 32], strides = [1, 1]} : vector<400x1024xf32> to vector<400x32xf32>
    %slice3A_109 = vector.extract_strided_slice %exp3A {offsets = [0, 2], sizes = [400, 1], strides = [1, 1]} : vector<400x4xf32> to vector<400x1xf32>
    %mul3A_110 = vector.broadcast %slice3A_109 : vector<400x1xf32> to vector<400x32xf32>
    %mul3A_111 = arith.mulf %slice3A_108, %mul3A_110 : vector<400x32xf32>
    %swap3A_112 = arith.constant 2 : index
    %swap3A_113 = arith.constant 0 : index
    %swap3A_114 = arith.constant 64 : index
    %swap3A_115 = vector.load %arg4[%swap3A_112, %swap3A_113, %swap3A_114] : memref<9x400x128xf32, #tpu.memory_space<vmem>>, vector<1x400x32xf32>
    %swap3A_116 = vector.shape_cast %swap3A_115 : vector<1x400x32xf32> to vector<400x32xf32>
    %swap3A_117 = vector.shape_cast %mul3A_111 : vector<400x32xf32> to vector<1x400x32xf32>
    tpu.vector_store %arg4[%swap3A_112, %swap3A_113, %swap3A_114], %swap3A_117 {strides = array<i32>} : memref<9x400x128xf32, #tpu.memory_space<vmem>>, vector<1x400x32xf32>,
    %slice3A_118 = vector.extract_strided_slice %dot_general3A_10 {offsets = [0, 832], sizes = [400, 32], strides = [1, 1]} : vector<400x1024xf32> to vector<400x32xf32>
    %slice3A_119 = vector.extract_strided_slice %exp3A {offsets = [0, 3], sizes = [400, 1], strides = [1, 1]} : vector<400x4xf32> to vector<400x1xf32>
    %mul3A_120 = vector.broadcast %slice3A_119 : vector<400x1xf32> to vector<400x32xf32>
    %mul3A_121 = arith.mulf %slice3A_118, %mul3A_120 : vector<400x32xf32>
    %swap3A_122 = arith.constant 2 : index
    %swap3A_123 = arith.constant 0 : index
    %swap3A_124 = arith.constant 96 : index
    %swap3A_125 = vector.load %arg4[%swap3A_122, %swap3A_123, %swap3A_124] : memref<9x400x128xf32, #tpu.memory_space<vmem>>, vector<1x400x32xf32>
    %swap3A_126 = vector.shape_cast %swap3A_125 : vector<1x400x32xf32> to vector<400x32xf32>
    %swap3A_127 = vector.shape_cast %mul3A_121 : vector<400x32xf32> to vector<1x400x32xf32>
    tpu.vector_store %arg4[%swap3A_122, %swap3A_123, %swap3A_124], %swap3A_127 {strides = array<i32>} : memref<9x400x128xf32, #tpu.memory_space<vmem>>, vector<1x400x32xf32>,
    %slice3A_128 = vector.extract_strided_slice %dot_general3A_10 {offsets = [0, 96], sizes = [400, 32], strides = [1, 1]} : vector<400x1024xf32> to vector<400x32xf32>
    %slice3A_129 = vector.extract_strided_slice %exp3A {offsets = [0, 0], sizes = [400, 1], strides = [1, 1]} : vector<400x4xf32> to vector<400x1xf32>
    %mul3A_130 = vector.broadcast %slice3A_129 : vector<400x1xf32> to vector<400x32xf32>
    %mul3A_131 = arith.mulf %slice3A_128, %mul3A_130 : vector<400x32xf32>
    %swap3A_132 = arith.constant 3 : index
    %swap3A_133 = arith.constant 0 : index
    %swap3A_134 = arith.constant 0 : index
    %swap3A_135 = vector.load %arg4[%swap3A_132, %swap3A_133, %swap3A_134] : memref<9x400x128xf32, #tpu.memory_space<vmem>>, vector<1x400x32xf32>
    %swap3A_136 = vector.shape_cast %swap3A_135 : vector<1x400x32xf32> to vector<400x32xf32>
    %swap3A_137 = vector.shape_cast %mul3A_131 : vector<400x32xf32> to vector<1x400x32xf32>
    tpu.vector_store %arg4[%swap3A_132, %swap3A_133, %swap3A_134], %swap3A_137 {strides = array<i32>} : memref<9x400x128xf32, #tpu.memory_space<vmem>>, vector<1x400x32xf32>,
    %slice3A_138 = vector.extract_strided_slice %dot_general3A_10 {offsets = [0, 352], sizes = [400, 32], strides = [1, 1]} : vector<400x1024xf32> to vector<400x32xf32>
    %slice3A_139 = vector.extract_strided_slice %exp3A {offsets = [0, 1], sizes = [400, 1], strides = [1, 1]} : vector<400x4xf32> to vector<400x1xf32>
    %mul3A_140 = vector.broadcast %slice3A_139 : vector<400x1xf32> to vector<400x32xf32>
    %mul3A_141 = arith.mulf %slice3A_138, %mul3A_140 : vector<400x32xf32>
    %swap3A_142 = arith.constant 3 : index
    %swap3A_143 = arith.constant 0 : index
    %swap3A_144 = arith.constant 32 : index
    %swap3A_145 = vector.load %arg4[%swap3A_142, %swap3A_143, %swap3A_144] : memref<9x400x128xf32, #tpu.memory_space<vmem>>, vector<1x400x32xf32>
    %swap3A_146 = vector.shape_cast %swap3A_145 : vector<1x400x32xf32> to vector<400x32xf32>
    %swap3A_147 = vector.shape_cast %mul3A_141 : vector<400x32xf32> to vector<1x400x32xf32>
    tpu.vector_store %arg4[%swap3A_142, %swap3A_143, %swap3A_144], %swap3A_147 {strides = array<i32>} : memref<9x400x128xf32, #tpu.memory_space<vmem>>, vector<1x400x32xf32>,
    %slice3A_148 = vector.extract_strided_slice %dot_general3A_10 {offsets = [0, 608], sizes = [400, 32], strides = [1, 1]} : vector<400x1024xf32> to vector<400x32xf32>
    %slice3A_149 = vector.extract_strided_slice %exp3A {offsets = [0, 2], sizes = [400, 1], strides = [1, 1]} : vector<400x4xf32> to vector<400x1xf32>
    %mul3A_150 = vector.broadcast %slice3A_149 : vector<400x1xf32> to vector<400x32xf32>
    %mul3A_151 = arith.mulf %slice3A_148, %mul3A_150 : vector<400x32xf32>
    %swap3A_152 = arith.constant 3 : index
    %swap3A_153 = arith.constant 0 : index
    %swap3A_154 = arith.constant 64 : index
    %swap3A_155 = vector.load %arg4[%swap3A_152, %swap3A_153, %swap3A_154] : memref<9x400x128xf32, #tpu.memory_space<vmem>>, vector<1x400x32xf32>
    %swap3A_156 = vector.shape_cast %swap3A_155 : vector<1x400x32xf32> to vector<400x32xf32>
    %swap3A_157 = vector.shape_cast %mul3A_151 : vector<400x32xf32> to vector<1x400x32xf32>
    tpu.vector_store %arg4[%swap3A_152, %swap3A_153, %swap3A_154], %swap3A_157 {strides = array<i32>} : memref<9x400x128xf32, #tpu.memory_space<vmem>>, vector<1x400x32xf32>,
    %slice3A_158 = vector.extract_strided_slice %dot_general3A_10 {offsets = [0, 864], sizes = [400, 32], strides = [1, 1]} : vector<400x1024xf32> to vector<400x32xf32>
    %slice3A_159 = vector.extract_strided_slice %exp3A {offsets = [0, 3], sizes = [400, 1], strides = [1, 1]} : vector<400x4xf32> to vector<400x1xf32>
    %mul3A_160 = vector.broadcast %slice3A_159 : vector<400x1xf32> to vector<400x32xf32>
    %mul3A_161 = arith.mulf %slice3A_158, %mul3A_160 : vector<400x32xf32>
    %swap3A_162 = arith.constant 3 : index
    %swap3A_163 = arith.constant 0 : index
    %swap3A_164 = arith.constant 96 : index
    %swap3A_165 = vector.load %arg4[%swap3A_162, %swap3A_163, %swap3A_164] : memref<9x400x128xf32, #tpu.memory_space<vmem>>, vector<1x400x32xf32>
    %swap3A_166 = vector.shape_cast %swap3A_165 : vector<1x400x32xf32> to vector<400x32xf32>
    %swap3A_167 = vector.shape_cast %mul3A_161 : vector<400x32xf32> to vector<1x400x32xf32>
    tpu.vector_store %arg4[%swap3A_162, %swap3A_163, %swap3A_164], %swap3A_167 {strides = array<i32>} : memref<9x400x128xf32, #tpu.memory_space<vmem>>, vector<1x400x32xf32>,
    %slice3A_168 = vector.extract_strided_slice %dot_general3A_10 {offsets = [0, 128], sizes = [400, 32], strides = [1, 1]} : vector<400x1024xf32> to vector<400x32xf32>
    %slice3A_169 = vector.extract_strided_slice %exp3A {offsets = [0, 0], sizes = [400, 1], strides = [1, 1]} : vector<400x4xf32> to vector<400x1xf32>
    %mul3A_170 = vector.broadcast %slice3A_169 : vector<400x1xf32> to vector<400x32xf32>
    %mul3A_171 = arith.mulf %slice3A_168, %mul3A_170 : vector<400x32xf32>
    %swap3A_172 = arith.constant 4 : index
    %swap3A_173 = arith.constant 0 : index
    %swap3A_174 = arith.constant 0 : index
    %swap3A_175 = vector.load %arg4[%swap3A_172, %swap3A_173, %swap3A_174] : memref<9x400x128xf32, #tpu.memory_space<vmem>>, vector<1x400x32xf32>
    %swap3A_176 = vector.shape_cast %swap3A_175 : vector<1x400x32xf32> to vector<400x32xf32>
    %swap3A_177 = vector.shape_cast %mul3A_171 : vector<400x32xf32> to vector<1x400x32xf32>
    tpu.vector_store %arg4[%swap3A_172, %swap3A_173, %swap3A_174], %swap3A_177 {strides = array<i32>} : memref<9x400x128xf32, #tpu.memory_space<vmem>>, vector<1x400x32xf32>,
    %slice3A_178 = vector.extract_strided_slice %dot_general3A_10 {offsets = [0, 384], sizes = [400, 32], strides = [1, 1]} : vector<400x1024xf32> to vector<400x32xf32>
    %slice3A_179 = vector.extract_strided_slice %exp3A {offsets = [0, 1], sizes = [400, 1], strides = [1, 1]} : vector<400x4xf32> to vector<400x1xf32>
    %mul3A_180 = vector.broadcast %slice3A_179 : vector<400x1xf32> to vector<400x32xf32>
    %mul3A_181 = arith.mulf %slice3A_178, %mul3A_180 : vector<400x32xf32>
    %swap3A_182 = arith.constant 4 : index
    %swap3A_183 = arith.constant 0 : index
    %swap3A_184 = arith.constant 32 : index
    %swap3A_185 = vector.load %arg4[%swap3A_182, %swap3A_183, %swap3A_184] : memref<9x400x128xf32, #tpu.memory_space<vmem>>, vector<1x400x32xf32>
    %swap3A_186 = vector.shape_cast %swap3A_185 : vector<1x400x32xf32> to vector<400x32xf32>
    %swap3A_187 = vector.shape_cast %mul3A_181 : vector<400x32xf32> to vector<1x400x32xf32>
    tpu.vector_store %arg4[%swap3A_182, %swap3A_183, %swap3A_184], %swap3A_187 {strides = array<i32>} : memref<9x400x128xf32, #tpu.memory_space<vmem>>, vector<1x400x32xf32>,
    %slice3A_188 = vector.extract_strided_slice %dot_general3A_10 {offsets = [0, 640], sizes = [400, 32], strides = [1, 1]} : vector<400x1024xf32> to vector<400x32xf32>
    %slice3A_189 = vector.extract_strided_slice %exp3A {offsets = [0, 2], sizes = [400, 1], strides = [1, 1]} : vector<400x4xf32> to vector<400x1xf32>
    %mul3A_190 = vector.broadcast %slice3A_189 : vector<400x1xf32> to vector<400x32xf32>
    %mul3A_191 = arith.mulf %slice3A_188, %mul3A_190 : vector<400x32xf32>
    %swap3A_192 = arith.constant 4 : index
    %swap3A_193 = arith.constant 0 : index
    %swap3A_194 = arith.constant 64 : index
    %swap3A_195 = vector.load %arg4[%swap3A_192, %swap3A_193, %swap3A_194] : memref<9x400x128xf32, #tpu.memory_space<vmem>>, vector<1x400x32xf32>
    %swap3A_196 = vector.shape_cast %swap3A_195 : vector<1x400x32xf32> to vector<400x32xf32>
    %swap3A_197 = vector.shape_cast %mul3A_191 : vector<400x32xf32> to vector<1x400x32xf32>
    tpu.vector_store %arg4[%swap3A_192, %swap3A_193, %swap3A_194], %swap3A_197 {strides = array<i32>} : memref<9x400x128xf32, #tpu.memory_space<vmem>>, vector<1x400x32xf32>,
    %slice3A_198 = vector.extract_strided_slice %dot_general3A_10 {offsets = [0, 896], sizes = [400, 32], strides = [1, 1]} : vector<400x1024xf32> to vector<400x32xf32>
    %slice3A_199 = vector.extract_strided_slice %exp3A {offsets = [0, 3], sizes = [400, 1], strides = [1, 1]} : vector<400x4xf32> to vector<400x1xf32>
    %mul3A_200 = vector.broadcast %slice3A_199 : vector<400x1xf32> to vector<400x32xf32>
    %mul3A_201 = arith.mulf %slice3A_198, %mul3A_200 : vector<400x32xf32>
    %swap3A_202 = arith.constant 4 : index
    %swap3A_203 = arith.constant 0 : index
    %swap3A_204 = arith.constant 96 : index
    %swap3A_205 = vector.load %arg4[%swap3A_202, %swap3A_203, %swap3A_204] : memref<9x400x128xf32, #tpu.memory_space<vmem>>, vector<1x400x32xf32>
    %swap3A_206 = vector.shape_cast %swap3A_205 : vector<1x400x32xf32> to vector<400x32xf32>
    %swap3A_207 = vector.shape_cast %mul3A_201 : vector<400x32xf32> to vector<1x400x32xf32>
    tpu.vector_store %arg4[%swap3A_202, %swap3A_203, %swap3A_204], %swap3A_207 {strides = array<i32>} : memref<9x400x128xf32, #tpu.memory_space<vmem>>, vector<1x400x32xf32>,
    %slice3A_208 = vector.extract_strided_slice %dot_general3A_10 {offsets = [0, 160], sizes = [400, 32], strides = [1, 1]} : vector<400x1024xf32> to vector<400x32xf32>
    %slice3A_209 = vector.extract_strided_slice %exp3A {offsets = [0, 0], sizes = [400, 1], strides = [1, 1]} : vector<400x4xf32> to vector<400x1xf32>
    %mul3A_210 = vector.broadcast %slice3A_209 : vector<400x1xf32> to vector<400x32xf32>
    %mul3A_211 = arith.mulf %slice3A_208, %mul3A_210 : vector<400x32xf32>
    %swap3A_212 = arith.constant 5 : index
    %swap3A_213 = arith.constant 0 : index
    %swap3A_214 = arith.constant 0 : index
    %swap3A_215 = vector.load %arg4[%swap3A_212, %swap3A_213, %swap3A_214] : memref<9x400x128xf32, #tpu.memory_space<vmem>>, vector<1x400x32xf32>
    %swap3A_216 = vector.shape_cast %swap3A_215 : vector<1x400x32xf32> to vector<400x32xf32>
    %swap3A_217 = vector.shape_cast %mul3A_211 : vector<400x32xf32> to vector<1x400x32xf32>
    tpu.vector_store %arg4[%swap3A_212, %swap3A_213, %swap3A_214], %swap3A_217 {strides = array<i32>} : memref<9x400x128xf32, #tpu.memory_space<vmem>>, vector<1x400x32xf32>,
    %slice3A_218 = vector.extract_strided_slice %dot_general3A_10 {offsets = [0, 416], sizes = [400, 32], strides = [1, 1]} : vector<400x1024xf32> to vector<400x32xf32>
    %slice3A_219 = vector.extract_strided_slice %exp3A {offsets = [0, 1], sizes = [400, 1], strides = [1, 1]} : vector<400x4xf32> to vector<400x1xf32>
    %mul3A_220 = vector.broadcast %slice3A_219 : vector<400x1xf32> to vector<400x32xf32>
    %mul3A_221 = arith.mulf %slice3A_218, %mul3A_220 : vector<400x32xf32>
    %swap3A_222 = arith.constant 5 : index
    %swap3A_223 = arith.constant 0 : index
    %swap3A_224 = arith.constant 32 : index
    %swap3A_225 = vector.load %arg4[%swap3A_222, %swap3A_223, %swap3A_224] : memref<9x400x128xf32, #tpu.memory_space<vmem>>, vector<1x400x32xf32>
    %swap3A_226 = vector.shape_cast %swap3A_225 : vector<1x400x32xf32> to vector<400x32xf32>
    %swap3A_227 = vector.shape_cast %mul3A_221 : vector<400x32xf32> to vector<1x400x32xf32>
    tpu.vector_store %arg4[%swap3A_222, %swap3A_223, %swap3A_224], %swap3A_227 {strides = array<i32>} : memref<9x400x128xf32, #tpu.memory_space<vmem>>, vector<1x400x32xf32>,
    %slice3A_228 = vector.extract_strided_slice %dot_general3A_10 {offsets = [0, 672], sizes = [400, 32], strides = [1, 1]} : vector<400x1024xf32> to vector<400x32xf32>
    %slice3A_229 = vector.extract_strided_slice %exp3A {offsets = [0, 2], sizes = [400, 1], strides = [1, 1]} : vector<400x4xf32> to vector<400x1xf32>
    %mul3A_230 = vector.broadcast %slice3A_229 : vector<400x1xf32> to vector<400x32xf32>
    %mul3A_231 = arith.mulf %slice3A_228, %mul3A_230 : vector<400x32xf32>
    %swap3A_232 = arith.constant 5 : index
    %swap3A_233 = arith.constant 0 : index
    %swap3A_234 = arith.constant 64 : index
    %swap3A_235 = vector.load %arg4[%swap3A_232, %swap3A_233, %swap3A_234] : memref<9x400x128xf32, #tpu.memory_space<vmem>>, vector<1x400x32xf32>
    %swap3A_236 = vector.shape_cast %swap3A_235 : vector<1x400x32xf32> to vector<400x32xf32>
    %swap3A_237 = vector.shape_cast %mul3A_231 : vector<400x32xf32> to vector<1x400x32xf32>
    tpu.vector_store %arg4[%swap3A_232, %swap3A_233, %swap3A_234], %swap3A_237 {strides = array<i32>} : memref<9x400x128xf32, #tpu.memory_space<vmem>>, vector<1x400x32xf32>,
    %slice3A_238 = vector.extract_strided_slice %dot_general3A_10 {offsets = [0, 928], sizes = [400, 32], strides = [1, 1]} : vector<400x1024xf32> to vector<400x32xf32>
    %slice3A_239 = vector.extract_strided_slice %exp3A {offsets = [0, 3], sizes = [400, 1], strides = [1, 1]} : vector<400x4xf32> to vector<400x1xf32>
    %mul3A_240 = vector.broadcast %slice3A_239 : vector<400x1xf32> to vector<400x32xf32>
    %mul3A_241 = arith.mulf %slice3A_238, %mul3A_240 : vector<400x32xf32>
    %swap3A_242 = arith.constant 5 : index
    %swap3A_243 = arith.constant 0 : index
    %swap3A_244 = arith.constant 96 : index
    %swap3A_245 = vector.load %arg4[%swap3A_242, %swap3A_243, %swap3A_244] : memref<9x400x128xf32, #tpu.memory_space<vmem>>, vector<1x400x32xf32>
    %swap3A_246 = vector.shape_cast %swap3A_245 : vector<1x400x32xf32> to vector<400x32xf32>
    %swap3A_247 = vector.shape_cast %mul3A_241 : vector<400x32xf32> to vector<1x400x32xf32>
    tpu.vector_store %arg4[%swap3A_242, %swap3A_243, %swap3A_244], %swap3A_247 {strides = array<i32>} : memref<9x400x128xf32, #tpu.memory_space<vmem>>, vector<1x400x32xf32>,
    %slice3A_248 = vector.extract_strided_slice %dot_general3A_10 {offsets = [0, 192], sizes = [400, 32], strides = [1, 1]} : vector<400x1024xf32> to vector<400x32xf32>
    %slice3A_249 = vector.extract_strided_slice %exp3A {offsets = [0, 0], sizes = [400, 1], strides = [1, 1]} : vector<400x4xf32> to vector<400x1xf32>
    %mul3A_250 = vector.broadcast %slice3A_249 : vector<400x1xf32> to vector<400x32xf32>
    %mul3A_251 = arith.mulf %slice3A_248, %mul3A_250 : vector<400x32xf32>
    %swap3A_252 = arith.constant 6 : index
    %swap3A_253 = arith.constant 0 : index
    %swap3A_254 = arith.constant 0 : index
    %swap3A_255 = vector.load %arg4[%swap3A_252, %swap3A_253, %swap3A_254] : memref<9x400x128xf32, #tpu.memory_space<vmem>>, vector<1x400x32xf32>
    %swap3A_256 = vector.shape_cast %swap3A_255 : vector<1x400x32xf32> to vector<400x32xf32>
    %swap3A_257 = vector.shape_cast %mul3A_251 : vector<400x32xf32> to vector<1x400x32xf32>
    tpu.vector_store %arg4[%swap3A_252, %swap3A_253, %swap3A_254], %swap3A_257 {strides = array<i32>} : memref<9x400x128xf32, #tpu.memory_space<vmem>>, vector<1x400x32xf32>,
    %slice3A_258 = vector.extract_strided_slice %dot_general3A_10 {offsets = [0, 448], sizes = [400, 32], strides = [1, 1]} : vector<400x1024xf32> to vector<400x32xf32>
    %slice3A_259 = vector.extract_strided_slice %exp3A {offsets = [0, 1], sizes = [400, 1], strides = [1, 1]} : vector<400x4xf32> to vector<400x1xf32>
    %mul3A_260 = vector.broadcast %slice3A_259 : vector<400x1xf32> to vector<400x32xf32>
    %mul3A_261 = arith.mulf %slice3A_258, %mul3A_260 : vector<400x32xf32>
    %swap3A_262 = arith.constant 6 : index
    %swap3A_263 = arith.constant 0 : index
    %swap3A_264 = arith.constant 32 : index
    %swap3A_265 = vector.load %arg4[%swap3A_262, %swap3A_263, %swap3A_264] : memref<9x400x128xf32, #tpu.memory_space<vmem>>, vector<1x400x32xf32>
    %swap3A_266 = vector.shape_cast %swap3A_265 : vector<1x400x32xf32> to vector<400x32xf32>
    %swap3A_267 = vector.shape_cast %mul3A_261 : vector<400x32xf32> to vector<1x400x32xf32>
    tpu.vector_store %arg4[%swap3A_262, %swap3A_263, %swap3A_264], %swap3A_267 {strides = array<i32>} : memref<9x400x128xf32, #tpu.memory_space<vmem>>, vector<1x400x32xf32>,
    %slice3A_268 = vector.extract_strided_slice %dot_general3A_10 {offsets = [0, 704], sizes = [400, 32], strides = [1, 1]} : vector<400x1024xf32> to vector<400x32xf32>
    %slice3A_269 = vector.extract_strided_slice %exp3A {offsets = [0, 2], sizes = [400, 1], strides = [1, 1]} : vector<400x4xf32> to vector<400x1xf32>
    %mul3A_270 = vector.broadcast %slice3A_269 : vector<400x1xf32> to vector<400x32xf32>
    %mul3A_271 = arith.mulf %slice3A_268, %mul3A_270 : vector<400x32xf32>
    %swap3A_272 = arith.constant 6 : index
    %swap3A_273 = arith.constant 0 : index
    %swap3A_274 = arith.constant 64 : index
    %swap3A_275 = vector.load %arg4[%swap3A_272, %swap3A_273, %swap3A_274] : memref<9x400x128xf32, #tpu.memory_space<vmem>>, vector<1x400x32xf32>
    %swap3A_276 = vector.shape_cast %swap3A_275 : vector<1x400x32xf32> to vector<400x32xf32>
    %swap3A_277 = vector.shape_cast %mul3A_271 : vector<400x32xf32> to vector<1x400x32xf32>
    tpu.vector_store %arg4[%swap3A_272, %swap3A_273, %swap3A_274], %swap3A_277 {strides = array<i32>} : memref<9x400x128xf32, #tpu.memory_space<vmem>>, vector<1x400x32xf32>,
    %slice3A_278 = vector.extract_strided_slice %dot_general3A_10 {offsets = [0, 960], sizes = [400, 32], strides = [1, 1]} : vector<400x1024xf32> to vector<400x32xf32>
    %slice3A_279 = vector.extract_strided_slice %exp3A {offsets = [0, 3], sizes = [400, 1], strides = [1, 1]} : vector<400x4xf32> to vector<400x1xf32>
    %mul3A_280 = vector.broadcast %slice3A_279 : vector<400x1xf32> to vector<400x32xf32>
    %mul3A_281 = arith.mulf %slice3A_278, %mul3A_280 : vector<400x32xf32>
    %swap3A_282 = arith.constant 6 : index
    %swap3A_283 = arith.constant 0 : index
    %swap3A_284 = arith.constant 96 : index
    %swap3A_285 = vector.load %arg4[%swap3A_282, %swap3A_283, %swap3A_284] : memref<9x400x128xf32, #tpu.memory_space<vmem>>, vector<1x400x32xf32>
    %swap3A_286 = vector.shape_cast %swap3A_285 : vector<1x400x32xf32> to vector<400x32xf32>
    %swap3A_287 = vector.shape_cast %mul3A_281 : vector<400x32xf32> to vector<1x400x32xf32>
    tpu.vector_store %arg4[%swap3A_282, %swap3A_283, %swap3A_284], %swap3A_287 {strides = array<i32>} : memref<9x400x128xf32, #tpu.memory_space<vmem>>, vector<1x400x32xf32>,
    %slice3A_288 = vector.extract_strided_slice %dot_general3A_10 {offsets = [0, 224], sizes = [400, 32], strides = [1, 1]} : vector<400x1024xf32> to vector<400x32xf32>
    %slice3A_289 = vector.extract_strided_slice %exp3A {offsets = [0, 0], sizes = [400, 1], strides = [1, 1]} : vector<400x4xf32> to vector<400x1xf32>
    %mul3A_290 = vector.broadcast %slice3A_289 : vector<400x1xf32> to vector<400x32xf32>
    %mul3A_291 = arith.mulf %slice3A_288, %mul3A_290 : vector<400x32xf32>
    %swap3A_292 = arith.constant 7 : index
    %swap3A_293 = arith.constant 0 : index
    %swap3A_294 = arith.constant 0 : index
    %swap3A_295 = vector.load %arg4[%swap3A_292, %swap3A_293, %swap3A_294] : memref<9x400x128xf32, #tpu.memory_space<vmem>>, vector<1x400x32xf32>
    %swap3A_296 = vector.shape_cast %swap3A_295 : vector<1x400x32xf32> to vector<400x32xf32>
    %swap3A_297 = vector.shape_cast %mul3A_291 : vector<400x32xf32> to vector<1x400x32xf32>
    tpu.vector_store %arg4[%swap3A_292, %swap3A_293, %swap3A_294], %swap3A_297 {strides = array<i32>} : memref<9x400x128xf32, #tpu.memory_space<vmem>>, vector<1x400x32xf32>,
    %slice3A_298 = vector.extract_strided_slice %dot_general3A_10 {offsets = [0, 480], sizes = [400, 32], strides = [1, 1]} : vector<400x1024xf32> to vector<400x32xf32>
    %slice3A_299 = vector.extract_strided_slice %exp3A {offsets = [0, 1], sizes = [400, 1], strides = [1, 1]} : vector<400x4xf32> to vector<400x1xf32>
    %mul3A_300 = vector.broadcast %slice3A_299 : vector<400x1xf32> to vector<400x32xf32>
    %mul3A_301 = arith.mulf %slice3A_298, %mul3A_300 : vector<400x32xf32>
    %swap3A_302 = arith.constant 7 : index
    %swap3A_303 = arith.constant 0 : index
    %swap3A_304 = arith.constant 32 : index
    %swap3A_305 = vector.load %arg4[%swap3A_302, %swap3A_303, %swap3A_304] : memref<9x400x128xf32, #tpu.memory_space<vmem>>, vector<1x400x32xf32>
    %swap3A_306 = vector.shape_cast %swap3A_305 : vector<1x400x32xf32> to vector<400x32xf32>
    %swap3A_307 = vector.shape_cast %mul3A_301 : vector<400x32xf32> to vector<1x400x32xf32>
    tpu.vector_store %arg4[%swap3A_302, %swap3A_303, %swap3A_304], %swap3A_307 {strides = array<i32>} : memref<9x400x128xf32, #tpu.memory_space<vmem>>, vector<1x400x32xf32>,
    %slice3A_308 = vector.extract_strided_slice %dot_general3A_10 {offsets = [0, 736], sizes = [400, 32], strides = [1, 1]} : vector<400x1024xf32> to vector<400x32xf32>
    %slice3A_309 = vector.extract_strided_slice %exp3A {offsets = [0, 2], sizes = [400, 1], strides = [1, 1]} : vector<400x4xf32> to vector<400x1xf32>
    %mul3A_310 = vector.broadcast %slice3A_309 : vector<400x1xf32> to vector<400x32xf32>
    %mul3A_311 = arith.mulf %slice3A_308, %mul3A_310 : vector<400x32xf32>
    %swap3A_312 = arith.constant 7 : index
    %swap3A_313 = arith.constant 0 : index
    %swap3A_314 = arith.constant 64 : index
    %swap3A_315 = vector.load %arg4[%swap3A_312, %swap3A_313, %swap3A_314] : memref<9x400x128xf32, #tpu.memory_space<vmem>>, vector<1x400x32xf32>
    %swap3A_316 = vector.shape_cast %swap3A_315 : vector<1x400x32xf32> to vector<400x32xf32>
    %swap3A_317 = vector.shape_cast %mul3A_311 : vector<400x32xf32> to vector<1x400x32xf32>
    tpu.vector_store %arg4[%swap3A_312, %swap3A_313, %swap3A_314], %swap3A_317 {strides = array<i32>} : memref<9x400x128xf32, #tpu.memory_space<vmem>>, vector<1x400x32xf32>,
    %slice3A_318 = vector.extract_strided_slice %dot_general3A_10 {offsets = [0, 992], sizes = [400, 32], strides = [1, 1]} : vector<400x1024xf32> to vector<400x32xf32>
    %slice3A_319 = vector.extract_strided_slice %exp3A {offsets = [0, 3], sizes = [400, 1], strides = [1, 1]} : vector<400x4xf32> to vector<400x1xf32>
    %mul3A_320 = vector.broadcast %slice3A_319 : vector<400x1xf32> to vector<400x32xf32>
    %mul3A_321 = arith.mulf %slice3A_318, %mul3A_320 : vector<400x32xf32>
    %swap3A_322 = arith.constant 7 : index
    %swap3A_323 = arith.constant 0 : index
    %swap3A_324 = arith.constant 96 : index
    %swap3A_325 = vector.load %arg4[%swap3A_322, %swap3A_323, %swap3A_324] : memref<9x400x128xf32, #tpu.memory_space<vmem>>, vector<1x400x32xf32>
    %swap3A_326 = vector.shape_cast %swap3A_325 : vector<1x400x32xf32> to vector<400x32xf32>
    %swap3A_327 = vector.shape_cast %mul3A_321 : vector<400x32xf32> to vector<1x400x32xf32>
    tpu.vector_store %arg4[%swap3A_322, %swap3A_323, %swap3A_324], %swap3A_327 {strides = array<i32>} : memref<9x400x128xf32, #tpu.memory_space<vmem>>, vector<1x400x32xf32>,
    %swap3A_328 = arith.constant 8 : index
    %swap3A_329 = arith.constant 0 : index
    %swap3A_330 = arith.constant 0 : index
    %swap3A_331 = vector.load %arg4[%swap3A_328, %swap3A_329, %swap3A_330] : memref<9x400x128xf32, #tpu.memory_space<vmem>>, vector<1x400x4xf32>
    %swap3A_332 = vector.shape_cast %swap3A_331 : vector<1x400x4xf32> to vector<400x4xf32>
    %swap3A_333 = vector.shape_cast %exp3A : vector<400x4xf32> to vector<1x400x4xf32>
    tpu.vector_store %arg4[%swap3A_328, %swap3A_329, %swap3A_330], %swap3A_333 {strides = array<i32>} : memref<9x400x128xf32, #tpu.memory_space<vmem>>, vector<1x400x4xf32>,
    %broadcast_in_dim3A = arith.constant 0.000000e+00 : f32
    %broadcast_in_dim3A_334 = vector.broadcast %broadcast_in_dim3A : f32 to vector<400x124xf32>
    %swap3A_335 = arith.constant 8 : index
    %swap3A_336 = arith.constant 0 : index
    %swap3A_337 = arith.constant 4 : index
    %swap3A_338 = vector.load %arg4[%swap3A_335, %swap3A_336, %swap3A_337] : memref<9x400x128xf32, #tpu.memory_space<vmem>>, vector<1x400x124xf32>
    %swap3A_339 = vector.shape_cast %swap3A_338 : vector<1x400x124xf32> to vector<400x124xf32>
    %swap3A_340 = vector.shape_cast %broadcast_in_dim3A_334 : vector<400x124xf32> to vector<1x400x124xf32>
    tpu.vector_store %arg4[%swap3A_335, %swap3A_336, %swap3A_337], %swap3A_340 {strides = array<i32>} : memref<9x400x128xf32, #tpu.memory_space<vmem>>, vector<1x400x124xf32>,
    return
  }
  func.func @transform_0(%arg0: i32) -> (i32, i32) {
    %c0_i32 = arith.constant 0 : i32
    %c0_i32_0 = arith.constant 0 : i32
    return %arg0, %c0_i32 : i32, i32
  }
  func.func @transform_1(%arg0: i32) -> (i32, i32) {
    %c0_i32 = arith.constant 0 : i32
    %c0_i32_0 = arith.constant 0 : i32
    %c0_i32_1 = arith.constant 0 : i32
    return %c0_i32, %c0_i32_0 : i32, i32
  }
  func.func @transform_2(%arg0: i32) -> (i32, i32) {
    %c0_i32 = arith.constant 0 : i32
    %c0_i32_0 = arith.constant 0 : i32
    %c0_i32_1 = arith.constant 0 : i32
    return %c0_i32, %c0_i32_0 : i32, i32
  }
  func.func @transform_3(%arg0: i32) -> (i32, i32, i32) {
    %c0_i32 = arith.constant 0 : i32
    %c0_i32_0 = arith.constant 0 : i32
    %c0_i32_1 = arith.constant 0 : i32
    return %c0_i32, %arg0, %c0_i32_0 : i32, i32, i32
  }
}

module attributes {stable_mosaic.version = 14 : i64} {
  func.func @_tc2_body(%arg0: i32, %arg1: memref<10x400x128xf32, #tpu.memory_space<vmem>>, %arg2: memref<400x256xf32, #tpu.memory_space<vmem>>, %arg3: memref<256x256xf32, #tpu.memory_space<vmem>>, %arg4: memref<1x256xf32, #tpu.memory_space<vmem>>, %arg5: memref<400x256xf32, #tpu.memory_space<vmem>>) attributes {dimension_semantics = [#tpu.dimension_semantics<arbitrary>], iteration_bounds = array<i64: 25>, scalar_prefetch = 0 : i64, scratch_operands = 0 : i64, tpu.core_type = #tpu.core_type<tc>, window_params = [{transform_indices = @transform_0, window_bounds = array<i64: 10, 400, 128>}, {transform_indices = @transform_1, window_bounds = array<i64: 400, 256>}, {pipeline_mode = #tpu.pipeline_mode<synchronous>, transform_indices = @transform_2, window_bounds = array<i64: 256, 256>}, {pipeline_mode = #tpu.pipeline_mode<synchronous>, transform_indices = @transform_3, window_bounds = array<i64: 1, 256>}, {transform_indices = @transform_4, window_bounds = array<i64: 400, 256>}]} {
    %get3A = arith.constant 8 : index
    %get3A_0 = arith.constant 0 : index
    %get3A_1 = arith.constant 0 : index
    %get3A_2 = vector.load %arg1[%get3A, %get3A_0, %get3A_1] : memref<10x400x128xf32, #tpu.memory_space<vmem>>, vector<1x400x4xf32>
    %get3A_3 = vector.shape_cast %get3A_2 : vector<1x400x4xf32> to vector<400x4xf32>
    %get3A_4 = arith.constant 9 : index
    %get3A_5 = arith.constant 0 : index
    %get3A_6 = arith.constant 0 : index
    %get3A_7 = vector.load %arg1[%get3A_4, %get3A_5, %get3A_6] : memref<10x400x128xf32, #tpu.memory_space<vmem>>, vector<1x400x4xf32>
    %get3A_8 = vector.shape_cast %get3A_7 : vector<1x400x4xf32> to vector<400x4xf32>
    %add3A = arith.addf %get3A_3, %get3A_8 : vector<400x4xf32>
    %gt3A = arith.constant 0.000000e+00 : f32
    %gt3A_9 = vector.broadcast %gt3A : f32 to vector<400x4xf32>
    %gt3A_10 = arith.cmpf ogt, %add3A, %gt3A_9 : vector<400x4xf32>
    %div3A = arith.constant 2.500000e-01 : f32
    %div3A_11 = vector.broadcast %div3A : f32 to vector<400x4xf32>
    %div3A_12 = arith.divf %div3A_11, %add3A : vector<400x4xf32>
    %jit3A = arith.constant 0.000000e+00 : f32
    %broadcast_in_dim3A = vector.broadcast %jit3A : f32 to vector<400x4xf32>
    %select_n3A = arith.select %gt3A_10, %div3A_12, %broadcast_in_dim3A : vector<400x4xi1>, vector<400x4xf32>
    %get3A_13 = arith.constant 0 : index
    %get3A_14 = arith.constant 0 : index
    %get3A_15 = vector.load %arg2[%get3A_13, %get3A_14] : memref<400x256xf32, #tpu.memory_space<vmem>>, vector<400x256xf32>
    %get3A_16 = arith.constant 0 : index
    %get3A_17 = arith.constant 0 : index
    %get3A_18 = vector.load %arg3[%get3A_16, %get3A_17] : memref<256x256xf32, #tpu.memory_space<vmem>>, vector<256x256xf32>
    %dot_general3A = arith.constant dense<0.000000e+00> : vector<400x256xf32>
    %dot_general3A_19 = tpu.matmul %get3A_15, %get3A_18, %dot_general3A {dimension_numbers = #tpu.dot_dimension_numbers<[1], [0], [0], [1], [0, 0, 1, 1], [], []>, transpose_lhs_hint = false} : vector<400x256xf32>, vector<256x256xf32>, vector<400x256xf32> -> vector<400x256xf32>
    %get3A_20 = arith.constant 0 : index
    %get3A_21 = arith.constant 0 : index
    %get3A_22 = vector.load %arg4[%get3A_20, %get3A_21] : memref<1x256xf32, #tpu.memory_space<vmem>>, vector<1x256xf32>
    %add3A_23 = vector.broadcast %get3A_22 : vector<1x256xf32> to vector<400x256xf32>
    %add3A_24 = arith.addf %dot_general3A_19, %add3A_23 : vector<400x256xf32>
    %get3A_25 = arith.constant 0 : index
    %get3A_26 = arith.constant 0 : index
    %get3A_27 = arith.constant 0 : index
    %get3A_28 = vector.load %arg1[%get3A_25, %get3A_26, %get3A_27] : memref<10x400x128xf32, #tpu.memory_space<vmem>>, vector<1x400x128xf32>
    %get3A_29 = vector.shape_cast %get3A_28 : vector<1x400x128xf32> to vector<400x128xf32>
    %slice3A = vector.extract_strided_slice %get3A_29 {offsets = [0, 0], sizes = [400, 32], strides = [1, 1]} : vector<400x128xf32> to vector<400x32xf32>
    %slice3A_30 = vector.extract_strided_slice %select_n3A {offsets = [0, 0], sizes = [400, 1], strides = [1, 1]} : vector<400x4xf32> to vector<400x1xf32>
    %mul3A = vector.broadcast %slice3A_30 : vector<400x1xf32> to vector<400x32xf32>
    %mul3A_31 = arith.mulf %slice3A, %mul3A : vector<400x32xf32>
    %slice3A_32 = vector.extract_strided_slice %get3A_29 {offsets = [0, 32], sizes = [400, 32], strides = [1, 1]} : vector<400x128xf32> to vector<400x32xf32>
    %slice3A_33 = vector.extract_strided_slice %select_n3A {offsets = [0, 1], sizes = [400, 1], strides = [1, 1]} : vector<400x4xf32> to vector<400x1xf32>
    %mul3A_34 = vector.broadcast %slice3A_33 : vector<400x1xf32> to vector<400x32xf32>
    %mul3A_35 = arith.mulf %slice3A_32, %mul3A_34 : vector<400x32xf32>
    %add3A_36 = arith.addf %mul3A_31, %mul3A_35 : vector<400x32xf32>
    %slice3A_37 = vector.extract_strided_slice %get3A_29 {offsets = [0, 64], sizes = [400, 32], strides = [1, 1]} : vector<400x128xf32> to vector<400x32xf32>
    %slice3A_38 = vector.extract_strided_slice %select_n3A {offsets = [0, 2], sizes = [400, 1], strides = [1, 1]} : vector<400x4xf32> to vector<400x1xf32>
    %mul3A_39 = vector.broadcast %slice3A_38 : vector<400x1xf32> to vector<400x32xf32>
    %mul3A_40 = arith.mulf %slice3A_37, %mul3A_39 : vector<400x32xf32>
    %add3A_41 = arith.addf %add3A_36, %mul3A_40 : vector<400x32xf32>
    %slice3A_42 = vector.extract_strided_slice %get3A_29 {offsets = [0, 96], sizes = [400, 32], strides = [1, 1]} : vector<400x128xf32> to vector<400x32xf32>
    %slice3A_43 = vector.extract_strided_slice %select_n3A {offsets = [0, 3], sizes = [400, 1], strides = [1, 1]} : vector<400x4xf32> to vector<400x1xf32>
    %mul3A_44 = vector.broadcast %slice3A_43 : vector<400x1xf32> to vector<400x32xf32>
    %mul3A_45 = arith.mulf %slice3A_42, %mul3A_44 : vector<400x32xf32>
    %add3A_46 = arith.addf %add3A_41, %mul3A_45 : vector<400x32xf32>
    %get3A_47 = arith.constant 1 : index
    %get3A_48 = arith.constant 0 : index
    %get3A_49 = arith.constant 0 : index
    %get3A_50 = vector.load %arg1[%get3A_47, %get3A_48, %get3A_49] : memref<10x400x128xf32, #tpu.memory_space<vmem>>, vector<1x400x128xf32>
    %get3A_51 = vector.shape_cast %get3A_50 : vector<1x400x128xf32> to vector<400x128xf32>
    %slice3A_52 = vector.extract_strided_slice %get3A_51 {offsets = [0, 0], sizes = [400, 32], strides = [1, 1]} : vector<400x128xf32> to vector<400x32xf32>
    %slice3A_53 = vector.extract_strided_slice %select_n3A {offsets = [0, 0], sizes = [400, 1], strides = [1, 1]} : vector<400x4xf32> to vector<400x1xf32>
    %mul3A_54 = vector.broadcast %slice3A_53 : vector<400x1xf32> to vector<400x32xf32>
    %mul3A_55 = arith.mulf %slice3A_52, %mul3A_54 : vector<400x32xf32>
    %slice3A_56 = vector.extract_strided_slice %get3A_51 {offsets = [0, 32], sizes = [400, 32], strides = [1, 1]} : vector<400x128xf32> to vector<400x32xf32>
    %slice3A_57 = vector.extract_strided_slice %select_n3A {offsets = [0, 1], sizes = [400, 1], strides = [1, 1]} : vector<400x4xf32> to vector<400x1xf32>
    %mul3A_58 = vector.broadcast %slice3A_57 : vector<400x1xf32> to vector<400x32xf32>
    %mul3A_59 = arith.mulf %slice3A_56, %mul3A_58 : vector<400x32xf32>
    %add3A_60 = arith.addf %mul3A_55, %mul3A_59 : vector<400x32xf32>
    %slice3A_61 = vector.extract_strided_slice %get3A_51 {offsets = [0, 64], sizes = [400, 32], strides = [1, 1]} : vector<400x128xf32> to vector<400x32xf32>
    %slice3A_62 = vector.extract_strided_slice %select_n3A {offsets = [0, 2], sizes = [400, 1], strides = [1, 1]} : vector<400x4xf32> to vector<400x1xf32>
    %mul3A_63 = vector.broadcast %slice3A_62 : vector<400x1xf32> to vector<400x32xf32>
    %mul3A_64 = arith.mulf %slice3A_61, %mul3A_63 : vector<400x32xf32>
    %add3A_65 = arith.addf %add3A_60, %mul3A_64 : vector<400x32xf32>
    %slice3A_66 = vector.extract_strided_slice %get3A_51 {offsets = [0, 96], sizes = [400, 32], strides = [1, 1]} : vector<400x128xf32> to vector<400x32xf32>
    %slice3A_67 = vector.extract_strided_slice %select_n3A {offsets = [0, 3], sizes = [400, 1], strides = [1, 1]} : vector<400x4xf32> to vector<400x1xf32>
    %mul3A_68 = vector.broadcast %slice3A_67 : vector<400x1xf32> to vector<400x32xf32>
    %mul3A_69 = arith.mulf %slice3A_66, %mul3A_68 : vector<400x32xf32>
    %add3A_70 = arith.addf %add3A_65, %mul3A_69 : vector<400x32xf32>
    %get3A_71 = arith.constant 2 : index
    %get3A_72 = arith.constant 0 : index
    %get3A_73 = arith.constant 0 : index
    %get3A_74 = vector.load %arg1[%get3A_71, %get3A_72, %get3A_73] : memref<10x400x128xf32, #tpu.memory_space<vmem>>, vector<1x400x128xf32>
    %get3A_75 = vector.shape_cast %get3A_74 : vector<1x400x128xf32> to vector<400x128xf32>
    %slice3A_76 = vector.extract_strided_slice %get3A_75 {offsets = [0, 0], sizes = [400, 32], strides = [1, 1]} : vector<400x128xf32> to vector<400x32xf32>
    %slice3A_77 = vector.extract_strided_slice %select_n3A {offsets = [0, 0], sizes = [400, 1], strides = [1, 1]} : vector<400x4xf32> to vector<400x1xf32>
    %mul3A_78 = vector.broadcast %slice3A_77 : vector<400x1xf32> to vector<400x32xf32>
    %mul3A_79 = arith.mulf %slice3A_76, %mul3A_78 : vector<400x32xf32>
    %slice3A_80 = vector.extract_strided_slice %get3A_75 {offsets = [0, 32], sizes = [400, 32], strides = [1, 1]} : vector<400x128xf32> to vector<400x32xf32>
    %slice3A_81 = vector.extract_strided_slice %select_n3A {offsets = [0, 1], sizes = [400, 1], strides = [1, 1]} : vector<400x4xf32> to vector<400x1xf32>
    %mul3A_82 = vector.broadcast %slice3A_81 : vector<400x1xf32> to vector<400x32xf32>
    %mul3A_83 = arith.mulf %slice3A_80, %mul3A_82 : vector<400x32xf32>
    %add3A_84 = arith.addf %mul3A_79, %mul3A_83 : vector<400x32xf32>
    %slice3A_85 = vector.extract_strided_slice %get3A_75 {offsets = [0, 64], sizes = [400, 32], strides = [1, 1]} : vector<400x128xf32> to vector<400x32xf32>
    %slice3A_86 = vector.extract_strided_slice %select_n3A {offsets = [0, 2], sizes = [400, 1], strides = [1, 1]} : vector<400x4xf32> to vector<400x1xf32>
    %mul3A_87 = vector.broadcast %slice3A_86 : vector<400x1xf32> to vector<400x32xf32>
    %mul3A_88 = arith.mulf %slice3A_85, %mul3A_87 : vector<400x32xf32>
    %add3A_89 = arith.addf %add3A_84, %mul3A_88 : vector<400x32xf32>
    %slice3A_90 = vector.extract_strided_slice %get3A_75 {offsets = [0, 96], sizes = [400, 32], strides = [1, 1]} : vector<400x128xf32> to vector<400x32xf32>
    %slice3A_91 = vector.extract_strided_slice %select_n3A {offsets = [0, 3], sizes = [400, 1], strides = [1, 1]} : vector<400x4xf32> to vector<400x1xf32>
    %mul3A_92 = vector.broadcast %slice3A_91 : vector<400x1xf32> to vector<400x32xf32>
    %mul3A_93 = arith.mulf %slice3A_90, %mul3A_92 : vector<400x32xf32>
    %add3A_94 = arith.addf %add3A_89, %mul3A_93 : vector<400x32xf32>
    %get3A_95 = arith.constant 3 : index
    %get3A_96 = arith.constant 0 : index
    %get3A_97 = arith.constant 0 : index
    %get3A_98 = vector.load %arg1[%get3A_95, %get3A_96, %get3A_97] : memref<10x400x128xf32, #tpu.memory_space<vmem>>, vector<1x400x128xf32>
    %get3A_99 = vector.shape_cast %get3A_98 : vector<1x400x128xf32> to vector<400x128xf32>
    %slice3A_100 = vector.extract_strided_slice %get3A_99 {offsets = [0, 0], sizes = [400, 32], strides = [1, 1]} : vector<400x128xf32> to vector<400x32xf32>
    %slice3A_101 = vector.extract_strided_slice %select_n3A {offsets = [0, 0], sizes = [400, 1], strides = [1, 1]} : vector<400x4xf32> to vector<400x1xf32>
    %mul3A_102 = vector.broadcast %slice3A_101 : vector<400x1xf32> to vector<400x32xf32>
    %mul3A_103 = arith.mulf %slice3A_100, %mul3A_102 : vector<400x32xf32>
    %slice3A_104 = vector.extract_strided_slice %get3A_99 {offsets = [0, 32], sizes = [400, 32], strides = [1, 1]} : vector<400x128xf32> to vector<400x32xf32>
    %slice3A_105 = vector.extract_strided_slice %select_n3A {offsets = [0, 1], sizes = [400, 1], strides = [1, 1]} : vector<400x4xf32> to vector<400x1xf32>
    %mul3A_106 = vector.broadcast %slice3A_105 : vector<400x1xf32> to vector<400x32xf32>
    %mul3A_107 = arith.mulf %slice3A_104, %mul3A_106 : vector<400x32xf32>
    %add3A_108 = arith.addf %mul3A_103, %mul3A_107 : vector<400x32xf32>
    %slice3A_109 = vector.extract_strided_slice %get3A_99 {offsets = [0, 64], sizes = [400, 32], strides = [1, 1]} : vector<400x128xf32> to vector<400x32xf32>
    %slice3A_110 = vector.extract_strided_slice %select_n3A {offsets = [0, 2], sizes = [400, 1], strides = [1, 1]} : vector<400x4xf32> to vector<400x1xf32>
    %mul3A_111 = vector.broadcast %slice3A_110 : vector<400x1xf32> to vector<400x32xf32>
    %mul3A_112 = arith.mulf %slice3A_109, %mul3A_111 : vector<400x32xf32>
    %add3A_113 = arith.addf %add3A_108, %mul3A_112 : vector<400x32xf32>
    %slice3A_114 = vector.extract_strided_slice %get3A_99 {offsets = [0, 96], sizes = [400, 32], strides = [1, 1]} : vector<400x128xf32> to vector<400x32xf32>
    %slice3A_115 = vector.extract_strided_slice %select_n3A {offsets = [0, 3], sizes = [400, 1], strides = [1, 1]} : vector<400x4xf32> to vector<400x1xf32>
    %mul3A_116 = vector.broadcast %slice3A_115 : vector<400x1xf32> to vector<400x32xf32>
    %mul3A_117 = arith.mulf %slice3A_114, %mul3A_116 : vector<400x32xf32>
    %add3A_118 = arith.addf %add3A_113, %mul3A_117 : vector<400x32xf32>
    %get3A_119 = arith.constant 4 : index
    %get3A_120 = arith.constant 0 : index
    %get3A_121 = arith.constant 0 : index
    %get3A_122 = vector.load %arg1[%get3A_119, %get3A_120, %get3A_121] : memref<10x400x128xf32, #tpu.memory_space<vmem>>, vector<1x400x128xf32>
    %get3A_123 = vector.shape_cast %get3A_122 : vector<1x400x128xf32> to vector<400x128xf32>
    %slice3A_124 = vector.extract_strided_slice %get3A_123 {offsets = [0, 0], sizes = [400, 32], strides = [1, 1]} : vector<400x128xf32> to vector<400x32xf32>
    %slice3A_125 = vector.extract_strided_slice %select_n3A {offsets = [0, 0], sizes = [400, 1], strides = [1, 1]} : vector<400x4xf32> to vector<400x1xf32>
    %mul3A_126 = vector.broadcast %slice3A_125 : vector<400x1xf32> to vector<400x32xf32>
    %mul3A_127 = arith.mulf %slice3A_124, %mul3A_126 : vector<400x32xf32>
    %slice3A_128 = vector.extract_strided_slice %get3A_123 {offsets = [0, 32], sizes = [400, 32], strides = [1, 1]} : vector<400x128xf32> to vector<400x32xf32>
    %slice3A_129 = vector.extract_strided_slice %select_n3A {offsets = [0, 1], sizes = [400, 1], strides = [1, 1]} : vector<400x4xf32> to vector<400x1xf32>
    %mul3A_130 = vector.broadcast %slice3A_129 : vector<400x1xf32> to vector<400x32xf32>
    %mul3A_131 = arith.mulf %slice3A_128, %mul3A_130 : vector<400x32xf32>
    %add3A_132 = arith.addf %mul3A_127, %mul3A_131 : vector<400x32xf32>
    %slice3A_133 = vector.extract_strided_slice %get3A_123 {offsets = [0, 64], sizes = [400, 32], strides = [1, 1]} : vector<400x128xf32> to vector<400x32xf32>
    %slice3A_134 = vector.extract_strided_slice %select_n3A {offsets = [0, 2], sizes = [400, 1], strides = [1, 1]} : vector<400x4xf32> to vector<400x1xf32>
    %mul3A_135 = vector.broadcast %slice3A_134 : vector<400x1xf32> to vector<400x32xf32>
    %mul3A_136 = arith.mulf %slice3A_133, %mul3A_135 : vector<400x32xf32>
    %add3A_137 = arith.addf %add3A_132, %mul3A_136 : vector<400x32xf32>
    %slice3A_138 = vector.extract_strided_slice %get3A_123 {offsets = [0, 96], sizes = [400, 32], strides = [1, 1]} : vector<400x128xf32> to vector<400x32xf32>
    %slice3A_139 = vector.extract_strided_slice %select_n3A {offsets = [0, 3], sizes = [400, 1], strides = [1, 1]} : vector<400x4xf32> to vector<400x1xf32>
    %mul3A_140 = vector.broadcast %slice3A_139 : vector<400x1xf32> to vector<400x32xf32>
    %mul3A_141 = arith.mulf %slice3A_138, %mul3A_140 : vector<400x32xf32>
    %add3A_142 = arith.addf %add3A_137, %mul3A_141 : vector<400x32xf32>
    %get3A_143 = arith.constant 5 : index
    %get3A_144 = arith.constant 0 : index
    %get3A_145 = arith.constant 0 : index
    %get3A_146 = vector.load %arg1[%get3A_143, %get3A_144, %get3A_145] : memref<10x400x128xf32, #tpu.memory_space<vmem>>, vector<1x400x128xf32>
    %get3A_147 = vector.shape_cast %get3A_146 : vector<1x400x128xf32> to vector<400x128xf32>
    %slice3A_148 = vector.extract_strided_slice %get3A_147 {offsets = [0, 0], sizes = [400, 32], strides = [1, 1]} : vector<400x128xf32> to vector<400x32xf32>
    %slice3A_149 = vector.extract_strided_slice %select_n3A {offsets = [0, 0], sizes = [400, 1], strides = [1, 1]} : vector<400x4xf32> to vector<400x1xf32>
    %mul3A_150 = vector.broadcast %slice3A_149 : vector<400x1xf32> to vector<400x32xf32>
    %mul3A_151 = arith.mulf %slice3A_148, %mul3A_150 : vector<400x32xf32>
    %slice3A_152 = vector.extract_strided_slice %get3A_147 {offsets = [0, 32], sizes = [400, 32], strides = [1, 1]} : vector<400x128xf32> to vector<400x32xf32>
    %slice3A_153 = vector.extract_strided_slice %select_n3A {offsets = [0, 1], sizes = [400, 1], strides = [1, 1]} : vector<400x4xf32> to vector<400x1xf32>
    %mul3A_154 = vector.broadcast %slice3A_153 : vector<400x1xf32> to vector<400x32xf32>
    %mul3A_155 = arith.mulf %slice3A_152, %mul3A_154 : vector<400x32xf32>
    %add3A_156 = arith.addf %mul3A_151, %mul3A_155 : vector<400x32xf32>
    %slice3A_157 = vector.extract_strided_slice %get3A_147 {offsets = [0, 64], sizes = [400, 32], strides = [1, 1]} : vector<400x128xf32> to vector<400x32xf32>
    %slice3A_158 = vector.extract_strided_slice %select_n3A {offsets = [0, 2], sizes = [400, 1], strides = [1, 1]} : vector<400x4xf32> to vector<400x1xf32>
    %mul3A_159 = vector.broadcast %slice3A_158 : vector<400x1xf32> to vector<400x32xf32>
    %mul3A_160 = arith.mulf %slice3A_157, %mul3A_159 : vector<400x32xf32>
    %add3A_161 = arith.addf %add3A_156, %mul3A_160 : vector<400x32xf32>
    %slice3A_162 = vector.extract_strided_slice %get3A_147 {offsets = [0, 96], sizes = [400, 32], strides = [1, 1]} : vector<400x128xf32> to vector<400x32xf32>
    %slice3A_163 = vector.extract_strided_slice %select_n3A {offsets = [0, 3], sizes = [400, 1], strides = [1, 1]} : vector<400x4xf32> to vector<400x1xf32>
    %mul3A_164 = vector.broadcast %slice3A_163 : vector<400x1xf32> to vector<400x32xf32>
    %mul3A_165 = arith.mulf %slice3A_162, %mul3A_164 : vector<400x32xf32>
    %add3A_166 = arith.addf %add3A_161, %mul3A_165 : vector<400x32xf32>
    %get3A_167 = arith.constant 6 : index
    %get3A_168 = arith.constant 0 : index
    %get3A_169 = arith.constant 0 : index
    %get3A_170 = vector.load %arg1[%get3A_167, %get3A_168, %get3A_169] : memref<10x400x128xf32, #tpu.memory_space<vmem>>, vector<1x400x128xf32>
    %get3A_171 = vector.shape_cast %get3A_170 : vector<1x400x128xf32> to vector<400x128xf32>
    %slice3A_172 = vector.extract_strided_slice %get3A_171 {offsets = [0, 0], sizes = [400, 32], strides = [1, 1]} : vector<400x128xf32> to vector<400x32xf32>
    %slice3A_173 = vector.extract_strided_slice %select_n3A {offsets = [0, 0], sizes = [400, 1], strides = [1, 1]} : vector<400x4xf32> to vector<400x1xf32>
    %mul3A_174 = vector.broadcast %slice3A_173 : vector<400x1xf32> to vector<400x32xf32>
    %mul3A_175 = arith.mulf %slice3A_172, %mul3A_174 : vector<400x32xf32>
    %slice3A_176 = vector.extract_strided_slice %get3A_171 {offsets = [0, 32], sizes = [400, 32], strides = [1, 1]} : vector<400x128xf32> to vector<400x32xf32>
    %slice3A_177 = vector.extract_strided_slice %select_n3A {offsets = [0, 1], sizes = [400, 1], strides = [1, 1]} : vector<400x4xf32> to vector<400x1xf32>
    %mul3A_178 = vector.broadcast %slice3A_177 : vector<400x1xf32> to vector<400x32xf32>
    %mul3A_179 = arith.mulf %slice3A_176, %mul3A_178 : vector<400x32xf32>
    %add3A_180 = arith.addf %mul3A_175, %mul3A_179 : vector<400x32xf32>
    %slice3A_181 = vector.extract_strided_slice %get3A_171 {offsets = [0, 64], sizes = [400, 32], strides = [1, 1]} : vector<400x128xf32> to vector<400x32xf32>
    %slice3A_182 = vector.extract_strided_slice %select_n3A {offsets = [0, 2], sizes = [400, 1], strides = [1, 1]} : vector<400x4xf32> to vector<400x1xf32>
    %mul3A_183 = vector.broadcast %slice3A_182 : vector<400x1xf32> to vector<400x32xf32>
    %mul3A_184 = arith.mulf %slice3A_181, %mul3A_183 : vector<400x32xf32>
    %add3A_185 = arith.addf %add3A_180, %mul3A_184 : vector<400x32xf32>
    %slice3A_186 = vector.extract_strided_slice %get3A_171 {offsets = [0, 96], sizes = [400, 32], strides = [1, 1]} : vector<400x128xf32> to vector<400x32xf32>
    %slice3A_187 = vector.extract_strided_slice %select_n3A {offsets = [0, 3], sizes = [400, 1], strides = [1, 1]} : vector<400x4xf32> to vector<400x1xf32>
    %mul3A_188 = vector.broadcast %slice3A_187 : vector<400x1xf32> to vector<400x32xf32>
    %mul3A_189 = arith.mulf %slice3A_186, %mul3A_188 : vector<400x32xf32>
    %add3A_190 = arith.addf %add3A_185, %mul3A_189 : vector<400x32xf32>
    %get3A_191 = arith.constant 7 : index
    %get3A_192 = arith.constant 0 : index
    %get3A_193 = arith.constant 0 : index
    %get3A_194 = vector.load %arg1[%get3A_191, %get3A_192, %get3A_193] : memref<10x400x128xf32, #tpu.memory_space<vmem>>, vector<1x400x128xf32>
    %get3A_195 = vector.shape_cast %get3A_194 : vector<1x400x128xf32> to vector<400x128xf32>
    %slice3A_196 = vector.extract_strided_slice %get3A_195 {offsets = [0, 0], sizes = [400, 32], strides = [1, 1]} : vector<400x128xf32> to vector<400x32xf32>
    %slice3A_197 = vector.extract_strided_slice %select_n3A {offsets = [0, 0], sizes = [400, 1], strides = [1, 1]} : vector<400x4xf32> to vector<400x1xf32>
    %mul3A_198 = vector.broadcast %slice3A_197 : vector<400x1xf32> to vector<400x32xf32>
    %mul3A_199 = arith.mulf %slice3A_196, %mul3A_198 : vector<400x32xf32>
    %slice3A_200 = vector.extract_strided_slice %get3A_195 {offsets = [0, 32], sizes = [400, 32], strides = [1, 1]} : vector<400x128xf32> to vector<400x32xf32>
    %slice3A_201 = vector.extract_strided_slice %select_n3A {offsets = [0, 1], sizes = [400, 1], strides = [1, 1]} : vector<400x4xf32> to vector<400x1xf32>
    %mul3A_202 = vector.broadcast %slice3A_201 : vector<400x1xf32> to vector<400x32xf32>
    %mul3A_203 = arith.mulf %slice3A_200, %mul3A_202 : vector<400x32xf32>
    %add3A_204 = arith.addf %mul3A_199, %mul3A_203 : vector<400x32xf32>
    %slice3A_205 = vector.extract_strided_slice %get3A_195 {offsets = [0, 64], sizes = [400, 32], strides = [1, 1]} : vector<400x128xf32> to vector<400x32xf32>
    %slice3A_206 = vector.extract_strided_slice %select_n3A {offsets = [0, 2], sizes = [400, 1], strides = [1, 1]} : vector<400x4xf32> to vector<400x1xf32>
    %mul3A_207 = vector.broadcast %slice3A_206 : vector<400x1xf32> to vector<400x32xf32>
    %mul3A_208 = arith.mulf %slice3A_205, %mul3A_207 : vector<400x32xf32>
    %add3A_209 = arith.addf %add3A_204, %mul3A_208 : vector<400x32xf32>
    %slice3A_210 = vector.extract_strided_slice %get3A_195 {offsets = [0, 96], sizes = [400, 32], strides = [1, 1]} : vector<400x128xf32> to vector<400x32xf32>
    %slice3A_211 = vector.extract_strided_slice %select_n3A {offsets = [0, 3], sizes = [400, 1], strides = [1, 1]} : vector<400x4xf32> to vector<400x1xf32>
    %mul3A_212 = vector.broadcast %slice3A_211 : vector<400x1xf32> to vector<400x32xf32>
    %mul3A_213 = arith.mulf %slice3A_210, %mul3A_212 : vector<400x32xf32>
    %add3A_214 = arith.addf %add3A_209, %mul3A_213 : vector<400x32xf32>
    %concatenate3A = tpu.concatenate %add3A_46, %add3A_70, %add3A_94, %add3A_118, %add3A_142, %add3A_166, %add3A_190, %add3A_214 in 1 : vector<400x32xf32>, vector<400x32xf32>, vector<400x32xf32>, vector<400x32xf32>, vector<400x32xf32>, vector<400x32xf32>, vector<400x32xf32>, vector<400x32xf32> -> vector<400x256xf32>
    %add3A_215 = arith.addf %concatenate3A, %add3A_24 : vector<400x256xf32>
    %swap3A = arith.constant 0 : index
    %swap3A_216 = arith.constant 0 : index
    %swap3A_217 = vector.load %arg5[%swap3A, %swap3A_216] : memref<400x256xf32, #tpu.memory_space<vmem>>, vector<400x256xf32>
    tpu.vector_store %arg5[%swap3A, %swap3A_216], %add3A_215 {strides = array<i32>} : memref<400x256xf32, #tpu.memory_space<vmem>>, vector<400x256xf32>,
    return
  }
  func.func @transform_0(%arg0: i32) -> (i32, i32, i32) {
    %c0_i32 = arith.constant 0 : i32
    %c0_i32_0 = arith.constant 0 : i32
    %c0_i32_1 = arith.constant 0 : i32
    return %c0_i32, %arg0, %c0_i32_0 : i32, i32, i32
  }
  func.func @transform_1(%arg0: i32) -> (i32, i32) {
    %c0_i32 = arith.constant 0 : i32
    %c0_i32_0 = arith.constant 0 : i32
    return %arg0, %c0_i32 : i32, i32
  }
  func.func @transform_2(%arg0: i32) -> (i32, i32) {
    %c0_i32 = arith.constant 0 : i32
    %c0_i32_0 = arith.constant 0 : i32
    %c0_i32_1 = arith.constant 0 : i32
    return %c0_i32, %c0_i32_0 : i32, i32
  }
  func.func @transform_3(%arg0: i32) -> (i32, i32) {
    %c0_i32 = arith.constant 0 : i32
    %c0_i32_0 = arith.constant 0 : i32
    %c0_i32_1 = arith.constant 0 : i32
    return %c0_i32, %c0_i32_0 : i32, i32
  }
  func.func @transform_4(%arg0: i32) -> (i32, i32) {
    %c0_i32 = arith.constant 0 : i32
    %c0_i32_0 = arith.constant 0 : i32
    return %arg0, %c0_i32 : i32, i32
  }
}

</mosaic_0001>

<sc_bundles>
// kernel: kernel.5.cloned.1.call-start
scs
__scs_entry_jumppad:
0x0: {  	(pc) =	sbr.rel $0x88, $3  }
0x1: {  	(tag) =	ssettag $0x0;
	lr =	simm.s32 $0x1  }
0x2: {  	[smem:$0x3F9B] =	sst lr;
	_ =	strace $0xD0000000  }
0x3: {  	_ = 	snop  }
0x4: {  	_ = 	snop  }
0x5: {  	_ = 	snop  }
0x6: {  	_ = 	snop  }
0x7: {  	_ = 	snop  }
__scs_overlays_trampoline_lowered:
0x8: {  	[smem:$0x3FAA] =	sst s0  }
0x9: {  	[smem:$0x3FAB] =	sst s1  }
0xa: {  	[smem:$0x3FAC] =	sst s2  }
0xb: {  	[smem:$0x3FAD] =	sst s3  }
0xc: {  	[smem:$0x3FAE] =	sst s4  }
0xd: {  	[smem:$0x3FAF] =	sst s5  }
0xe: {  	[smem:$0x3FB0] =	sst s6  }
0xf: {  	[smem:$0x3FB1] =	sst s7  }
0x10: {  	[smem:$0x3FB2] =	sst s8  }
0x11: {  	[smem:$0x3FB3] =	sst s9;
	s0 =	simm.s32 @!p0 $0x0  }
0x12: {  	s1 =	sld [smem:$0x3F99];
	s0 =	simm.s32 @p0 $0x1  }
0x13: {  	[smem:$0x3FB4] =	sst s0;
	s0 =	simm.s32 @!p1 $0x0  }
0x14: {  	s2 =	sld [smem:$0x3F98];
	s0 =	simm.s32 @p1 $0x1  }
0x15: {  	[smem:$0x3FB5] =	sst s0;
	s0 =	simm.s32 @!p2 $0x0  }
0x16: {  	s3 =	sld [smem:$0x3FDB];
	s0 =	simm.s32 @p2 $0x1  }
0x17: {  	s4 =	simm.s32 $0x1BF5;
	[smem:$0x3FB7] =	sst s0  }
0x18: {  	s0 =	sld [smem:$0x3F9A];
	_ =	swait.ge [sflag:s4], $0x0  }
0x19: {  	s7 =	sld [smem:$0x3F9B]  }
0x1a: {  	s8 =	sadd.s32 $0xFFFFE003, lr  }
0x1b: {  	s9 =	sadd.s32 $0xFFFFFEF7, lr;
	s5 =	simm.s32 $0xFFFFFFFF;
	p2 =	slt.u32 s8, $0xFFFFF086  }
0x1c: {  	p1 =	slt.u32 s9, $0xF7A;
	s5 =	simm.s32 @!p2 $0x0  }
0x1d: {  	s5 =	simm.s32 @p1 $0x1;
	p0 =	seq.s32 s7, s2  }
0x1e: {  	s7 =	smul.u32 @!p0 $0xF7A, s2;
	p2 =	seq.s32 @!p0 s5, $0x0  }
0x1f: {  	s9 =	smul.u32 $0xF7A, s1;
	s8 =	simm.s32 @!p0 $0x1BF5;
	p2 =	por !p2, p0  }
0x20: {  	[sflag:s8] =	ssyncset.s32 @!p0 $0xFFFFF086;
	s6 =	sadd.s32 @!p0 s3, s7;
	s7 =	simm.s32 @!p0 $0x108  }
0x21: {  	s3 =	sadd.s32 s3, s9;
	s6 =	sadd.s32 @!p0 $0x88, s6;
	s7 =	simm.s32 @p2 $0x1082  }
0x22: {  	[simem:s7], [sflag:s8] =	dma.local @!p0 [hbm:s6], $0xF7A  }
0x23: {  	s9 =	sor.u32 $0xD0000000, s2;
	s6 =	simm.s32 $0x108;
	_ =	swait.ge @!p0 [sflag:s8], $0x0  }
0x24: {  	s3 =	sadd.s32 $0x88, s3;
	s6 =	simm.s32 @!p1 $0x1082;
	[sflag:s4] =	ssyncset.s32 $0xFFFFF086  }
0x25: {  	[simem:s6], [sflag:s4] =	dma.local [hbm:s3], $0xF7A  }
0x26: {  	[smem:$0x3F9B] =	sst s1;
	(tag) =	ssettag s2;
	_ =	strace s9  }
0x27: {  	s1 =	sld [smem:$0x3FAB]  }
0x28: {  	s2 =	sld [smem:$0x3FAC]  }
0x29: {  	s4 =	sld [smem:$0x3FAE]  }
0x2a: {  	p0 =	seq.s32 s5, $0x0;
	s5 =	sld [smem:$0x3FAF]  }
0x2b: {  	s6 =	sld [smem:$0x3FB0]  }
0x2c: {  	s7 =	sld [smem:$0x3FB1]  }
0x2d: {  	s3 =	simm.s32 $0x108;
	s8 =	sld [smem:$0x3FB2]  }
0x2e: {  	s3 =	simm.s32 @!p0 $0x1082;
	s9 =	sld [smem:$0x3FB3]  }
0x2f: {  	lr =	sadd.s32 s0, s3;
	s0 =	sld [smem:$0x3FAA]  }
0x30: {  	s3 =	sld [smem:$0x3FAD]  }
0x31: {  	[smem:$0x3FB6] =	sst s10  }
0x32: {  	s10 =	sld [smem:$0x3FB4];
	_ =	sdelay $0x3  }
0x33: {  	p0 =	seq.s32 s10, $0x1;
	s10 =	sld [smem:$0x3FB6];
	_ =	sdelay $0x3  }
0x34: {  	[smem:$0x3FB6] =	sst s10  }
0x35: {  	s10 =	sld [smem:$0x3FB5];
	_ =	sdelay $0x3  }
0x36: {  	p1 =	seq.s32 s10, $0x1;
	s10 =	sld [smem:$0x3FB6];
	_ =	sdelay $0x3  }
0x37: {  	[smem:$0x3FB6] =	sst s10  }
0x38: {  	s10 =	sld [smem:$0x3FB7]  }
0x39: {  	_ = 	snop;
	(pc) =	sbr.ind lr, $3  }
0x3a: {  	_ = 	snop  }
0x3b: {  	_ = 	snop  }
0x3c: {  	p2 =	seq.s32 s10, $0x1;
	s10 =	sld [smem:$0x3FB6]  }
0x3d: {  	_ =	shalt  }
0x3e: {  	_ =	shalt  }
0x3f: {  	_ =	shalt  }
0x40: {  	_ =	shalt  }
0x41: {  	_ =	shalt  }
0x42: {  	_ =	shalt  }
0x43: {  	_ =	shalt  }
0x44: {  	_ =	shalt  }
0x45: {  	_ =	shalt  }
0x46: {  	_ =	shalt  }
0x47: {  	_ =	shalt  }
0x48: {  	_ =	shalt  }
0x49: {  	_ =	shalt  }
0x4a: {  	_ =	shalt  }
0x4b: {  	_ =	shalt  }
0x4c: {  	_ =	shalt  }
0x4d: {  	_ =	shalt  }
0x4e: {  	_ =	shalt  }
0x4f: {  	_ =	shalt  }
0x50: {  	_ =	shalt  }
0x51: {  	_ =	shalt  }
0x52: {  	_ =	shalt  }
0x53: {  	_ =	shalt  }
0x54: {  	_ =	shalt  }
0x55: {  	_ =	shalt  }
0x56: {  	_ =	shalt  }
0x57: {  	_ =	shalt  }
0x58: {  	_ =	shalt  }
0x59: {  	_ =	shalt  }
0x5a: {  	_ =	shalt  }
0x5b: {  	_ =	shalt  }
0x5c: {  	_ =	shalt  }
0x5d: {  	_ =	shalt  }
0x5e: {  	_ =	shalt  }
0x5f: {  	_ =	shalt  }
0x60: {  	_ =	shalt  }
0x61: {  	_ =	shalt  }
0x62: {  	_ =	shalt  }
0x63: {  	_ =	shalt  }
0x64: {  	_ =	shalt  }
0x65: {  	_ =	shalt  }
0x66: {  	_ =	shalt  }
0x67: {  	_ =	shalt  }
0x68: {  	_ =	shalt  }
0x69: {  	_ =	shalt  }
0x6a: {  	_ =	shalt  }
0x6b: {  	_ =	shalt  }
0x6c: {  	_ =	shalt  }
0x6d: {  	_ =	shalt  }
0x6e: {  	_ =	shalt  }
0x6f: {  	_ =	shalt  }
0x70: {  	_ =	shalt  }
0x71: {  	_ =	shalt  }
0x72: {  	_ =	shalt  }
0x73: {  	_ =	shalt  }
0x74: {  	_ =	shalt  }
0x75: {  	_ =	shalt  }
0x76: {  	_ =	shalt  }
0x77: {  	_ =	shalt  }
0x78: {  	_ =	shalt  }
0x79: {  	_ =	shalt  }
0x7a: {  	_ =	shalt  }
0x7b: {  	_ =	shalt  }
0x7c: {  	_ =	shalt  }
0x7d: {  	_ =	shalt  }
0x7e: {  	_ =	shalt  }
0x7f: {  	_ =	shalt  }
0x80: {  	_ =	shalt  }
0x81: {  	_ =	shalt  }
0x82: {  	_ =	shalt  }
0x83: {  	_ =	shalt  }
0x84: {  	_ =	shalt  }
0x85: {  	_ =	shalt  }
0x86: {  	_ =	shalt  }
0x87: {  	_ =	shalt  }
.Lfunc_end0:
.L_simem_size_0:
called_computation_lowered:
.L_overlay_start_0:
0x88: {  	s2 =	sld [smem:$0x3FD9]  }
0x89: {  	s3 =	sld [smem:$0x3FFE];
	_ =	sdelay $0x1  }
0x8a: {  	s1 =	srdreg.scid  }
0x8b: {  	s0 =	sand.u32 $0x1, s1  }
0x8c: {  	s17 =	sshll.u32 s0, $0xA;
	s2 =	sadd.s32 s3, s2  }
0x8d: {  	s2 =	sadd.s32 s2, s17  }
0x8e: {  	[smem:$0x3FC2] =	sst s2  }
0x8f: {  	_ = 	snop  }
0x90: {  	s2 =	sld [smem:$0x3FD0];
	(tm) =	ssettm $0x1  }
0x91: {  	s18 =	sld [smem:$0x3FFB];
	_ =	sdelay $0x3  }
0x92: {  	_ =	strace s18  }
0x93: {  	s3 =	sld [smem:$0x3FFC];
	_ =	sdelay $0x3  }
0x94: {  	_ =	strace s3  }
0x95: {  	s3 =	sld [smem:$0x3FFD];
	_ =	sdelay $0x3  }
0x96: {  	_ =	strace s3  }
0x97: {  	_ =	strace $0x8FFFFFFF  }
0x98: {  	s19 =	sld [smem:$0x3FDB];
	_ =	sdelay $0x1  }
0x99: {  	s4 =	simm.s32 $_scs_section_size  }
0x9a: {  	s5 =	simm.s32 $_size__tile_overlayer_lowered;
	s6 =	simm.s32 $_tile_overlayer_lowered  }
0x9b: {  	s22 =	simm.s32 $0x1BFF;
	s21 =	sshll.u32 s6, $0x1;
	s3 =	sadd.s32 s4, s19  }
0x9c: {  	s7 =	simm.s32 $0x0;
	s20 =	sshll.u32 s5, $0x1;
	s5 =	sadd.s32 s21, s3  }
0x9d: {  	[timem:s7], [sflag:s22] =	dma.local [hbm:s5], s20  }
0x9e: {  	_ =	swait.ge [sflag:s22], s20  }
0x9f: {  	s4 =	ssub.s32 $0x0, s20;
	[sflag:s22] =	ssyncset.done $0x0  }
0xa0: {  	[sflag:s22] =	ssyncadd.s32 s4;
	_ =	sdelay $0x1  }
0xa1: {  	s23 =	simm.s32 $0x1B8B  }
0xa2: {  	_ =	swait.ge [sflag:s23], $0x1  }
0xa3: {  	[sflag:s23] =	ssyncset.done $0x0  }
0xa4: {  	s25 =	simm.s32 $0x1B8E;
	s24 =	sld [smem:$0x3FFE];
	[sflag:s23] =	ssyncadd.s32 $0xFFFFFFFF  }
0xa5: {  	s26 =	simm.s32 $execute0_lowered;
	[smem:$0x3FD2] =	sst s25  }
0xa6: {  	s5 =	sshll.u32 s26, $0x1;
	_ =	strace $0x80000046;
	[dreg:$0x1] =	wrdreg $0xFFFFFFFF  }
0xa7: {  	s28 =	simm.s32 $_size_execute0_lowered;
	s3 =	sadd.s32 s3, s5;
	[dreg:$0x0] =	wrdreg $0x0  }
0xa8: {  	s5 =	sshll.u32 s28, $0x1;
	[dreg:$0x2] =	wrdreg s3  }
0xa9: {  	[dreg:$0x3] =	wrdreg s5  }
0xaa: {  	[dreg:$0x4] =	wrdreg $0xC0  }
0xab: {  	_ =	task [dreg:s7], $0x5FFFF  }
0xac: {  	[dreg:$0x1] =	wrdreg $0xFFFFFFFF  }
0xad: {  	[dreg:$0x0] =	wrdreg $0x60  }
0xae: {  	[dreg:$0x2] =	wrdreg s24  }
0xaf: {  	[dreg:$0x3] =	wrdreg s2  }
0xb0: {  	[dreg:$0x4] =	wrdreg $0xBF000  }
0xb1: {  	[dreg:$0x5] =	wrdreg $0x9  }
0xb2: {  	_ =	task.clear_ibuf [dreg:s7], $0x6FFFF;
	_ =	strace $0x90000046  }
0xb3: {  	s29 =	simm.s32 $0x9;
	_ =	strace $0x80000048  }
0xb4: {  	_ =	swait.ge [sflag:s29], $0x1  }
0xb5: {  	[sflag:s29] =	ssyncadd.s32 $0xFFFFFFFF  }
0xb6: {  	_ =	strace $0x90000048  }
0xb7: {  	_ =	sfence  }
0xb8: {  	s30 =	sld [smem:$0x0];
	_ =	sdelay $0x2  }
0xb9: {  	s31 =	sshll.u32 s1, $0xD;
	s1 =	sshrl.u32 s1, $0x2  }
0xba: {  	s3 =	sand.u32 $0x4000, s31;
	s1 =	sadd.s32 s1, s30  }
0xbb: {  	s0 =	sor.u32 s3, s0;
	s1 =	sshll.u32 s1, $0x11  }
0xbc: {  	s0 =	sor.u32 s1, s0  }
0xbd: {  	s0 =	sadd.s32 $0x8F2B, s0  }
0xbe: {  	[sflag:s0] =	ssyncadd.remote.s32 $0x1  }
0xbf: {  	_ =	sfence.sel $0xFFFF  }
0xc0: {  	[dreg:$0x0] =	wrdreg $0xFFFFFFFF;
	(pc) =	sbr.abs _section_cstart, $3  }
0xc1: {  	[dreg:$0x1] =	wrdreg $0xFFFFFFFF  }
0xc2: {  	_ =	task.clear_ibuf [dreg:s7], $0x2FFFF;
	_ =	strace $0x9FFFFFFF  }
0xc3: {  	(tm) =	ssettm $0x7FFFFFFF  }
tec
execute0_lowered:
.L_overlay_start_1:
0x0: {  	(tag) =	ssettag $0x1  }
0x1: {  	s1 =	rddreg [dreg:$0x0]  }
0x2: {  	s0 =	rddreg [dreg:$0x1]  }
0x3: {  	s3 =	srdreg.scid;
	s2 =	rddreg [dreg:$0x2]  }
0x4: {  	s14 =	stileid.u32;
	s28 =	simm.s32 $0x5F00;
	s29 =	simm.s32 $0x6700  }
0x5: {  	s30 =	simm.s32 $0x6F00;
	s31 =	simm.s32 $0x7700;
	s7 =	smul.u32 $0x2760, s14  }
0x6: {  	s6 =	sand.u32 $0x1, s3;
	s3 =	simm.s32 $0x0;
	s23 =	smul.u32 $0x50000, s14  }
0x7: {  	s4 =	sshll.u32 s6, $0x4;
	[smem:$0x7FF] =	sst s3;
	s12 =	smul.u32 $0x9D800, s6  }
0x8: {  	s10 =	ssub.s32 $0x2, s6;
	s22 =	smul.u32 $0xA000, s6;
	s13 =	sshll.u32 s6, $0x2  }
0x9: {  	s17 =	sshllo.u32 s6, $0x2;
	s6 =	smul.u32 $0x2800, s6;
	s4 =	sor.u32 s14, s4  }
0xa: {  	_ =	strace $0x80000047;
	s8 =	sshrl.u32 s7, $0x3;
	s14 =	smul.u32 $0x280, s14  }
0xb: {  	s11 =	sshrl.u32 s10, $0x1;
	s15 =	sor.u32 $0x1, s13;
	s19 =	smul.u32 $0x27600, s17  }
0xc: {  	s13 =	sor.u32 $0x2, s13;
	s5 =	smul.u32 $0x284, s4;
	s4 =	sadd.s32 $0x10600, s1  }
0xd: {  	s8 =	sadd.s32 s8, s1;
	s10 =	ssub.s32 s10, s11;
	s16 =	smul.u32 $0x27600, s15  }
0xe: {  	s12 =	sadd.s32 s7, s12;
	s26 =	smul.u32 $0x2800, s15;
	s8 =	sadd.s32 $0x1200, s8  }
0xf: {  	s12 =	sshrl.u32 s12, $0x3;
	s24 =	sadd.s32 s14, s22;
	s6 =	sadd.s32 s6, s14  }
0x10: {  	s9 =	sadd.s32 s5, s1;
	s5 =	sadd.s32 $0x170000, s1;
	s1 =	sadd.s32 $0x172800, s1  }
0x11: {  	[dreg:$0x4] =	wrdreg s8;
	s8 =	sshrl.u32 s23, $0x2;
	s12 =	sadd.s32 s0, s12  }
0x12: {  	s25 =	sadd.s32 s7, s16;
	s15 =	sadd.s32 s14, s26;
	s16 =	smul.u32 $0x27600, s13  }
0x13: {  	s23 =	sshll.u32 s6, $0x4;
	s26 =	smax.u32 s10, $0x1;
	s6 =	simm.s32 $0x2  }
0x14: {  	s10 =	simm.s32 $0xA700;
	[dreg:$0x5] =	wrdreg s12;
	s8 =	sadd.s32 s8, s2  }
0x15: {  	s11 =	sshrl.u32 s25, $0x3;
	s25 =	sadd.s32 $0xB400, s9;
	[dreg:$0x11] =	wrdreg s26  }
0x16: {  	s26 =	simm.s32 $0x5700;
	s12 =	simm.s32 $0xB700;
	[dreg:$0x6] =	wrdreg s8  }
0x17: {  	s8 =	sshll.u32 s24, $0x4;
	s18 =	sadd.s32 s7, s16;
	s7 =	sadd.s32 s7, s19  }
0x18: {  	s24 =	sadd.s32 $0x6200, s9;
	[dreg:$0xf] =	wrdreg s25;
	s25 =	simm.s32 $0x1  }
0x19: {  	s9 =	simm.s32 $0x9F00;
	s8 =	sadd.s32 s1, s8;
	s7 =	sshrl.u32 s7, $0x3  }
0x1a: {  	[dreg:$0x7] =	wrdreg s8;
	s8 =	sadd.s32 s0, s11;
	s11 =	smul.u32 $0x2800, s13  }
0x1b: {  	s13 =	smul.u32 $0x2800, s17;
	[dreg:$0x8] =	wrdreg s8;
	s8 =	sshll.u32 s15, $0x4  }
0x1c: {  	[dreg:$0xe] =	wrdreg s24;
	s24 =	simm.s32 $0x8700;
	s8 =	sadd.s32 s1, s8  }
0x1d: {  	s11 =	sadd.s32 s14, s11;
	s21 =	sadd.s32 s14, s13;
	s13 =	simm.s32 $0x4  }
0x1e: {  	[dreg:$0x9] =	wrdreg s8;
	s8 =	sshrl.u32 s18, $0x3;
	s20 =	sshll.u32 s11, $0x4  }
0x1f: {  	s11 =	simm.s32 $0xAF00;
	s8 =	sadd.s32 s0, s8;
	s0 =	sadd.s32 s0, s7  }
0x20: {  	s7 =	simm.s32 $0x8F00;
	[dreg:$0xa] =	wrdreg s8;
	s8 =	sadd.s32 s1, s20  }
0x21: {  	[dreg:$0xc] =	wrdreg s0;
	s0 =	sadd.s32 s1, s23;
	s23 =	simm.s32 $0x4F00  }
0x22: {  	s20 =	simm.s32 $0x0;
	[dreg:$0xb] =	wrdreg s8;
	s8 =	sshll.u32 s21, $0x4  }
0x23: {  	s0 =	sadd.s32 $0x140000, s0;
	s21 =	simm.s32 $0x5;
	s22 =	sadd.s32 s1, s8  }
0x24: {  	[dreg:$0x10] =	wrdreg s0;
	s0 =	simm.s32 $0x7F00;
	s1 =	simm.s32 $0x3  }
0x25: {  	vm0 =	vmmov $0xffff;
	s8 =	simm.s32 $0x9700;
	[dreg:$0xd] =	wrdreg s22;
	s22 =	simm.s32 $0x70  }
.LBB2_1:
0x26: {  	s14 =	rddreg [dreg:$0x4];
	s15 =	simm.s32 $0x2780  }
0x27: {  	[tilespmem:s15], [sflag:$0x5] =	stream.linear.gather [hbm4b:s14+s3], $0x2760, $0x38;
	[tilespmem:$0x1FF00] =	vst v63  }
0x28: {  	_ =	swait.ge [sflag:s21], $0x2760  }
0x29: {  	[sflag:s21] =	ssyncset.done $0x0  }
0x2a: {  	s17 =	rddreg [dreg:$0x5];
	[sflag:s21] =	ssyncadd.s32 $0xFFFFD8A0  }
0x2b: {  	[tilespmem:s3], [sflag:$0x5] =	stream.linear.gather [hbm4b:s17+s3], $0x2760, $0x38;
	[tilespmem:$0x1FF00] =	vst v63  }
0x2c: {  	s18 =	stileid.u32;
	_ =	swait.ge [sflag:s21], $0x2760  }
0x2d: {  	s14 =	sshll.u32 s18, $0x6;
	[sflag:s21] =	ssyncset.done $0x0;
	s19 =	rddreg [dreg:$0x6]  }
0x2e: {  	s14 =	sor.u32 $0x1C05, s14;
	[sflag:s21] =	ssyncadd.s32 $0xFFFFD8A0;
	s15 =	sshrl.u32 s19, $0x3  }
0x2f: {  	[spmem:s15], [sflag:s14] =	dma.local [hbm:s5], $0x2800  }
0x30: {  	_ =	swait.ge [sflag:s21], $0x2800  }
0x31: {  	[sflag:s21] =	ssyncset.done $0x0  }
0x32: {  	[sflag:s21] =	ssyncadd.s32 $0xFFFFD800  }
0x33: {  	[bflag:$0x0] =	sbarrier.arrive $0xFFFF  }
0x34: {  	[tilespmem:s23], [sflag:$0x1] =	stream.indirect.gather [hbm4b:s4+s22], $0x80, s3, s22, $0xb8;
	[tilespmem:$0x1FF00] =	vst v63  }
0x35: {  	s16 =	simm.s32 $0xE0;
	s18 =	simm.s32 $0x0;
	s17 =	simm.s32 $0x27F0  }
0x36: {  	[tilespmem:s24], [sflag:$0x2] =	stream.indirect.gather [hbm4b:s4+s22], $0x80, s22, s22, $0xb8;
	[tilespmem:$0x1FF00] =	vst v63  }
.LBB2_2:
0x37: {  	_ =	swait.ge [sflag:s25], $0x3800  }
0x38: {  	[sflag:s25] =	ssyncset.done $0x0  }
0x39: {  	[sflag:s25] =	ssyncadd.s32 $0xFFFFC800  }
0x3a: {  	v0 =	vld [tilespmem:s17+$0xFFFFFF90];
	_ =	sdelay $0x7  }
0x3b: {  	[spmem:s2] =	stream.indirect_vreg.scatter.add.f32 [tilespmem:s23], [sflag:$0x3], $0x80, v0, vm0, $0xb8;
	[tilespmem:$0x1FF00] =	vst v63  }
0x3c: {  	v0 =	vld [tilespmem:s17+$0xFFFFFFA0];
	_ =	sdelay $0x7  }
0x3d: {  	[spmem:s2] =	stream.indirect_vreg.scatter.add.f32 [tilespmem:s26], [sflag:$0x3], $0x80, v0, vm0, $0xb8;
	[tilespmem:$0x1FF00] =	vst v63  }
0x3e: {  	v0 =	vld [tilespmem:s17+$0xFFFFFFB0];
	_ =	sdelay $0x7  }
0x3f: {  	[spmem:s2] =	stream.indirect_vreg.scatter.add.f32 [tilespmem:s28], [sflag:$0x3], $0x80, v0, vm0, $0xb8;
	[tilespmem:$0x1FF00] =	vst v63  }
0x40: {  	v0 =	vld [tilespmem:s17+$0xFFFFFFC0];
	_ =	sdelay $0x7  }
0x41: {  	[spmem:s2] =	stream.indirect_vreg.scatter.add.f32 [tilespmem:s29], [sflag:$0x3], $0x80, v0, vm0, $0xb8;
	[tilespmem:$0x1FF00] =	vst v63  }
0x42: {  	v0 =	vld [tilespmem:s17+$0xFFFFFFD0];
	_ =	sdelay $0x7  }
0x43: {  	[spmem:s2] =	stream.indirect_vreg.scatter.add.f32 [tilespmem:s30], [sflag:$0x3], $0x80, v0, vm0, $0xb8;
	[tilespmem:$0x1FF00] =	vst v63  }
0x44: {  	v0 =	vld [tilespmem:s17+$0xFFFFFFE0];
	_ =	sdelay $0x7  }
0x45: {  	[spmem:s2] =	stream.indirect_vreg.scatter.add.f32 [tilespmem:s31], [sflag:$0x3], $0x80, v0, vm0, $0xb8;
	[tilespmem:$0x1FF00] =	vst v63  }
0x46: {  	v0 =	vld [tilespmem:s17+$0xFFFFFFF0];
	_ =	sdelay $0x7  }
0x47: {  	[spmem:s2] =	stream.indirect_vreg.scatter.add.f32 [tilespmem:s0], [sflag:$0x3], $0x80, v0, vm0, $0xb8;
	[tilespmem:$0x1FF00] =	vst v63  }
0x48: {  	_ =	swait.ge [sflag:s1], $0x3800  }
0x49: {  	[sflag:s1] =	ssyncset.done $0x0  }
0x4a: {  	[sflag:s1] =	ssyncadd.s32 $0xFFFFC800  }
0x4b: {  	[tilespmem:s23], [sflag:$0x1] =	stream.indirect.gather [hbm4b:s4+s22], $0x80, s16, s22, $0xb8;
	[tilespmem:$0x1FF00] =	vst v63  }
0x4c: {  	_ =	swait.ge [sflag:s6], $0x3800  }
0x4d: {  	[sflag:s6] =	ssyncset.done $0x0  }
0x4e: {  	[sflag:s6] =	ssyncadd.s32 $0xFFFFC800  }
0x4f: {  	v63 =	vld [tilespmem:s17+$0x0];
	_ =	sdelay $0x6  }
0x50: {  	s19 =	sand.u32 $0x3FE0, s18  }
0x51: {  	[spmem:s2] =	stream.indirect_vreg.scatter.add.f32 [tilespmem:s24], [sflag:$0x4], $0x80, v63, vm0, $0xb8;
	[tilespmem:$0x1FF00] =	vst v63  }
0x52: {  	v0 =	vld [tilespmem:s19+$0x2800];
	_ =	sdelay $0x7  }
0x53: {  	[spmem:s2] =	stream.indirect_vreg.scatter.add.f32 [tilespmem:s7], [sflag:$0x4], $0x80, v0, vm0, $0xb8;
	[tilespmem:$0x1FF00] =	vst v63  }
0x54: {  	v0 =	vld [tilespmem:s17+$0x20];
	_ =	sdelay $0x7  }
0x55: {  	[spmem:s2] =	stream.indirect_vreg.scatter.add.f32 [tilespmem:s8], [sflag:$0x4], $0x80, v0, vm0, $0xb8;
	[tilespmem:$0x1FF00] =	vst v63  }
0x56: {  	v0 =	vld [tilespmem:s17+$0x30];
	_ =	sdelay $0x7  }
0x57: {  	[spmem:s2] =	stream.indirect_vreg.scatter.add.f32 [tilespmem:s9], [sflag:$0x4], $0x80, v0, vm0, $0xb8;
	[tilespmem:$0x1FF00] =	vst v63  }
0x58: {  	v0 =	vld [tilespmem:s17+$0x40];
	_ =	sdelay $0x7  }
0x59: {  	[spmem:s2] =	stream.indirect_vreg.scatter.add.f32 [tilespmem:s10], [sflag:$0x4], $0x80, v0, vm0, $0xb8;
	[tilespmem:$0x1FF00] =	vst v63  }
0x5a: {  	v0 =	vld [tilespmem:s17+$0x50];
	_ =	sdelay $0x7  }
0x5b: {  	[spmem:s2] =	stream.indirect_vreg.scatter.add.f32 [tilespmem:s11], [sflag:$0x4], $0x80, v0, vm0, $0xb8;
	[tilespmem:$0x1FF00] =	vst v63  }
0x5c: {  	v0 =	vld [tilespmem:s17+$0x60];
	_ =	sdelay $0x6  }
0x5d: {  	p0 =	sne.s32 s18, $0x25A0  }
0x5e: {  	[spmem:s2] =	stream.indirect_vreg.scatter.add.f32 [tilespmem:s12], [sflag:$0x4], $0x80, v0, vm0, $0xb8;
	[tilespmem:$0x1FF00] =	vst v63  }
.Ltmp0:
0x5f: {  	_ = 	snop;
	(pc) =	sbr.rel @p0 .LBB2_2-.Ltmp0, $4  }
0x60: {  	_ =	swait.ge [sflag:s13], $0x3800  }
0x61: {  	s18 =	sadd.s32 $0xE0, s18;
	s19 =	sadd.s32 $0x70, s16;
	[sflag:s13] =	ssyncset.done $0x0  }
0x62: {  	s16 =	sadd.s32 $0xE0, s16;
	s17 =	sadd.s32 $0xE0, s17;
	[sflag:s13] =	ssyncadd.s32 $0xFFFFC800  }
0x63: {  	[tilespmem:s24], [sflag:$0x2] =	stream.indirect.gather [hbm4b:s4+s22], $0x80, s19, s22, $0xb8;
	[tilespmem:$0x1FF00] =	vst v63  }
0x64: {  	_ =	swait.ge [sflag:s25], $0x3800  }
0x65: {  	[sflag:s25] =	ssyncset.done $0x0  }
0x66: {  	[sflag:s25] =	ssyncadd.s32 $0xFFFFC800  }
0x67: {  	v0 =	vld [tilespmem:$0x4E00];
	_ =	sdelay $0x7  }
0x68: {  	[spmem:s2] =	stream.indirect_vreg.scatter.add.f32 [tilespmem:s23], [sflag:$0x3], $0x80, v0, vm0, $0xb8;
	[tilespmem:$0x1FF00] =	vst v63  }
0x69: {  	v0 =	vld [tilespmem:$0x4E10];
	_ =	sdelay $0x7  }
0x6a: {  	[spmem:s2] =	stream.indirect_vreg.scatter.add.f32 [tilespmem:s26], [sflag:$0x3], $0x80, v0, vm0, $0xb8;
	[tilespmem:$0x1FF00] =	vst v63  }
0x6b: {  	v0 =	vld [tilespmem:$0x4E20];
	_ =	sdelay $0x7  }
0x6c: {  	[spmem:s2] =	stream.indirect_vreg.scatter.add.f32 [tilespmem:s28], [sflag:$0x3], $0x80, v0, vm0, $0xb8;
	[tilespmem:$0x1FF00] =	vst v63  }
0x6d: {  	v0 =	vld [tilespmem:$0x4E30];
	_ =	sdelay $0x7  }
0x6e: {  	[spmem:s2] =	stream.indirect_vreg.scatter.add.f32 [tilespmem:s29], [sflag:$0x3], $0x80, v0, vm0, $0xb8;
	[tilespmem:$0x1FF00] =	vst v63  }
0x6f: {  	v0 =	vld [tilespmem:$0x4E40];
	_ =	sdelay $0x7  }
0x70: {  	[spmem:s2] =	stream.indirect_vreg.scatter.add.f32 [tilespmem:s30], [sflag:$0x3], $0x80, v0, vm0, $0xb8;
	[tilespmem:$0x1FF00] =	vst v63  }
0x71: {  	v0 =	vld [tilespmem:$0x4E50];
	_ =	sdelay $0x7  }
0x72: {  	[spmem:s2] =	stream.indirect_vreg.scatter.add.f32 [tilespmem:s31], [sflag:$0x3], $0x80, v0, vm0, $0xb8;
	[tilespmem:$0x1FF00] =	vst v63  }
0x73: {  	v0 =	vld [tilespmem:$0x4E60];
	_ =	sdelay $0x7  }
0x74: {  	[spmem:s2] =	stream.indirect_vreg.scatter.add.f32 [tilespmem:s0], [sflag:$0x3], $0x80, v0, vm0, $0xb8;
	[tilespmem:$0x1FF00] =	vst v63  }
0x75: {  	_ =	swait.ge [sflag:s1], $0x3800  }
0x76: {  	[sflag:s1] =	ssyncset.done $0x0  }
0x77: {  	[sflag:s1] =	ssyncadd.s32 $0xFFFFC800  }
0x78: {  	_ =	swait.ge [sflag:s6], $0x3800  }
0x79: {  	[sflag:s6] =	ssyncset.done $0x0  }
0x7a: {  	[sflag:s6] =	ssyncadd.s32 $0xFFFFC800  }
0x7b: {  	v63 =	vld [tilespmem:$0x4E70];
	_ =	sdelay $0x7  }
0x7c: {  	[spmem:s2] =	stream.indirect_vreg.scatter.add.f32 [tilespmem:s24], [sflag:$0x4], $0x80, v63, vm0, $0xb8;
	[tilespmem:$0x1FF00] =	vst v63  }
0x7d: {  	v0 =	vld [tilespmem:$0x4E80];
	_ =	sdelay $0x7  }
0x7e: {  	[spmem:s2] =	stream.indirect_vreg.scatter.add.f32 [tilespmem:s7], [sflag:$0x4], $0x80, v0, vm0, $0xb8;
	[tilespmem:$0x1FF00] =	vst v63  }
0x7f: {  	v0 =	vld [tilespmem:$0x4E90];
	_ =	sdelay $0x7  }
0x80: {  	[spmem:s2] =	stream.indirect_vreg.scatter.add.f32 [tilespmem:s8], [sflag:$0x4], $0x80, v0, vm0, $0xb8;
	[tilespmem:$0x1FF00] =	vst v63  }
0x81: {  	v0 =	vld [tilespmem:$0x4EA0];
	_ =	sdelay $0x7  }
0x82: {  	[spmem:s2] =	stream.indirect_vreg.scatter.add.f32 [tilespmem:s9], [sflag:$0x4], $0x80, v0, vm0, $0xb8;
	[tilespmem:$0x1FF00] =	vst v63  }
0x83: {  	v0 =	vld [tilespmem:$0x4EB0];
	_ =	sdelay $0x7  }
0x84: {  	[spmem:s2] =	stream.indirect_vreg.scatter.add.f32 [tilespmem:s10], [sflag:$0x4], $0x80, v0, vm0, $0xb8;
	[tilespmem:$0x1FF00] =	vst v63  }
0x85: {  	v0 =	vld [tilespmem:$0x4EC0];
	_ =	sdelay $0x7  }
0x86: {  	[spmem:s2] =	stream.indirect_vreg.scatter.add.f32 [tilespmem:s11], [sflag:$0x4], $0x80, v0, vm0, $0xb8;
	[tilespmem:$0x1FF00] =	vst v63  }
0x87: {  	v0 =	vld [tilespmem:$0x4ED0];
	_ =	sdelay $0x7  }
0x88: {  	[spmem:s2] =	stream.indirect_vreg.scatter.add.f32 [tilespmem:s12], [sflag:$0x4], $0x80, v0, vm0, $0xb8;
	[tilespmem:$0x1FF00] =	vst v63  }
0x89: {  	_ =	swait.ge [sflag:s13], $0x3800  }
0x8a: {  	[sflag:s13] =	ssyncset.done $0x0  }
0x8b: {  	[sflag:s13] =	ssyncadd.s32 $0xFFFFC800  }
0x8c: {  	[bflag:$0x0] =	sbarrier.arrive $0xFFFF  }
0x8d: {  	s16 =	rddreg [dreg:$0x7]  }
0x8e: {  	[hbm:s16], [sflag:s14] =	dma.local [spmem:s15], $0x2800  }
0x8f: {  	_ =	swait.ge [sflag:s21], $0x2800  }
0x90: {  	[sflag:s21] =	ssyncset.done $0x0  }
0x91: {  	[sflag:s21] =	ssyncadd.s32 $0xFFFFD800  }
0x92: {  	[bflag:$0x0] =	sbarrier.arrive $0xFFFF  }
0x93: {  	s16 =	simm.s32 $0x0;
	s17 =	rddreg [dreg:$0x8]  }
0x94: {  	[tilespmem:s16], [sflag:$0x5] =	stream.linear.gather [hbm4b:s17+s16], $0x2760, $0x38;
	[tilespmem:$0x1FF00] =	vst v63  }
0x95: {  	_ =	swait.ge [sflag:s21], $0x2760  }
0x96: {  	[sflag:s21] =	ssyncset.done $0x0  }
0x97: {  	[sflag:s21] =	ssyncadd.s32 $0xFFFFD8A0  }
0x98: {  	[spmem:s15], [sflag:s14] =	dma.local [hbm:s5], $0x2800  }
0x99: {  	_ =	swait.ge [sflag:s21], $0x2800  }
0x9a: {  	[sflag:s21] =	ssyncset.done $0x0  }
0x9b: {  	[sflag:s21] =	ssyncadd.s32 $0xFFFFD800  }
0x9c: {  	[bflag:$0x0] =	sbarrier.arrive $0xFFFF  }
0x9d: {  	[tilespmem:s23], [sflag:$0x1] =	stream.indirect.gather [hbm4b:s4+s22], $0x80, s16, s22, $0xb8;
	[tilespmem:$0x1FF00] =	vst v63  }
0x9e: {  	s18 =	simm.s32 $0x27F0;
	s17 =	simm.s32 $0xE0  }
0x9f: {  	[tilespmem:s24], [sflag:$0x2] =	stream.indirect.gather [hbm4b:s4+s22], $0x80, s22, s22, $0xb8;
	[tilespmem:$0x1FF00] =	vst v63  }
.LBB2_4:
0xa0: {  	_ =	swait.ge [sflag:s25], $0x3800  }
0xa1: {  	[sflag:s25] =	ssyncset.done $0x0  }
0xa2: {  	[sflag:s25] =	ssyncadd.s32 $0xFFFFC800  }
0xa3: {  	v0 =	vld [tilespmem:s18+$0xFFFFFF90];
	_ =	sdelay $0x7  }
0xa4: {  	[spmem:s2] =	stream.indirect_vreg.scatter.add.f32 [tilespmem:s23], [sflag:$0x3], $0x80, v0, vm0, $0xb8;
	[tilespmem:$0x1FF00] =	vst v63  }
0xa5: {  	v0 =	vld [tilespmem:s18+$0xFFFFFFA0];
	_ =	sdelay $0x7  }
0xa6: {  	[spmem:s2] =	stream.indirect_vreg.scatter.add.f32 [tilespmem:s26], [sflag:$0x3], $0x80, v0, vm0, $0xb8;
	[tilespmem:$0x1FF00] =	vst v63  }
0xa7: {  	v0 =	vld [tilespmem:s18+$0xFFFFFFB0];
	_ =	sdelay $0x7  }
0xa8: {  	[spmem:s2] =	stream.indirect_vreg.scatter.add.f32 [tilespmem:s28], [sflag:$0x3], $0x80, v0, vm0, $0xb8;
	[tilespmem:$0x1FF00] =	vst v63  }
0xa9: {  	v0 =	vld [tilespmem:s18+$0xFFFFFFC0];
	_ =	sdelay $0x7  }
0xaa: {  	[spmem:s2] =	stream.indirect_vreg.scatter.add.f32 [tilespmem:s29], [sflag:$0x3], $0x80, v0, vm0, $0xb8;
	[tilespmem:$0x1FF00] =	vst v63  }
0xab: {  	v0 =	vld [tilespmem:s18+$0xFFFFFFD0];
	_ =	sdelay $0x7  }
0xac: {  	[spmem:s2] =	stream.indirect_vreg.scatter.add.f32 [tilespmem:s30], [sflag:$0x3], $0x80, v0, vm0, $0xb8;
	[tilespmem:$0x1FF00] =	vst v63  }
0xad: {  	v0 =	vld [tilespmem:s18+$0xFFFFFFE0];
	_ =	sdelay $0x7  }
0xae: {  	[spmem:s2] =	stream.indirect_vreg.scatter.add.f32 [tilespmem:s31], [sflag:$0x3], $0x80, v0, vm0, $0xb8;
	[tilespmem:$0x1FF00] =	vst v63  }
0xaf: {  	v0 =	vld [tilespmem:s18+$0xFFFFFFF0];
	_ =	sdelay $0x7  }
0xb0: {  	[spmem:s2] =	stream.indirect_vreg.scatter.add.f32 [tilespmem:s0], [sflag:$0x3], $0x80, v0, vm0, $0xb8;
	[tilespmem:$0x1FF00] =	vst v63  }
0xb1: {  	_ =	swait.ge [sflag:s1], $0x3800  }
0xb2: {  	[sflag:s1] =	ssyncset.done $0x0  }
0xb3: {  	[sflag:s1] =	ssyncadd.s32 $0xFFFFC800  }
0xb4: {  	[tilespmem:s23], [sflag:$0x1] =	stream.indirect.gather [hbm4b:s4+s22], $0x80, s17, s22, $0xb8;
	[tilespmem:$0x1FF00] =	vst v63  }
0xb5: {  	_ =	swait.ge [sflag:s6], $0x3800  }
0xb6: {  	[sflag:s6] =	ssyncset.done $0x0  }
0xb7: {  	[sflag:s6] =	ssyncadd.s32 $0xFFFFC800  }
0xb8: {  	v63 =	vld [tilespmem:s18+$0x0];
	_ =	sdelay $0x6  }
0xb9: {  	s19 =	sand.u32 $0x3FE0, s16  }
0xba: {  	[spmem:s2] =	stream.indirect_vreg.scatter.add.f32 [tilespmem:s24], [sflag:$0x4], $0x80, v63, vm0, $0xb8;
	[tilespmem:$0x1FF00] =	vst v63  }
0xbb: {  	v0 =	vld [tilespmem:s19+$0x2800];
	_ =	sdelay $0x7  }
0xbc: {  	[spmem:s2] =	stream.indirect_vreg.scatter.add.f32 [tilespmem:s7], [sflag:$0x4], $0x80, v0, vm0, $0xb8;
	[tilespmem:$0x1FF00] =	vst v63  }
0xbd: {  	v0 =	vld [tilespmem:s18+$0x20];
	_ =	sdelay $0x7  }
0xbe: {  	[spmem:s2] =	stream.indirect_vreg.scatter.add.f32 [tilespmem:s8], [sflag:$0x4], $0x80, v0, vm0, $0xb8;
	[tilespmem:$0x1FF00] =	vst v63  }
0xbf: {  	v0 =	vld [tilespmem:s18+$0x30];
	_ =	sdelay $0x7  }
0xc0: {  	[spmem:s2] =	stream.indirect_vreg.scatter.add.f32 [tilespmem:s9], [sflag:$0x4], $0x80, v0, vm0, $0xb8;
	[tilespmem:$0x1FF00] =	vst v63  }
0xc1: {  	v0 =	vld [tilespmem:s18+$0x40];
	_ =	sdelay $0x7  }
0xc2: {  	[spmem:s2] =	stream.indirect_vreg.scatter.add.f32 [tilespmem:s10], [sflag:$0x4], $0x80, v0, vm0, $0xb8;
	[tilespmem:$0x1FF00] =	vst v63  }
0xc3: {  	v0 =	vld [tilespmem:s18+$0x50];
	_ =	sdelay $0x7  }
0xc4: {  	[spmem:s2] =	stream.indirect_vreg.scatter.add.f32 [tilespmem:s11], [sflag:$0x4], $0x80, v0, vm0, $0xb8;
	[tilespmem:$0x1FF00] =	vst v63  }
0xc5: {  	v0 =	vld [tilespmem:s18+$0x60];
	_ =	sdelay $0x6  }
0xc6: {  	p0 =	sne.s32 s16, $0x25A0  }
0xc7: {  	[spmem:s2] =	stream.indirect_vreg.scatter.add.f32 [tilespmem:s12], [sflag:$0x4], $0x80, v0, vm0, $0xb8;
	[tilespmem:$0x1FF00] =	vst v63  }
.Ltmp1:
0xc8: {  	_ = 	snop;
	(pc) =	sbr.rel @p0 .LBB2_4-.Ltmp1, $4  }
0xc9: {  	_ =	swait.ge [sflag:s13], $0x3800  }
0xca: {  	s16 =	sadd.s32 $0xE0, s16;
	s19 =	sadd.s32 $0x70, s17;
	[sflag:s13] =	ssyncset.done $0x0  }
0xcb: {  	s17 =	sadd.s32 $0xE0, s17;
	s18 =	sadd.s32 $0xE0, s18;
	[sflag:s13] =	ssyncadd.s32 $0xFFFFC800  }
0xcc: {  	[tilespmem:s24], [sflag:$0x2] =	stream.indirect.gather [hbm4b:s4+s22], $0x80, s19, s22, $0xb8;
	[tilespmem:$0x1FF00] =	vst v63  }
0xcd: {  	_ =	swait.ge [sflag:s25], $0x3800  }
0xce: {  	[sflag:s25] =	ssyncset.done $0x0  }
0xcf: {  	[sflag:s25] =	ssyncadd.s32 $0xFFFFC800  }
0xd0: {  	v0 =	vld [tilespmem:$0x4E00];
	_ =	sdelay $0x7  }
0xd1: {  	[spmem:s2] =	stream.indirect_vreg.scatter.add.f32 [tilespmem:s23], [sflag:$0x3], $0x80, v0, vm0, $0xb8;
	[tilespmem:$0x1FF00] =	vst v63  }
0xd2: {  	v0 =	vld [tilespmem:$0x4E10];
	_ =	sdelay $0x7  }
0xd3: {  	[spmem:s2] =	stream.indirect_vreg.scatter.add.f32 [tilespmem:s26], [sflag:$0x3], $0x80, v0, vm0, $0xb8;
	[tilespmem:$0x1FF00] =	vst v63  }
0xd4: {  	v0 =	vld [tilespmem:$0x4E20];
	_ =	sdelay $0x7  }
0xd5: {  	[spmem:s2] =	stream.indirect_vreg.scatter.add.f32 [tilespmem:s28], [sflag:$0x3], $0x80, v0, vm0, $0xb8;
	[tilespmem:$0x1FF00] =	vst v63  }
0xd6: {  	v0 =	vld [tilespmem:$0x4E30];
	_ =	sdelay $0x7  }
0xd7: {  	[spmem:s2] =	stream.indirect_vreg.scatter.add.f32 [tilespmem:s29], [sflag:$0x3], $0x80, v0, vm0, $0xb8;
	[tilespmem:$0x1FF00] =	vst v63  }
0xd8: {  	v0 =	vld [tilespmem:$0x4E40];
	_ =	sdelay $0x7  }
0xd9: {  	[spmem:s2] =	stream.indirect_vreg.scatter.add.f32 [tilespmem:s30], [sflag:$0x3], $0x80, v0, vm0, $0xb8;
	[tilespmem:$0x1FF00] =	vst v63  }
0xda: {  	v0 =	vld [tilespmem:$0x4E50];
	_ =	sdelay $0x7  }
0xdb: {  	[spmem:s2] =	stream.indirect_vreg.scatter.add.f32 [tilespmem:s31], [sflag:$0x3], $0x80, v0, vm0, $0xb8;
	[tilespmem:$0x1FF00] =	vst v63  }
0xdc: {  	v0 =	vld [tilespmem:$0x4E60];
	_ =	sdelay $0x7  }
0xdd: {  	[spmem:s2] =	stream.indirect_vreg.scatter.add.f32 [tilespmem:s0], [sflag:$0x3], $0x80, v0, vm0, $0xb8;
	[tilespmem:$0x1FF00] =	vst v63  }
0xde: {  	_ =	swait.ge [sflag:s1], $0x3800  }
0xdf: {  	[sflag:s1] =	ssyncset.done $0x0  }
0xe0: {  	[sflag:s1] =	ssyncadd.s32 $0xFFFFC800  }
0xe1: {  	_ =	swait.ge [sflag:s6], $0x3800  }
0xe2: {  	[sflag:s6] =	ssyncset.done $0x0  }
0xe3: {  	[sflag:s6] =	ssyncadd.s32 $0xFFFFC800  }
0xe4: {  	v63 =	vld [tilespmem:$0x4E70];
	_ =	sdelay $0x7  }
0xe5: {  	[spmem:s2] =	stream.indirect_vreg.scatter.add.f32 [tilespmem:s24], [sflag:$0x4], $0x80, v63, vm0, $0xb8;
	[tilespmem:$0x1FF00] =	vst v63  }
0xe6: {  	v0 =	vld [tilespmem:$0x4E80];
	_ =	sdelay $0x7  }
0xe7: {  	[spmem:s2] =	stream.indirect_vreg.scatter.add.f32 [tilespmem:s7], [sflag:$0x4], $0x80, v0, vm0, $0xb8;
	[tilespmem:$0x1FF00] =	vst v63  }
0xe8: {  	v0 =	vld [tilespmem:$0x4E90];
	_ =	sdelay $0x7  }
0xe9: {  	[spmem:s2] =	stream.indirect_vreg.scatter.add.f32 [tilespmem:s8], [sflag:$0x4], $0x80, v0, vm0, $0xb8;
	[tilespmem:$0x1FF00] =	vst v63  }
0xea: {  	v0 =	vld [tilespmem:$0x4EA0];
	_ =	sdelay $0x7  }
0xeb: {  	[spmem:s2] =	stream.indirect_vreg.scatter.add.f32 [tilespmem:s9], [sflag:$0x4], $0x80, v0, vm0, $0xb8;
	[tilespmem:$0x1FF00] =	vst v63  }
0xec: {  	v0 =	vld [tilespmem:$0x4EB0];
	_ =	sdelay $0x7  }
0xed: {  	[spmem:s2] =	stream.indirect_vreg.scatter.add.f32 [tilespmem:s10], [sflag:$0x4], $0x80, v0, vm0, $0xb8;
	[tilespmem:$0x1FF00] =	vst v63  }
0xee: {  	v0 =	vld [tilespmem:$0x4EC0];
	_ =	sdelay $0x7  }
0xef: {  	[spmem:s2] =	stream.indirect_vreg.scatter.add.f32 [tilespmem:s11], [sflag:$0x4], $0x80, v0, vm0, $0xb8;
	[tilespmem:$0x1FF00] =	vst v63  }
0xf0: {  	v0 =	vld [tilespmem:$0x4ED0];
	_ =	sdelay $0x7  }
0xf1: {  	[spmem:s2] =	stream.indirect_vreg.scatter.add.f32 [tilespmem:s12], [sflag:$0x4], $0x80, v0, vm0, $0xb8;
	[tilespmem:$0x1FF00] =	vst v63  }
0xf2: {  	_ =	swait.ge [sflag:s13], $0x3800  }
0xf3: {  	[sflag:s13] =	ssyncset.done $0x0  }
0xf4: {  	[sflag:s13] =	ssyncadd.s32 $0xFFFFC800  }
0xf5: {  	[bflag:$0x0] =	sbarrier.arrive $0xFFFF  }
0xf6: {  	s16 =	rddreg [dreg:$0x9]  }
0xf7: {  	[hbm:s16], [sflag:s14] =	dma.local [spmem:s15], $0x2800  }
0xf8: {  	_ =	swait.ge [sflag:s21], $0x2800  }
0xf9: {  	[sflag:s21] =	ssyncset.done $0x0  }
0xfa: {  	[sflag:s21] =	ssyncadd.s32 $0xFFFFD800  }
0xfb: {  	[bflag:$0x0] =	sbarrier.arrive $0xFFFF  }
0xfc: {  	s16 =	simm.s32 $0x0;
	s17 =	rddreg [dreg:$0xa]  }
0xfd: {  	[tilespmem:s16], [sflag:$0x5] =	stream.linear.gather [hbm4b:s17+s16], $0x2760, $0x38;
	[tilespmem:$0x1FF00] =	vst v63  }
0xfe: {  	_ =	swait.ge [sflag:s21], $0x2760  }
0xff: {  	[sflag:s21] =	ssyncset.done $0x0  }
0x100: {  	[sflag:s21] =	ssyncadd.s32 $0xFFFFD8A0  }
0x101: {  	[spmem:s15], [sflag:s14] =	dma.local [hbm:s5], $0x2800  }
0x102: {  	_ =	swait.ge [sflag:s21], $0x2800  }
0x103: {  	[sflag:s21] =	ssyncset.done $0x0  }
0x104: {  	[sflag:s21] =	ssyncadd.s32 $0xFFFFD800  }
0x105: {  	[bflag:$0x0] =	sbarrier.arrive $0xFFFF  }
0x106: {  	[tilespmem:s23], [sflag:$0x1] =	stream.indirect.gather [hbm4b:s4+s22], $0x80, s16, s22, $0xb8;
	[tilespmem:$0x1FF00] =	vst v63  }
0x107: {  	s18 =	simm.s32 $0x27F0;
	s17 =	simm.s32 $0xE0  }
0x108: {  	[tilespmem:s24], [sflag:$0x2] =	stream.indirect.gather [hbm4b:s4+s22], $0x80, s22, s22, $0xb8;
	[tilespmem:$0x1FF00] =	vst v63  }
.LBB2_6:
0x109: {  	_ =	swait.ge [sflag:s25], $0x3800  }
0x10a: {  	[sflag:s25] =	ssyncset.done $0x0  }
0x10b: {  	[sflag:s25] =	ssyncadd.s32 $0xFFFFC800  }
0x10c: {  	v0 =	vld [tilespmem:s18+$0xFFFFFF90];
	_ =	sdelay $0x7  }
0x10d: {  	[spmem:s2] =	stream.indirect_vreg.scatter.add.f32 [tilespmem:s23], [sflag:$0x3], $0x80, v0, vm0, $0xb8;
	[tilespmem:$0x1FF00] =	vst v63  }
0x10e: {  	v0 =	vld [tilespmem:s18+$0xFFFFFFA0];
	_ =	sdelay $0x7  }
0x10f: {  	[spmem:s2] =	stream.indirect_vreg.scatter.add.f32 [tilespmem:s26], [sflag:$0x3], $0x80, v0, vm0, $0xb8;
	[tilespmem:$0x1FF00] =	vst v63  }
0x110: {  	v0 =	vld [tilespmem:s18+$0xFFFFFFB0];
	_ =	sdelay $0x7  }
0x111: {  	[spmem:s2] =	stream.indirect_vreg.scatter.add.f32 [tilespmem:s28], [sflag:$0x3], $0x80, v0, vm0, $0xb8;
	[tilespmem:$0x1FF00] =	vst v63  }
0x112: {  	v0 =	vld [tilespmem:s18+$0xFFFFFFC0];
	_ =	sdelay $0x7  }
0x113: {  	[spmem:s2] =	stream.indirect_vreg.scatter.add.f32 [tilespmem:s29], [sflag:$0x3], $0x80, v0, vm0, $0xb8;
	[tilespmem:$0x1FF00] =	vst v63  }
0x114: {  	v0 =	vld [tilespmem:s18+$0xFFFFFFD0];
	_ =	sdelay $0x7  }
0x115: {  	[spmem:s2] =	stream.indirect_vreg.scatter.add.f32 [tilespmem:s30], [sflag:$0x3], $0x80, v0, vm0, $0xb8;
	[tilespmem:$0x1FF00] =	vst v63  }
0x116: {  	v0 =	vld [tilespmem:s18+$0xFFFFFFE0];
	_ =	sdelay $0x7  }
0x117: {  	[spmem:s2] =	stream.indirect_vreg.scatter.add.f32 [tilespmem:s31], [sflag:$0x3], $0x80, v0, vm0, $0xb8;
	[tilespmem:$0x1FF00] =	vst v63  }
0x118: {  	v0 =	vld [tilespmem:s18+$0xFFFFFFF0];
	_ =	sdelay $0x7  }
0x119: {  	[spmem:s2] =	stream.indirect_vreg.scatter.add.f32 [tilespmem:s0], [sflag:$0x3], $0x80, v0, vm0, $0xb8;
	[tilespmem:$0x1FF00] =	vst v63  }
0x11a: {  	_ =	swait.ge [sflag:s1], $0x3800  }
0x11b: {  	[sflag:s1] =	ssyncset.done $0x0  }
0x11c: {  	[sflag:s1] =	ssyncadd.s32 $0xFFFFC800  }
0x11d: {  	[tilespmem:s23], [sflag:$0x1] =	stream.indirect.gather [hbm4b:s4+s22], $0x80, s17, s22, $0xb8;
	[tilespmem:$0x1FF00] =	vst v63  }
0x11e: {  	_ =	swait.ge [sflag:s6], $0x3800  }
0x11f: {  	[sflag:s6] =	ssyncset.done $0x0  }
0x120: {  	[sflag:s6] =	ssyncadd.s32 $0xFFFFC800  }
0x121: {  	v63 =	vld [tilespmem:s18+$0x0];
	_ =	sdelay $0x6  }
0x122: {  	s19 =	sand.u32 $0x3FE0, s16  }
0x123: {  	[spmem:s2] =	stream.indirect_vreg.scatter.add.f32 [tilespmem:s24], [sflag:$0x4], $0x80, v63, vm0, $0xb8;
	[tilespmem:$0x1FF00] =	vst v63  }
0x124: {  	v0 =	vld [tilespmem:s19+$0x2800];
	_ =	sdelay $0x7  }
0x125: {  	[spmem:s2] =	stream.indirect_vreg.scatter.add.f32 [tilespmem:s7], [sflag:$0x4], $0x80, v0, vm0, $0xb8;
	[tilespmem:$0x1FF00] =	vst v63  }
0x126: {  	v0 =	vld [tilespmem:s18+$0x20];
	_ =	sdelay $0x7  }
0x127: {  	[spmem:s2] =	stream.indirect_vreg.scatter.add.f32 [tilespmem:s8], [sflag:$0x4], $0x80, v0, vm0, $0xb8;
	[tilespmem:$0x1FF00] =	vst v63  }
0x128: {  	v0 =	vld [tilespmem:s18+$0x30];
	_ =	sdelay $0x7  }
0x129: {  	[spmem:s2] =	stream.indirect_vreg.scatter.add.f32 [tilespmem:s9], [sflag:$0x4], $0x80, v0, vm0, $0xb8;
	[tilespmem:$0x1FF00] =	vst v63  }
0x12a: {  	v0 =	vld [tilespmem:s18+$0x40];
	_ =	sdelay $0x7  }
0x12b: {  	[spmem:s2] =	stream.indirect_vreg.scatter.add.f32 [tilespmem:s10], [sflag:$0x4], $0x80, v0, vm0, $0xb8;
	[tilespmem:$0x1FF00] =	vst v63  }
0x12c: {  	v0 =	vld [tilespmem:s18+$0x50];
	_ =	sdelay $0x7  }
0x12d: {  	[spmem:s2] =	stream.indirect_vreg.scatter.add.f32 [tilespmem:s11], [sflag:$0x4], $0x80, v0, vm0, $0xb8;
	[tilespmem:$0x1FF00] =	vst v63  }
0x12e: {  	v0 =	vld [tilespmem:s18+$0x60];
	_ =	sdelay $0x6  }
0x12f: {  	p0 =	sne.s32 s16, $0x25A0  }
0x130: {  	[spmem:s2] =	stream.indirect_vreg.scatter.add.f32 [tilespmem:s12], [sflag:$0x4], $0x80, v0, vm0, $0xb8;
	[tilespmem:$0x1FF00] =	vst v63  }
.Ltmp2:
0x131: {  	_ = 	snop;
	(pc) =	sbr.rel @p0 .LBB2_6-.Ltmp2, $4  }
0x132: {  	_ =	swait.ge [sflag:s13], $0x3800  }
0x133: {  	s16 =	sadd.s32 $0xE0, s16;
	s19 =	sadd.s32 $0x70, s17;
	[sflag:s13] =	ssyncset.done $0x0  }
0x134: {  	s17 =	sadd.s32 $0xE0, s17;
	s18 =	sadd.s32 $0xE0, s18;
	[sflag:s13] =	ssyncadd.s32 $0xFFFFC800  }
0x135: {  	[tilespmem:s24], [sflag:$0x2] =	stream.indirect.gather [hbm4b:s4+s22], $0x80, s19, s22, $0xb8;
	[tilespmem:$0x1FF00] =	vst v63  }
0x136: {  	_ =	swait.ge [sflag:s25], $0x3800  }
0x137: {  	[sflag:s25] =	ssyncset.done $0x0  }
0x138: {  	[sflag:s25] =	ssyncadd.s32 $0xFFFFC800  }
0x139: {  	v0 =	vld [tilespmem:$0x4E00];
	_ =	sdelay $0x7  }
0x13a: {  	[spmem:s2] =	stream.indirect_vreg.scatter.add.f32 [tilespmem:s23], [sflag:$0x3], $0x80, v0, vm0, $0xb8;
	[tilespmem:$0x1FF00] =	vst v63  }
0x13b: {  	v0 =	vld [tilespmem:$0x4E10];
	_ =	sdelay $0x7  }
0x13c: {  	[spmem:s2] =	stream.indirect_vreg.scatter.add.f32 [tilespmem:s26], [sflag:$0x3], $0x80, v0, vm0, $0xb8;
	[tilespmem:$0x1FF00] =	vst v63  }
0x13d: {  	v0 =	vld [tilespmem:$0x4E20];
	_ =	sdelay $0x7  }
0x13e: {  	[spmem:s2] =	stream.indirect_vreg.scatter.add.f32 [tilespmem:s28], [sflag:$0x3], $0x80, v0, vm0, $0xb8;
	[tilespmem:$0x1FF00] =	vst v63  }
0x13f: {  	v0 =	vld [tilespmem:$0x4E30];
	_ =	sdelay $0x7  }
0x140: {  	[spmem:s2] =	stream.indirect_vreg.scatter.add.f32 [tilespmem:s29], [sflag:$0x3], $0x80, v0, vm0, $0xb8;
	[tilespmem:$0x1FF00] =	vst v63  }
0x141: {  	v0 =	vld [tilespmem:$0x4E40];
	_ =	sdelay $0x7  }
0x142: {  	[spmem:s2] =	stream.indirect_vreg.scatter.add.f32 [tilespmem:s30], [sflag:$0x3], $0x80, v0, vm0, $0xb8;
	[tilespmem:$0x1FF00] =	vst v63  }
0x143: {  	v0 =	vld [tilespmem:$0x4E50];
	_ =	sdelay $0x7  }
0x144: {  	[spmem:s2] =	stream.indirect_vreg.scatter.add.f32 [tilespmem:s31], [sflag:$0x3], $0x80, v0, vm0, $0xb8;
	[tilespmem:$0x1FF00] =	vst v63  }
0x145: {  	v0 =	vld [tilespmem:$0x4E60];
	_ =	sdelay $0x7  }
0x146: {  	[spmem:s2] =	stream.indirect_vreg.scatter.add.f32 [tilespmem:s0], [sflag:$0x3], $0x80, v0, vm0, $0xb8;
	[tilespmem:$0x1FF00] =	vst v63  }
0x147: {  	_ =	swait.ge [sflag:s1], $0x3800  }
0x148: {  	[sflag:s1] =	ssyncset.done $0x0  }
0x149: {  	[sflag:s1] =	ssyncadd.s32 $0xFFFFC800  }
0x14a: {  	_ =	swait.ge [sflag:s6], $0x3800  }
0x14b: {  	[sflag:s6] =	ssyncset.done $0x0  }
0x14c: {  	[sflag:s6] =	ssyncadd.s32 $0xFFFFC800  }
0x14d: {  	v63 =	vld [tilespmem:$0x4E70];
	_ =	sdelay $0x7  }
0x14e: {  	[spmem:s2] =	stream.indirect_vreg.scatter.add.f32 [tilespmem:s24], [sflag:$0x4], $0x80, v63, vm0, $0xb8;
	[tilespmem:$0x1FF00] =	vst v63  }
0x14f: {  	v0 =	vld [tilespmem:$0x4E80];
	_ =	sdelay $0x7  }
0x150: {  	[spmem:s2] =	stream.indirect_vreg.scatter.add.f32 [tilespmem:s7], [sflag:$0x4], $0x80, v0, vm0, $0xb8;
	[tilespmem:$0x1FF00] =	vst v63  }
0x151: {  	v0 =	vld [tilespmem:$0x4E90];
	_ =	sdelay $0x7  }
0x152: {  	[spmem:s2] =	stream.indirect_vreg.scatter.add.f32 [tilespmem:s8], [sflag:$0x4], $0x80, v0, vm0, $0xb8;
	[tilespmem:$0x1FF00] =	vst v63  }
0x153: {  	v0 =	vld [tilespmem:$0x4EA0];
	_ =	sdelay $0x7  }
0x154: {  	[spmem:s2] =	stream.indirect_vreg.scatter.add.f32 [tilespmem:s9], [sflag:$0x4], $0x80, v0, vm0, $0xb8;
	[tilespmem:$0x1FF00] =	vst v63  }
0x155: {  	v0 =	vld [tilespmem:$0x4EB0];
	_ =	sdelay $0x7  }
0x156: {  	[spmem:s2] =	stream.indirect_vreg.scatter.add.f32 [tilespmem:s10], [sflag:$0x4], $0x80, v0, vm0, $0xb8;
	[tilespmem:$0x1FF00] =	vst v63  }
0x157: {  	v0 =	vld [tilespmem:$0x4EC0];
	_ =	sdelay $0x7  }
0x158: {  	[spmem:s2] =	stream.indirect_vreg.scatter.add.f32 [tilespmem:s11], [sflag:$0x4], $0x80, v0, vm0, $0xb8;
	[tilespmem:$0x1FF00] =	vst v63  }
0x159: {  	v0 =	vld [tilespmem:$0x4ED0];
	_ =	sdelay $0x7  }
0x15a: {  	[spmem:s2] =	stream.indirect_vreg.scatter.add.f32 [tilespmem:s12], [sflag:$0x4], $0x80, v0, vm0, $0xb8;
	[tilespmem:$0x1FF00] =	vst v63  }
0x15b: {  	_ =	swait.ge [sflag:s13], $0x3800  }
0x15c: {  	[sflag:s13] =	ssyncset.done $0x0  }
0x15d: {  	[sflag:s13] =	ssyncadd.s32 $0xFFFFC800  }
0x15e: {  	[bflag:$0x0] =	sbarrier.arrive $0xFFFF  }
0x15f: {  	s16 =	rddreg [dreg:$0xb]  }
0x160: {  	[hbm:s16], [sflag:s14] =	dma.local [spmem:s15], $0x2800  }
0x161: {  	_ =	swait.ge [sflag:s21], $0x2800  }
0x162: {  	[sflag:s21] =	ssyncset.done $0x0  }
0x163: {  	[sflag:s21] =	ssyncadd.s32 $0xFFFFD800  }
0x164: {  	[bflag:$0x0] =	sbarrier.arrive $0xFFFF  }
0x165: {  	s16 =	simm.s32 $0x0;
	s17 =	rddreg [dreg:$0xc]  }
0x166: {  	[tilespmem:s16], [sflag:$0x5] =	stream.linear.gather [hbm4b:s17+s16], $0x2760, $0x38;
	[tilespmem:$0x1FF00] =	vst v63  }
0x167: {  	_ =	swait.ge [sflag:s21], $0x2760  }
0x168: {  	[sflag:s21] =	ssyncset.done $0x0  }
0x169: {  	[sflag:s21] =	ssyncadd.s32 $0xFFFFD8A0  }
0x16a: {  	[spmem:s15], [sflag:s14] =	dma.local [hbm:s5], $0x2800  }
0x16b: {  	_ =	swait.ge [sflag:s21], $0x2800  }
0x16c: {  	[sflag:s21] =	ssyncset.done $0x0  }
0x16d: {  	[sflag:s21] =	ssyncadd.s32 $0xFFFFD800  }
0x16e: {  	[bflag:$0x0] =	sbarrier.arrive $0xFFFF  }
0x16f: {  	[tilespmem:s23], [sflag:$0x1] =	stream.indirect.gather [hbm4b:s4+s22], $0x80, s16, s22, $0xb8;
	[tilespmem:$0x1FF00] =	vst v63  }
0x170: {  	s18 =	simm.s32 $0x27F0;
	s17 =	simm.s32 $0xE0  }
0x171: {  	[tilespmem:s24], [sflag:$0x2] =	stream.indirect.gather [hbm4b:s4+s22], $0x80, s22, s22, $0xb8;
	[tilespmem:$0x1FF00] =	vst v63  }
.LBB2_8:
0x172: {  	_ =	swait.ge [sflag:s25], $0x3800  }
0x173: {  	[sflag:s25] =	ssyncset.done $0x0  }
0x174: {  	[sflag:s25] =	ssyncadd.s32 $0xFFFFC800  }
0x175: {  	v0 =	vld [tilespmem:s18+$0xFFFFFF90];
	_ =	sdelay $0x7  }
0x176: {  	[spmem:s2] =	stream.indirect_vreg.scatter.add.f32 [tilespmem:s23], [sflag:$0x3], $0x80, v0, vm0, $0xb8;
	[tilespmem:$0x1FF00] =	vst v63  }
0x177: {  	v0 =	vld [tilespmem:s18+$0xFFFFFFA0];
	_ =	sdelay $0x7  }
0x178: {  	[spmem:s2] =	stream.indirect_vreg.scatter.add.f32 [tilespmem:s26], [sflag:$0x3], $0x80, v0, vm0, $0xb8;
	[tilespmem:$0x1FF00] =	vst v63  }
0x179: {  	v0 =	vld [tilespmem:s18+$0xFFFFFFB0];
	_ =	sdelay $0x7  }
0x17a: {  	[spmem:s2] =	stream.indirect_vreg.scatter.add.f32 [tilespmem:s28], [sflag:$0x3], $0x80, v0, vm0, $0xb8;
	[tilespmem:$0x1FF00] =	vst v63  }
0x17b: {  	v0 =	vld [tilespmem:s18+$0xFFFFFFC0];
	_ =	sdelay $0x7  }
0x17c: {  	[spmem:s2] =	stream.indirect_vreg.scatter.add.f32 [tilespmem:s29], [sflag:$0x3], $0x80, v0, vm0, $0xb8;
	[tilespmem:$0x1FF00] =	vst v63  }
0x17d: {  	v0 =	vld [tilespmem:s18+$0xFFFFFFD0];
	_ =	sdelay $0x7  }
0x17e: {  	[spmem:s2] =	stream.indirect_vreg.scatter.add.f32 [tilespmem:s30], [sflag:$0x3], $0x80, v0, vm0, $0xb8;
	[tilespmem:$0x1FF00] =	vst v63  }
0x17f: {  	v0 =	vld [tilespmem:s18+$0xFFFFFFE0];
	_ =	sdelay $0x7  }
0x180: {  	[spmem:s2] =	stream.indirect_vreg.scatter.add.f32 [tilespmem:s31], [sflag:$0x3], $0x80, v0, vm0, $0xb8;
	[tilespmem:$0x1FF00] =	vst v63  }
0x181: {  	v0 =	vld [tilespmem:s18+$0xFFFFFFF0];
	_ =	sdelay $0x7  }
0x182: {  	[spmem:s2] =	stream.indirect_vreg.scatter.add.f32 [tilespmem:s0], [sflag:$0x3], $0x80, v0, vm0, $0xb8;
	[tilespmem:$0x1FF00] =	vst v63  }
0x183: {  	_ =	swait.ge [sflag:s1], $0x3800  }
0x184: {  	[sflag:s1] =	ssyncset.done $0x0  }
0x185: {  	[sflag:s1] =	ssyncadd.s32 $0xFFFFC800  }
0x186: {  	[tilespmem:s23], [sflag:$0x1] =	stream.indirect.gather [hbm4b:s4+s22], $0x80, s17, s22, $0xb8;
	[tilespmem:$0x1FF00] =	vst v63  }
0x187: {  	_ =	swait.ge [sflag:s6], $0x3800  }
0x188: {  	[sflag:s6] =	ssyncset.done $0x0  }
0x189: {  	[sflag:s6] =	ssyncadd.s32 $0xFFFFC800  }
0x18a: {  	v63 =	vld [tilespmem:s18+$0x0];
	_ =	sdelay $0x6  }
0x18b: {  	s19 =	sand.u32 $0x3FE0, s16  }
0x18c: {  	[spmem:s2] =	stream.indirect_vreg.scatter.add.f32 [tilespmem:s24], [sflag:$0x4], $0x80, v63, vm0, $0xb8;
	[tilespmem:$0x1FF00] =	vst v63  }
0x18d: {  	v0 =	vld [tilespmem:s19+$0x2800];
	_ =	sdelay $0x7  }
0x18e: {  	[spmem:s2] =	stream.indirect_vreg.scatter.add.f32 [tilespmem:s7], [sflag:$0x4], $0x80, v0, vm0, $0xb8;
	[tilespmem:$0x1FF00] =	vst v63  }
0x18f: {  	v0 =	vld [tilespmem:s18+$0x20];
	_ =	sdelay $0x7  }
0x190: {  	[spmem:s2] =	stream.indirect_vreg.scatter.add.f32 [tilespmem:s8], [sflag:$0x4], $0x80, v0, vm0, $0xb8;
	[tilespmem:$0x1FF00] =	vst v63  }
0x191: {  	v0 =	vld [tilespmem:s18+$0x30];
	_ =	sdelay $0x7  }
0x192: {  	[spmem:s2] =	stream.indirect_vreg.scatter.add.f32 [tilespmem:s9], [sflag:$0x4], $0x80, v0, vm0, $0xb8;
	[tilespmem:$0x1FF00] =	vst v63  }
0x193: {  	v0 =	vld [tilespmem:s18+$0x40];
	_ =	sdelay $0x7  }
0x194: {  	[spmem:s2] =	stream.indirect_vreg.scatter.add.f32 [tilespmem:s10], [sflag:$0x4], $0x80, v0, vm0, $0xb8;
	[tilespmem:$0x1FF00] =	vst v63  }
0x195: {  	v0 =	vld [tilespmem:s18+$0x50];
	_ =	sdelay $0x7  }
0x196: {  	[spmem:s2] =	stream.indirect_vreg.scatter.add.f32 [tilespmem:s11], [sflag:$0x4], $0x80, v0, vm0, $0xb8;
	[tilespmem:$0x1FF00] =	vst v63  }
0x197: {  	v0 =	vld [tilespmem:s18+$0x60];
	_ =	sdelay $0x6  }
0x198: {  	p0 =	sne.s32 s16, $0x25A0  }
0x199: {  	[spmem:s2] =	stream.indirect_vreg.scatter.add.f32 [tilespmem:s12], [sflag:$0x4], $0x80, v0, vm0, $0xb8;
	[tilespmem:$0x1FF00] =	vst v63  }
.Ltmp3:
0x19a: {  	_ = 	snop;
	(pc) =	sbr.rel @p0 .LBB2_8-.Ltmp3, $4  }
0x19b: {  	_ =	swait.ge [sflag:s13], $0x3800  }
0x19c: {  	s16 =	sadd.s32 $0xE0, s16;
	s19 =	sadd.s32 $0x70, s17;
	[sflag:s13] =	ssyncset.done $0x0  }
0x19d: {  	s17 =	sadd.s32 $0xE0, s17;
	s18 =	sadd.s32 $0xE0, s18;
	[sflag:s13] =	ssyncadd.s32 $0xFFFFC800  }
0x19e: {  	[tilespmem:s24], [sflag:$0x2] =	stream.indirect.gather [hbm4b:s4+s22], $0x80, s19, s22, $0xb8;
	[tilespmem:$0x1FF00] =	vst v63  }
0x19f: {  	_ =	swait.ge [sflag:s25], $0x3800  }
0x1a0: {  	[sflag:s25] =	ssyncset.done $0x0  }
0x1a1: {  	[sflag:s25] =	ssyncadd.s32 $0xFFFFC800  }
0x1a2: {  	v0 =	vld [tilespmem:$0x4E00];
	_ =	sdelay $0x7  }
0x1a3: {  	[spmem:s2] =	stream.indirect_vreg.scatter.add.f32 [tilespmem:s23], [sflag:$0x3], $0x80, v0, vm0, $0xb8;
	[tilespmem:$0x1FF00] =	vst v63  }
0x1a4: {  	v0 =	vld [tilespmem:$0x4E10];
	_ =	sdelay $0x7  }
0x1a5: {  	[spmem:s2] =	stream.indirect_vreg.scatter.add.f32 [tilespmem:s26], [sflag:$0x3], $0x80, v0, vm0, $0xb8;
	[tilespmem:$0x1FF00] =	vst v63  }
0x1a6: {  	v0 =	vld [tilespmem:$0x4E20];
	_ =	sdelay $0x7  }
0x1a7: {  	[spmem:s2] =	stream.indirect_vreg.scatter.add.f32 [tilespmem:s28], [sflag:$0x3], $0x80, v0, vm0, $0xb8;
	[tilespmem:$0x1FF00] =	vst v63  }
0x1a8: {  	v0 =	vld [tilespmem:$0x4E30];
	_ =	sdelay $0x7  }
0x1a9: {  	[spmem:s2] =	stream.indirect_vreg.scatter.add.f32 [tilespmem:s29], [sflag:$0x3], $0x80, v0, vm0, $0xb8;
	[tilespmem:$0x1FF00] =	vst v63  }
0x1aa: {  	v0 =	vld [tilespmem:$0x4E40];
	_ =	sdelay $0x7  }
0x1ab: {  	[spmem:s2] =	stream.indirect_vreg.scatter.add.f32 [tilespmem:s30], [sflag:$0x3], $0x80, v0, vm0, $0xb8;
	[tilespmem:$0x1FF00] =	vst v63  }
0x1ac: {  	v0 =	vld [tilespmem:$0x4E50];
	_ =	sdelay $0x7  }
0x1ad: {  	[spmem:s2] =	stream.indirect_vreg.scatter.add.f32 [tilespmem:s31], [sflag:$0x3], $0x80, v0, vm0, $0xb8;
	[tilespmem:$0x1FF00] =	vst v63  }
0x1ae: {  	v0 =	vld [tilespmem:$0x4E60];
	_ =	sdelay $0x7  }
0x1af: {  	[spmem:s2] =	stream.indirect_vreg.scatter.add.f32 [tilespmem:s0], [sflag:$0x3], $0x80, v0, vm0, $0xb8;
	[tilespmem:$0x1FF00] =	vst v63  }
0x1b0: {  	_ =	swait.ge [sflag:s1], $0x3800  }
0x1b1: {  	[sflag:s1] =	ssyncset.done $0x0  }
0x1b2: {  	[sflag:s1] =	ssyncadd.s32 $0xFFFFC800  }
0x1b3: {  	_ =	swait.ge [sflag:s6], $0x3800  }
0x1b4: {  	[sflag:s6] =	ssyncset.done $0x0  }
0x1b5: {  	[sflag:s6] =	ssyncadd.s32 $0xFFFFC800  }
0x1b6: {  	v63 =	vld [tilespmem:$0x4E70];
	_ =	sdelay $0x7  }
0x1b7: {  	[spmem:s2] =	stream.indirect_vreg.scatter.add.f32 [tilespmem:s24], [sflag:$0x4], $0x80, v63, vm0, $0xb8;
	[tilespmem:$0x1FF00] =	vst v63  }
0x1b8: {  	v0 =	vld [tilespmem:$0x4E80];
	_ =	sdelay $0x7  }
0x1b9: {  	[spmem:s2] =	stream.indirect_vreg.scatter.add.f32 [tilespmem:s7], [sflag:$0x4], $0x80, v0, vm0, $0xb8;
	[tilespmem:$0x1FF00] =	vst v63  }
0x1ba: {  	v0 =	vld [tilespmem:$0x4E90];
	_ =	sdelay $0x7  }
0x1bb: {  	[spmem:s2] =	stream.indirect_vreg.scatter.add.f32 [tilespmem:s8], [sflag:$0x4], $0x80, v0, vm0, $0xb8;
	[tilespmem:$0x1FF00] =	vst v63  }
0x1bc: {  	v0 =	vld [tilespmem:$0x4EA0];
	_ =	sdelay $0x7  }
0x1bd: {  	[spmem:s2] =	stream.indirect_vreg.scatter.add.f32 [tilespmem:s9], [sflag:$0x4], $0x80, v0, vm0, $0xb8;
	[tilespmem:$0x1FF00] =	vst v63  }
0x1be: {  	v0 =	vld [tilespmem:$0x4EB0];
	_ =	sdelay $0x7  }
0x1bf: {  	[spmem:s2] =	stream.indirect_vreg.scatter.add.f32 [tilespmem:s10], [sflag:$0x4], $0x80, v0, vm0, $0xb8;
	[tilespmem:$0x1FF00] =	vst v63  }
0x1c0: {  	v0 =	vld [tilespmem:$0x4EC0];
	_ =	sdelay $0x7  }
0x1c1: {  	[spmem:s2] =	stream.indirect_vreg.scatter.add.f32 [tilespmem:s11], [sflag:$0x4], $0x80, v0, vm0, $0xb8;
	[tilespmem:$0x1FF00] =	vst v63  }
0x1c2: {  	v0 =	vld [tilespmem:$0x4ED0];
	_ =	sdelay $0x7  }
0x1c3: {  	[spmem:s2] =	stream.indirect_vreg.scatter.add.f32 [tilespmem:s12], [sflag:$0x4], $0x80, v0, vm0, $0xb8;
	[tilespmem:$0x1FF00] =	vst v63  }
0x1c4: {  	_ =	swait.ge [sflag:s13], $0x3800  }
0x1c5: {  	[sflag:s13] =	ssyncset.done $0x0  }
0x1c6: {  	[sflag:s13] =	ssyncadd.s32 $0xFFFFC800  }
0x1c7: {  	[bflag:$0x0] =	sbarrier.arrive $0xFFFF  }
0x1c8: {  	s16 =	rddreg [dreg:$0xd]  }
0x1c9: {  	[hbm:s16], [sflag:s14] =	dma.local [spmem:s15], $0x2800  }
0x1ca: {  	_ =	swait.ge [sflag:s21], $0x2800  }
0x1cb: {  	[sflag:s21] =	ssyncset.done $0x0  }
0x1cc: {  	[sflag:s21] =	ssyncadd.s32 $0xFFFFD800  }
0x1cd: {  	[bflag:$0x0] =	sbarrier.arrive $0xFFFF  }
0x1ce: {  	s16 =	simm.s32 $0x0;
	s17 =	rddreg [dreg:$0xe]  }
0x1cf: {  	[tilespmem:s16], [sflag:$0x5] =	stream.linear.gather [hbm4b:s17+s16], $0x1420, $0x38;
	[tilespmem:$0x1FF00] =	vst v63  }
0x1d0: {  	_ =	swait.ge [sflag:s21], $0x1420  }
0x1d1: {  	[sflag:s21] =	ssyncset.done $0x0  }
0x1d2: {  	s18 =	simm.s32 $0x2780;
	s19 =	rddreg [dreg:$0xf];
	[sflag:s21] =	ssyncadd.s32 $0xFFFFEBE0  }
0x1d3: {  	[tilespmem:s18], [sflag:$0x5] =	stream.linear.gather [hbm4b:s19+s16], $0x1420, $0x38;
	[tilespmem:$0x1FF00] =	vst v63  }
0x1d4: {  	_ =	swait.ge [sflag:s21], $0x1420  }
0x1d5: {  	[sflag:s21] =	ssyncset.done $0x0  }
0x1d6: {  	[sflag:s21] =	ssyncadd.s32 $0xFFFFEBE0  }
0x1d7: {  	[spmem:s15], [sflag:s14] =	dma.local [hbm:s5], $0x2800  }
0x1d8: {  	_ =	swait.ge [sflag:s21], $0x2800  }
0x1d9: {  	[sflag:s21] =	ssyncset.done $0x0  }
0x1da: {  	[sflag:s21] =	ssyncadd.s32 $0xFFFFD800  }
0x1db: {  	[bflag:$0x0] =	sbarrier.arrive $0xFFFF  }
0x1dc: {  	[tilespmem:s23], [sflag:$0x1] =	stream.indirect.gather [hbm4b:s4+s22], $0x80, s16, s22, $0xb8;
	[tilespmem:$0x1FF00] =	vst v63  }
0x1dd: {  	s17 =	simm.s32 $0xE0;
	s18 =	simm.s32 $0x27F0  }
0x1de: {  	[tilespmem:s24], [sflag:$0x2] =	stream.indirect.gather [hbm4b:s4+s22], $0x80, s22, s22, $0xb8;
	[tilespmem:$0x1FF00] =	vst v63  }
.LBB2_10:
0x1df: {  	_ =	swait.ge [sflag:s25], $0x3800  }
0x1e0: {  	[sflag:s25] =	ssyncset.done $0x0  }
0x1e1: {  	[sflag:s25] =	ssyncadd.s32 $0xFFFFC800  }
0x1e2: {  	v0 =	vld [tilespmem:s18+$0xFFFFFF90];
	_ =	sdelay $0x7  }
0x1e3: {  	[spmem:s2] =	stream.indirect_vreg.scatter.add.f32 [tilespmem:s23], [sflag:$0x3], $0x80, v0, vm0, $0xb8;
	[tilespmem:$0x1FF00] =	vst v63  }
0x1e4: {  	v0 =	vld [tilespmem:s18+$0xFFFFFFA0];
	_ =	sdelay $0x7  }
0x1e5: {  	[spmem:s2] =	stream.indirect_vreg.scatter.add.f32 [tilespmem:s26], [sflag:$0x3], $0x80, v0, vm0, $0xb8;
	[tilespmem:$0x1FF00] =	vst v63  }
0x1e6: {  	v0 =	vld [tilespmem:s18+$0xFFFFFFB0];
	_ =	sdelay $0x7  }
0x1e7: {  	[spmem:s2] =	stream.indirect_vreg.scatter.add.f32 [tilespmem:s28], [sflag:$0x3], $0x80, v0, vm0, $0xb8;
	[tilespmem:$0x1FF00] =	vst v63  }
0x1e8: {  	v0 =	vld [tilespmem:s18+$0xFFFFFFC0];
	_ =	sdelay $0x7  }
0x1e9: {  	[spmem:s2] =	stream.indirect_vreg.scatter.add.f32 [tilespmem:s29], [sflag:$0x3], $0x80, v0, vm0, $0xb8;
	[tilespmem:$0x1FF00] =	vst v63  }
0x1ea: {  	v0 =	vld [tilespmem:s18+$0xFFFFFFD0];
	_ =	sdelay $0x7  }
0x1eb: {  	[spmem:s2] =	stream.indirect_vreg.scatter.add.f32 [tilespmem:s30], [sflag:$0x3], $0x80, v0, vm0, $0xb8;
	[tilespmem:$0x1FF00] =	vst v63  }
0x1ec: {  	v0 =	vld [tilespmem:s18+$0xFFFFFFE0];
	_ =	sdelay $0x7  }
0x1ed: {  	[spmem:s2] =	stream.indirect_vreg.scatter.add.f32 [tilespmem:s31], [sflag:$0x3], $0x80, v0, vm0, $0xb8;
	[tilespmem:$0x1FF00] =	vst v63  }
0x1ee: {  	v0 =	vld [tilespmem:s18+$0xFFFFFFF0];
	_ =	sdelay $0x7  }
0x1ef: {  	[spmem:s2] =	stream.indirect_vreg.scatter.add.f32 [tilespmem:s0], [sflag:$0x3], $0x80, v0, vm0, $0xb8;
	[tilespmem:$0x1FF00] =	vst v63  }
0x1f0: {  	_ =	swait.ge [sflag:s1], $0x3800  }
0x1f1: {  	[sflag:s1] =	ssyncset.done $0x0  }
0x1f2: {  	[sflag:s1] =	ssyncadd.s32 $0xFFFFC800  }
0x1f3: {  	[tilespmem:s23], [sflag:$0x1] =	stream.indirect.gather [hbm4b:s4+s22], $0x80, s17, s22, $0xb8;
	[tilespmem:$0x1FF00] =	vst v63  }
0x1f4: {  	_ =	swait.ge [sflag:s6], $0x3800  }
0x1f5: {  	[sflag:s6] =	ssyncset.done $0x0  }
0x1f6: {  	[sflag:s6] =	ssyncadd.s32 $0xFFFFC800  }
0x1f7: {  	v63 =	vld [tilespmem:s18+$0x0];
	_ =	sdelay $0x6  }
0x1f8: {  	s19 =	sand.u32 $0x1FE0, s16  }
0x1f9: {  	[spmem:s2] =	stream.indirect_vreg.scatter.add.f32 [tilespmem:s24], [sflag:$0x4], $0x80, v63, vm0, $0xb8;
	[tilespmem:$0x1FF00] =	vst v63  }
0x1fa: {  	v0 =	vld [tilespmem:s19+$0x2800];
	_ =	sdelay $0x7  }
0x1fb: {  	[spmem:s2] =	stream.indirect_vreg.scatter.add.f32 [tilespmem:s7], [sflag:$0x4], $0x80, v0, vm0, $0xb8;
	[tilespmem:$0x1FF00] =	vst v63  }
0x1fc: {  	v0 =	vld [tilespmem:s18+$0x20];
	_ =	sdelay $0x7  }
0x1fd: {  	[spmem:s2] =	stream.indirect_vreg.scatter.add.f32 [tilespmem:s8], [sflag:$0x4], $0x80, v0, vm0, $0xb8;
	[tilespmem:$0x1FF00] =	vst v63  }
0x1fe: {  	v0 =	vld [tilespmem:s18+$0x30];
	_ =	sdelay $0x7  }
0x1ff: {  	[spmem:s2] =	stream.indirect_vreg.scatter.add.f32 [tilespmem:s9], [sflag:$0x4], $0x80, v0, vm0, $0xb8;
	[tilespmem:$0x1FF00] =	vst v63  }
0x200: {  	v0 =	vld [tilespmem:s18+$0x40];
	_ =	sdelay $0x7  }
0x201: {  	[spmem:s2] =	stream.indirect_vreg.scatter.add.f32 [tilespmem:s10], [sflag:$0x4], $0x80, v0, vm0, $0xb8;
	[tilespmem:$0x1FF00] =	vst v63  }
0x202: {  	v0 =	vld [tilespmem:s18+$0x50];
	_ =	sdelay $0x7  }
0x203: {  	[spmem:s2] =	stream.indirect_vreg.scatter.add.f32 [tilespmem:s11], [sflag:$0x4], $0x80, v0, vm0, $0xb8;
	[tilespmem:$0x1FF00] =	vst v63  }
0x204: {  	v0 =	vld [tilespmem:s18+$0x60];
	_ =	sdelay $0x6  }
0x205: {  	p0 =	sne.s32 s16, $0x1260  }
0x206: {  	[spmem:s2] =	stream.indirect_vreg.scatter.add.f32 [tilespmem:s12], [sflag:$0x4], $0x80, v0, vm0, $0xb8;
	[tilespmem:$0x1FF00] =	vst v63  }
.Ltmp4:
0x207: {  	_ = 	snop;
	(pc) =	sbr.rel @p0 .LBB2_10-.Ltmp4, $4  }
0x208: {  	_ =	swait.ge [sflag:s13], $0x3800  }
0x209: {  	s16 =	sadd.s32 $0xE0, s16;
	s19 =	sadd.s32 $0x70, s17;
	[sflag:s13] =	ssyncset.done $0x0  }
0x20a: {  	s17 =	sadd.s32 $0xE0, s17;
	s18 =	sadd.s32 $0xE0, s18;
	[sflag:s13] =	ssyncadd.s32 $0xFFFFC800  }
0x20b: {  	[tilespmem:s24], [sflag:$0x2] =	stream.indirect.gather [hbm4b:s4+s22], $0x80, s19, s22, $0xb8;
	[tilespmem:$0x1FF00] =	vst v63  }
0x20c: {  	_ =	swait.ge [sflag:s25], $0x3800  }
0x20d: {  	[sflag:s25] =	ssyncset.done $0x0  }
0x20e: {  	[sflag:s25] =	ssyncadd.s32 $0xFFFFC800  }
0x20f: {  	v0 =	vld [tilespmem:$0x3AC0];
	_ =	sdelay $0x7  }
0x210: {  	[spmem:s2] =	stream.indirect_vreg.scatter.add.f32 [tilespmem:s23], [sflag:$0x3], $0x80, v0, vm0, $0xb8;
	[tilespmem:$0x1FF00] =	vst v63  }
0x211: {  	v0 =	vld [tilespmem:$0x3AD0];
	_ =	sdelay $0x7  }
0x212: {  	[spmem:s2] =	stream.indirect_vreg.scatter.add.f32 [tilespmem:s26], [sflag:$0x3], $0x80, v0, vm0, $0xb8;
	[tilespmem:$0x1FF00] =	vst v63  }
0x213: {  	v0 =	vld [tilespmem:$0x3AE0];
	_ =	sdelay $0x7  }
0x214: {  	[spmem:s2] =	stream.indirect_vreg.scatter.add.f32 [tilespmem:s28], [sflag:$0x3], $0x80, v0, vm0, $0xb8;
	[tilespmem:$0x1FF00] =	vst v63  }
0x215: {  	v0 =	vld [tilespmem:$0x3AF0];
	_ =	sdelay $0x7  }
0x216: {  	[spmem:s2] =	stream.indirect_vreg.scatter.add.f32 [tilespmem:s29], [sflag:$0x3], $0x80, v0, vm0, $0xb8;
	[tilespmem:$0x1FF00] =	vst v63  }
0x217: {  	v0 =	vld [tilespmem:$0x3B00];
	_ =	sdelay $0x7  }
0x218: {  	[spmem:s2] =	stream.indirect_vreg.scatter.add.f32 [tilespmem:s30], [sflag:$0x3], $0x80, v0, vm0, $0xb8;
	[tilespmem:$0x1FF00] =	vst v63  }
0x219: {  	v0 =	vld [tilespmem:$0x3B10];
	_ =	sdelay $0x7  }
0x21a: {  	[spmem:s2] =	stream.indirect_vreg.scatter.add.f32 [tilespmem:s31], [sflag:$0x3], $0x80, v0, vm0, $0xb8;
	[tilespmem:$0x1FF00] =	vst v63  }
0x21b: {  	v0 =	vld [tilespmem:$0x3B20];
	_ =	sdelay $0x7  }
0x21c: {  	[spmem:s2] =	stream.indirect_vreg.scatter.add.f32 [tilespmem:s0], [sflag:$0x3], $0x80, v0, vm0, $0xb8;
	[tilespmem:$0x1FF00] =	vst v63  }
0x21d: {  	_ =	swait.ge [sflag:s1], $0x3800  }
0x21e: {  	[sflag:s1] =	ssyncset.done $0x0  }
0x21f: {  	[sflag:s1] =	ssyncadd.s32 $0xFFFFC800  }
0x220: {  	_ =	swait.ge [sflag:s6], $0x3800  }
0x221: {  	[sflag:s6] =	ssyncset.done $0x0  }
0x222: {  	[sflag:s6] =	ssyncadd.s32 $0xFFFFC800  }
0x223: {  	v63 =	vld [tilespmem:$0x3B30];
	_ =	sdelay $0x7  }
0x224: {  	[spmem:s2] =	stream.indirect_vreg.scatter.add.f32 [tilespmem:s24], [sflag:$0x4], $0x80, v63, vm0, $0xb8;
	[tilespmem:$0x1FF00] =	vst v63  }
0x225: {  	v0 =	vld [tilespmem:$0x3B40];
	_ =	sdelay $0x7  }
0x226: {  	[spmem:s2] =	stream.indirect_vreg.scatter.add.f32 [tilespmem:s7], [sflag:$0x4], $0x80, v0, vm0, $0xb8;
	[tilespmem:$0x1FF00] =	vst v63  }
0x227: {  	v0 =	vld [tilespmem:$0x3B50];
	_ =	sdelay $0x7  }
0x228: {  	[spmem:s2] =	stream.indirect_vreg.scatter.add.f32 [tilespmem:s8], [sflag:$0x4], $0x80, v0, vm0, $0xb8;
	[tilespmem:$0x1FF00] =	vst v63  }
0x229: {  	v0 =	vld [tilespmem:$0x3B60];
	_ =	sdelay $0x7  }
0x22a: {  	[spmem:s2] =	stream.indirect_vreg.scatter.add.f32 [tilespmem:s9], [sflag:$0x4], $0x80, v0, vm0, $0xb8;
	[tilespmem:$0x1FF00] =	vst v63  }
0x22b: {  	v0 =	vld [tilespmem:$0x3B70];
	_ =	sdelay $0x7  }
0x22c: {  	[spmem:s2] =	stream.indirect_vreg.scatter.add.f32 [tilespmem:s10], [sflag:$0x4], $0x80, v0, vm0, $0xb8;
	[tilespmem:$0x1FF00] =	vst v63  }
0x22d: {  	v0 =	vld [tilespmem:$0x3B80];
	_ =	sdelay $0x7  }
0x22e: {  	[spmem:s2] =	stream.indirect_vreg.scatter.add.f32 [tilespmem:s11], [sflag:$0x4], $0x80, v0, vm0, $0xb8;
	[tilespmem:$0x1FF00] =	vst v63  }
0x22f: {  	v0 =	vld [tilespmem:$0x3B90];
	_ =	sdelay $0x7  }
0x230: {  	[spmem:s2] =	stream.indirect_vreg.scatter.add.f32 [tilespmem:s12], [sflag:$0x4], $0x80, v0, vm0, $0xb8;
	[tilespmem:$0x1FF00] =	vst v63  }
0x231: {  	_ =	swait.ge [sflag:s13], $0x3800  }
0x232: {  	[sflag:s13] =	ssyncset.done $0x0  }
0x233: {  	[sflag:s13] =	ssyncadd.s32 $0xFFFFC800  }
0x234: {  	[bflag:$0x0] =	sbarrier.arrive $0xFFFF  }
0x235: {  	s16 =	rddreg [dreg:$0x10]  }
0x236: {  	[hbm:s16], [sflag:s14] =	dma.local [spmem:s15], $0x2800  }
0x237: {  	_ =	swait.ge [sflag:s21], $0x2800  }
0x238: {  	s20 =	sadd.s32 $0x1, s20;
	s19 =	rddreg [dreg:$0x11]  }
0x239: {  	p0 =	sne.s32 s20, s19  }
.Ltmp5:
0x23a: {  	_ = 	snop;
	(pc) =	sbr.rel @p0 .LBB2_1-.Ltmp5, $3  }
0x23b: {  	[sflag:s21] =	ssyncset.done $0x0  }
0x23c: {  	[sflag:s21] =	ssyncadd.s32 $0xFFFFD800  }
0x23d: {  	[bflag:$0x0] =	sbarrier.arrive $0xFFFF;
	_ =	sdelay $0x1  }
0x23e: {  	_ =	sfence.sel $0x180000  }
0x23f: {  	[bflag:$0x0] =	sbarrier.arrive $0xFFFF  }
0x240: {  	_ =	strace $0x90000047  }
0x241: {  	s0 =	stileid.u32;
	[bflag:$0x2] =	sbarrier.arrive $0xFFFF  }
0x242: {  	p0 =	sne.s32 s0, $0x0;
	s0 =	rddreg [dreg:$0x3]  }
0x243: {  	s0 =	sadd.s32 @!p0 $0x100000, s0  }
0x244: {  	[sflag:s0] =	ssyncadd.tile.s32 @!p0 $0x1;
	_ =	shalt  }
.Lfunc_end2:
_tile_overlayer_lowered:
.L_overlay_start_2:
0x245: {  	(tag) =	ssettag $0x2  }
0x246: {  	s0 =	rddreg [dreg:$0x0];
	s2 =	stileid.u32  }
0x247: {  	s1 =	rddreg [dreg:$0x1];
	p0 =	sne.s32 s2, $0x0  }
0x248: {  	s3 =	rddreg [dreg:$0x2];
	[bflag:$0x3] =	sbarrier.arrive $0xFFFF;
	s2 =	simm.s32 @!p0 $0x1C05  }
0x249: {  	[timem:s3], [sflag:s2] =	dma.local @!p0 [hbm:s0], s1  }
0x24a: {  	s0 =	simm.s32 @!p0 $0x5  }
0x24b: {  	_ =	swait.ge @!p0 [sflag:s0], s1  }
0x24c: {  	s1 =	ssub.s32 @!p0 $0x0, s1;
	[sflag:s0] =	ssyncset.done @!p0 $0x0  }
0x24d: {  	[sflag:s0] =	ssyncadd.s32 @!p0 s1  }
0x24e: {  	[bflag:$0x3] =	sbarrier.arrive $0xFFFF  }
0x24f: {  	_ =	shalt  }

</sc_bundles>
